<compile_context>
chip_gen: v7x
topology: tpu7x:2x2x1
jax: 0.10.2.dev20260603
libtpu: 0.0.44.dev20260713+nightly
codegen_flags: <defaults>
</compile_context>

<pallas_src>
import functools

import jax
import jax.numpy as jnp
from jax import lax
from jax.experimental import pallas as pl
from jax.experimental.pallas import tpu as pltpu
from jax.experimental.pallas import tpu_sc as plsc

_NUM_CORES = 2
_NUM_SUBCORES = 16
_NW = _NUM_CORES * _NUM_SUBCORES

_G = 40
_K = 4


def _make_gather_kernel(batch: int, seq: int, d: int):
    rows_per_w = batch // _NW
    chunks_per_row = seq // _G
    n_chunks = rows_per_w * chunks_per_row
    n_groups = n_chunks // _K
    assert batch % _NW == 0 and seq % _G == 0
    assert n_chunks % _K == 0 and n_groups % 2 == 0 and n_groups >= 4
    mesh = plsc.VectorSubcoreMesh(core_axis_name="c", subcore_axis_name="s")

    @functools.partial(
        pl.kernel,
        mesh=mesh,
        out_type=jax.ShapeDtypeStruct((batch, seq, 128), jnp.float32),
        scratch_types=[
            pltpu.VMEM((rows_per_w, seq), jnp.int32),
            pltpu.VMEM((2 * _K, _G, d), jnp.float32),
            pltpu.SemaphoreType.DMA((2 * _K,)),
            pltpu.SemaphoreType.DMA((2 * _K,)),
        ],
        compiler_params=pltpu.CompilerParams(use_tc_tiling_on_sc=False),
    )
    def k(idx_hbm, table_hbm, out_hbm, idx_v, rows_v, gsem, osem):
        wid = lax.axis_index("s") * _NUM_CORES + lax.axis_index("c")
        row0 = wid * rows_per_w
        pltpu.sync_copy(idx_hbm.at[pl.ds(row0, rows_per_w)], idx_v)

        def chunk_coords(c):
            r = c // chunks_per_row
            j = c % chunks_per_row
            return r, j * _G

        def fire_gather(i, s):
            for b in range(_K):
                r, col = chunk_coords(i * _K + b)
                pltpu.async_copy(
                    table_hbm.at[idx_v.at[r, pl.ds(col, _G)]],
                    rows_v.at[s * _K + b],
                    gsem.at[s * _K + b],
                )

        def drain_gather(i, s):
            for b in range(_K):
                r, col = chunk_coords(i * _K + b)
                pltpu.make_async_copy(
                    table_hbm.at[idx_v.at[r, pl.ds(col, _G)]],
                    rows_v.at[s * _K + b],
                    gsem.at[s * _K + b],
                ).wait()

        def fire_out(i, s):
            for b in range(_K):
                r, col = chunk_coords(i * _K + b)
                pltpu.async_copy(
                    rows_v.at[s * _K + b],
                    out_hbm.at[row0 + r, pl.ds(col, _G), pl.ds(0, d)],
                    osem.at[s * _K + b],
                )

        def drain_out(i, s):
            for b in range(_K):
                r, col = chunk_coords(i * _K + b)
                pltpu.make_async_copy(
                    rows_v.at[s * _K + b],
                    out_hbm.at[row0 + r, pl.ds(col, _G), pl.ds(0, d)],
                    osem.at[s * _K + b],
                ).wait()

        fire_gather(0, 0)
        fire_gather(1, 1)
        drain_gather(0, 0)
        fire_out(0, 0)

        def steady(i2, carry):
            for g in range(2):
                i = 2 * i2 + 1 + g
                s = (1 + g) % 2
                s1 = 1 - s
                drain_out(i - 1, s1)
                fire_gather(i + 1, s1)
                drain_gather(i, s)
                fire_out(i, s)
            return carry

        lax.fori_loop(0, (n_groups - 2) // 2, steady, 0)

        last = n_groups - 1
        s_last = last % 2
        drain_gather(last, s_last)
        fire_out(last, s_last)
        drain_out(last - 1, 1 - s_last)
        drain_out(last, s_last)

    return k


def kernel(x, weight):
    batch, seq = x.shape
    d = weight.shape[1]
    return _make_gather_kernel(batch, seq, d)(x, weight)[..., :d]

# --- scband reference (transcript-rebuilt; emitter-appended) ---
"""Pipeline reference for scband-static-embedding-59725815218180 (READ-ONLY COPY).

The authoritative reference and input builder live on the scoring server;
editing this copy changes nothing except your own understanding.
"""

import jax, jax.numpy as jnp
import numpy as np

VOCAB = 1000000
EMBED_DIM = 64
BATCH = 4096
SEQ = 200
PADDING_IDX = 0

def setup_inputs(seed: int = 0) -> dict:
    key = jax.random.key(seed)
    k1, k2 = jax.random.split(key)
    x = jax.random.randint(k1, (BATCH, SEQ), 0, VOCAB, dtype=jnp.int64) if jax.config.jax_enable_x64 else jax.random.randint(k1, (BATCH, SEQ), 0, VOCAB, dtype=jnp.int32)
    weight = jax.random.normal(k2, (VOCAB, EMBED_DIM), dtype=jnp.float32)
    # nn.Embedding zeroes the padding_idx row at init
    weight = weight.at[PADDING_IDX].set(0.0)
    return {"x": x, "weight": weight}

def reference(x, weight):
    # StaticEmbedding.forward: self.embedding(x) -> gather rows from table
    return jnp.take(weight, x, axis=0)

if __name__ == "__main__":
    import jax
    _d = setup_inputs()
    print(jax.jit(kernel)(*tuple(_d.values())))

</pallas_src>

<mosaic_0001>
#map = affine_map<(d0, d1) -> (0, 0)>
#map1 = affine_map<(d0, d1) -> (0, 0, 0)>
module attributes {stable_mosaic.version = 14 : i64} {
  func.func @k(%arg0: i32, %arg1: i32, %arg2: memref<4096x200xi32, #tpu.memory_space<hbm>>, %arg3: memref<1000000x64xf32, #tpu.memory_space<hbm>>, %arg4: memref<4096x200x128xf32, #tpu.memory_space<hbm>>, %arg5: memref<128x200xi32, #tpu.memory_space<vmem>>, %arg6: memref<8x40x64xf32, #tpu.memory_space<vmem>>, %arg7: memref<8x!tpu.dma_semaphore, #tpu.memory_space<semaphore_mem>>, %arg8: memref<8x!tpu.dma_semaphore, #tpu.memory_space<semaphore_mem>>) attributes {dimension_semantics = [#tpu.dimension_semantics<core_parallel>, #tpu.dimension_semantics<subcore_parallel>], iteration_bounds = array<i64: 2, 16>, scalar_prefetch = 0 : i64, scratch_operands = 4 : i64, tpu.core_type = #tpu.core_type<sc_vector_subcore>, window_params = [{transform_indices = #map}, {transform_indices = #map}, {transform_indices = #map1}]} {
    %mul3A = arith.constant 2 : i32
    %mul3A_0 = arith.muli %arg1, %mul3A : i32
    %add3A = arith.addi %mul3A_0, %arg0 : i32
    %mul3A_1 = arith.constant 128 : i32
    %mul3A_2 = arith.muli %add3A, %mul3A_1 : i32
    "tpu.region"() ({
      %run_scoped3A = tpu.sem_alloc : memref<!tpu.dma_semaphore, #tpu.memory_space<semaphore_mem>>
      %dma_start3A_598 = arith.constant 0 : i32
      %dma_start3A_599 = tpu.memref_slice %arg2[%mul3A_2, %dma_start3A_598] : memref<4096x200xi32, #tpu.memory_space<hbm>> -> memref<128x200xi32, #tpu.memory_space<hbm>>
      %dma_start3A_600 = arith.constant 0 : i32
      %dma_start3A_601 = tpu.memref_slice %arg2[%mul3A_2, %dma_start3A_600] : memref<4096x200xi32, #tpu.memory_space<hbm>> -> memref<128x200xi32, #tpu.memory_space<hbm>>
      tpu.enqueue_dma source(%dma_start3A_601 : memref<128x200xi32, #tpu.memory_space<hbm>>) target(%arg5 : memref<128x200xi32, #tpu.memory_space<vmem>>) target_semaphore(%run_scoped3A : memref<!tpu.dma_semaphore, #tpu.memory_space<semaphore_mem>>)
      %dma_wait3A_602 = arith.constant 0 : i32
      %dma_wait3A_603 = tpu.memref_slice %arg2[%mul3A_2, %dma_wait3A_602] : memref<4096x200xi32, #tpu.memory_space<hbm>> -> memref<128x200xi32, #tpu.memory_space<hbm>>
      %dma_wait3A_604 = arith.constant 0 : i32
      %dma_wait3A_605 = tpu.memref_slice %arg2[%mul3A_2, %dma_wait3A_604] : memref<4096x200xi32, #tpu.memory_space<hbm>> -> memref<128x200xi32, #tpu.memory_space<hbm>>
      tpu.wait_dma2 semaphore(%run_scoped3A : memref<!tpu.dma_semaphore, #tpu.memory_space<semaphore_mem>>) src(%dma_wait3A_605 : memref<128x200xi32, #tpu.memory_space<hbm>>) dst(%arg5 : memref<128x200xi32, #tpu.memory_space<vmem>>)
      tpu.yield
    }) : () -> ()
    %dma_start3A = arith.constant 0 : i32
    %dma_start3A_3 = arith.constant 0 : i32
    %dma_start3A_4 = arith.constant 0 : i32
    %dma_start3A_5 = arith.constant 0 : i32
    %dma_start3A_6 = arith.constant 0 : i32
    %dma_start3A_7 = tpu.memref_slice %arg6[%dma_start3A_3, %dma_start3A_5, %dma_start3A_6] : memref<8x40x64xf32, #tpu.memory_space<vmem>> -> memref<1x40x64xf32, #tpu.memory_space<vmem>>
    %dma_start3A_8 = tpu.memref_squeeze %dma_start3A_7 : memref<1x40x64xf32, #tpu.memory_space<vmem>> -> memref<40x64xf32, #tpu.memory_space<vmem>>
    %dma_start3A_9 = arith.constant 0 : i32
    %dma_start3A_10 = tpu.memref_slice %arg5[%dma_start3A, %dma_start3A_9] : memref<128x200xi32, #tpu.memory_space<vmem>> -> memref<1x40xi32, #tpu.memory_space<vmem>>
    %dma_start3A_11 = tpu.memref_squeeze %dma_start3A_10 : memref<1x40xi32, #tpu.memory_space<vmem>> -> memref<40xi32, #tpu.memory_space<vmem>>
    %dma_start3A_12 = arith.constant 0 : i32
    %dma_start3A_13 = arith.constant 0 : i32
    %dma_start3A_14 = tpu.memref_slice %arg3[%dma_start3A_12, %dma_start3A_13] : memref<1000000x64xf32, #tpu.memory_space<hbm>> -> memref<1000000x64xf32, #tpu.memory_space<hbm>>
    %dma_start3A_15 = tpu.memref_slice %arg7[%dma_start3A_4] : memref<8x!tpu.dma_semaphore, #tpu.memory_space<semaphore_mem>> -> memref<1x!tpu.dma_semaphore, #tpu.memory_space<semaphore_mem>>
    %dma_start3A_16 = tpu.memref_squeeze %dma_start3A_15 : memref<1x!tpu.dma_semaphore, #tpu.memory_space<semaphore_mem>> -> memref<!tpu.dma_semaphore, #tpu.memory_space<semaphore_mem>>
    tpu.enqueue_indirect_dma source(%dma_start3A_14 : memref<1000000x64xf32, #tpu.memory_space<hbm>>) target(%dma_start3A_8 : memref<40x64xf32, #tpu.memory_space<vmem>>) offsets(%dma_start3A_11 : memref<40xi32, #tpu.memory_space<vmem>>) semaphore(%dma_start3A_16 : memref<!tpu.dma_semaphore, #tpu.memory_space<semaphore_mem>>)
    %dma_start3A_17 = arith.constant 0 : i32
    %dma_start3A_18 = arith.constant 1 : i32
    %dma_start3A_19 = arith.constant 1 : i32
    %dma_start3A_20 = arith.constant 0 : i32
    %dma_start3A_21 = arith.constant 0 : i32
    %dma_start3A_22 = tpu.memref_slice %arg6[%dma_start3A_18, %dma_start3A_20, %dma_start3A_21] : memref<8x40x64xf32, #tpu.memory_space<vmem>> -> memref<1x40x64xf32, #tpu.memory_space<vmem>>
    %dma_start3A_23 = tpu.memref_squeeze %dma_start3A_22 : memref<1x40x64xf32, #tpu.memory_space<vmem>> -> memref<40x64xf32, #tpu.memory_space<vmem>>
    %dma_start3A_24 = arith.constant 40 : i32
    %dma_start3A_25 = tpu.memref_slice %arg5[%dma_start3A_17, %dma_start3A_24] : memref<128x200xi32, #tpu.memory_space<vmem>> -> memref<1x40xi32, #tpu.memory_space<vmem>>
    %dma_start3A_26 = tpu.memref_squeeze %dma_start3A_25 : memref<1x40xi32, #tpu.memory_space<vmem>> -> memref<40xi32, #tpu.memory_space<vmem>>
    %dma_start3A_27 = arith.constant 0 : i32
    %dma_start3A_28 = arith.constant 0 : i32
    %dma_start3A_29 = tpu.memref_slice %arg3[%dma_start3A_27, %dma_start3A_28] : memref<1000000x64xf32, #tpu.memory_space<hbm>> -> memref<1000000x64xf32, #tpu.memory_space<hbm>>
    %dma_start3A_30 = tpu.memref_slice %arg7[%dma_start3A_19] : memref<8x!tpu.dma_semaphore, #tpu.memory_space<semaphore_mem>> -> memref<1x!tpu.dma_semaphore, #tpu.memory_space<semaphore_mem>>
    %dma_start3A_31 = tpu.memref_squeeze %dma_start3A_30 : memref<1x!tpu.dma_semaphore, #tpu.memory_space<semaphore_mem>> -> memref<!tpu.dma_semaphore, #tpu.memory_space<semaphore_mem>>
    tpu.enqueue_indirect_dma source(%dma_start3A_29 : memref<1000000x64xf32, #tpu.memory_space<hbm>>) target(%dma_start3A_23 : memref<40x64xf32, #tpu.memory_space<vmem>>) offsets(%dma_start3A_26 : memref<40xi32, #tpu.memory_space<vmem>>) semaphore(%dma_start3A_31 : memref<!tpu.dma_semaphore, #tpu.memory_space<semaphore_mem>>)
    %dma_start3A_32 = arith.constant 0 : i32
    %dma_start3A_33 = arith.constant 2 : i32
    %dma_start3A_34 = arith.constant 2 : i32
    %dma_start3A_35 = arith.constant 0 : i32
    %dma_start3A_36 = arith.constant 0 : i32
    %dma_start3A_37 = tpu.memref_slice %arg6[%dma_start3A_33, %dma_start3A_35, %dma_start3A_36] : memref<8x40x64xf32, #tpu.memory_space<vmem>> -> memref<1x40x64xf32, #tpu.memory_space<vmem>>
    %dma_start3A_38 = tpu.memref_squeeze %dma_start3A_37 : memref<1x40x64xf32, #tpu.memory_space<vmem>> -> memref<40x64xf32, #tpu.memory_space<vmem>>
    %dma_start3A_39 = arith.constant 80 : i32
    %dma_start3A_40 = tpu.memref_slice %arg5[%dma_start3A_32, %dma_start3A_39] : memref<128x200xi32, #tpu.memory_space<vmem>> -> memref<1x40xi32, #tpu.memory_space<vmem>>
    %dma_start3A_41 = tpu.memref_squeeze %dma_start3A_40 : memref<1x40xi32, #tpu.memory_space<vmem>> -> memref<40xi32, #tpu.memory_space<vmem>>
    %dma_start3A_42 = arith.constant 0 : i32
    %dma_start3A_43 = arith.constant 0 : i32
    %dma_start3A_44 = tpu.memref_slice %arg3[%dma_start3A_42, %dma_start3A_43] : memref<1000000x64xf32, #tpu.memory_space<hbm>> -> memref<1000000x64xf32, #tpu.memory_space<hbm>>
    %dma_start3A_45 = tpu.memref_slice %arg7[%dma_start3A_34] : memref<8x!tpu.dma_semaphore, #tpu.memory_space<semaphore_mem>> -> memref<1x!tpu.dma_semaphore, #tpu.memory_space<semaphore_mem>>
    %dma_start3A_46 = tpu.memref_squeeze %dma_start3A_45 : memref<1x!tpu.dma_semaphore, #tpu.memory_space<semaphore_mem>> -> memref<!tpu.dma_semaphore, #tpu.memory_space<semaphore_mem>>
    tpu.enqueue_indirect_dma source(%dma_start3A_44 : memref<1000000x64xf32, #tpu.memory_space<hbm>>) target(%dma_start3A_38 : memref<40x64xf32, #tpu.memory_space<vmem>>) offsets(%dma_start3A_41 : memref<40xi32, #tpu.memory_space<vmem>>) semaphore(%dma_start3A_46 : memref<!tpu.dma_semaphore, #tpu.memory_space<semaphore_mem>>)
    %dma_start3A_47 = arith.constant 0 : i32
    %dma_start3A_48 = arith.constant 3 : i32
    %dma_start3A_49 = arith.constant 3 : i32
    %dma_start3A_50 = arith.constant 0 : i32
    %dma_start3A_51 = arith.constant 0 : i32
    %dma_start3A_52 = tpu.memref_slice %arg6[%dma_start3A_48, %dma_start3A_50, %dma_start3A_51] : memref<8x40x64xf32, #tpu.memory_space<vmem>> -> memref<1x40x64xf32, #tpu.memory_space<vmem>>
    %dma_start3A_53 = tpu.memref_squeeze %dma_start3A_52 : memref<1x40x64xf32, #tpu.memory_space<vmem>> -> memref<40x64xf32, #tpu.memory_space<vmem>>
    %dma_start3A_54 = arith.constant 120 : i32
    %dma_start3A_55 = tpu.memref_slice %arg5[%dma_start3A_47, %dma_start3A_54] : memref<128x200xi32, #tpu.memory_space<vmem>> -> memref<1x40xi32, #tpu.memory_space<vmem>>
    %dma_start3A_56 = tpu.memref_squeeze %dma_start3A_55 : memref<1x40xi32, #tpu.memory_space<vmem>> -> memref<40xi32, #tpu.memory_space<vmem>>
    %dma_start3A_57 = arith.constant 0 : i32
    %dma_start3A_58 = arith.constant 0 : i32
    %dma_start3A_59 = tpu.memref_slice %arg3[%dma_start3A_57, %dma_start3A_58] : memref<1000000x64xf32, #tpu.memory_space<hbm>> -> memref<1000000x64xf32, #tpu.memory_space<hbm>>
    %dma_start3A_60 = tpu.memref_slice %arg7[%dma_start3A_49] : memref<8x!tpu.dma_semaphore, #tpu.memory_space<semaphore_mem>> -> memref<1x!tpu.dma_semaphore, #tpu.memory_space<semaphore_mem>>
    %dma_start3A_61 = tpu.memref_squeeze %dma_start3A_60 : memref<1x!tpu.dma_semaphore, #tpu.memory_space<semaphore_mem>> -> memref<!tpu.dma_semaphore, #tpu.memory_space<semaphore_mem>>
    tpu.enqueue_indirect_dma source(%dma_start3A_59 : memref<1000000x64xf32, #tpu.memory_space<hbm>>) target(%dma_start3A_53 : memref<40x64xf32, #tpu.memory_space<vmem>>) offsets(%dma_start3A_56 : memref<40xi32, #tpu.memory_space<vmem>>) semaphore(%dma_start3A_61 : memref<!tpu.dma_semaphore, #tpu.memory_space<semaphore_mem>>)
    %dma_start3A_62 = arith.constant 0 : i32
    %dma_start3A_63 = arith.constant 4 : i32
    %dma_start3A_64 = arith.constant 4 : i32
    %dma_start3A_65 = arith.constant 0 : i32
    %dma_start3A_66 = arith.constant 0 : i32
    %dma_start3A_67 = tpu.memref_slice %arg6[%dma_start3A_63, %dma_start3A_65, %dma_start3A_66] : memref<8x40x64xf32, #tpu.memory_space<vmem>> -> memref<1x40x64xf32, #tpu.memory_space<vmem>>
    %dma_start3A_68 = tpu.memref_squeeze %dma_start3A_67 : memref<1x40x64xf32, #tpu.memory_space<vmem>> -> memref<40x64xf32, #tpu.memory_space<vmem>>
    %dma_start3A_69 = arith.constant 160 : i32
    %dma_start3A_70 = tpu.memref_slice %arg5[%dma_start3A_62, %dma_start3A_69] : memref<128x200xi32, #tpu.memory_space<vmem>> -> memref<1x40xi32, #tpu.memory_space<vmem>>
    %dma_start3A_71 = tpu.memref_squeeze %dma_start3A_70 : memref<1x40xi32, #tpu.memory_space<vmem>> -> memref<40xi32, #tpu.memory_space<vmem>>
    %dma_start3A_72 = arith.constant 0 : i32
    %dma_start3A_73 = arith.constant 0 : i32
    %dma_start3A_74 = tpu.memref_slice %arg3[%dma_start3A_72, %dma_start3A_73] : memref<1000000x64xf32, #tpu.memory_space<hbm>> -> memref<1000000x64xf32, #tpu.memory_space<hbm>>
    %dma_start3A_75 = tpu.memref_slice %arg7[%dma_start3A_64] : memref<8x!tpu.dma_semaphore, #tpu.memory_space<semaphore_mem>> -> memref<1x!tpu.dma_semaphore, #tpu.memory_space<semaphore_mem>>
    %dma_start3A_76 = tpu.memref_squeeze %dma_start3A_75 : memref<1x!tpu.dma_semaphore, #tpu.memory_space<semaphore_mem>> -> memref<!tpu.dma_semaphore, #tpu.memory_space<semaphore_mem>>
    tpu.enqueue_indirect_dma source(%dma_start3A_74 : memref<1000000x64xf32, #tpu.memory_space<hbm>>) target(%dma_start3A_68 : memref<40x64xf32, #tpu.memory_space<vmem>>) offsets(%dma_start3A_71 : memref<40xi32, #tpu.memory_space<vmem>>) semaphore(%dma_start3A_76 : memref<!tpu.dma_semaphore, #tpu.memory_space<semaphore_mem>>)
    %dma_start3A_77 = arith.constant 1 : i32
    %dma_start3A_78 = arith.constant 5 : i32
    %dma_start3A_79 = arith.constant 5 : i32
    %dma_start3A_80 = arith.constant 0 : i32
    %dma_start3A_81 = arith.constant 0 : i32
    %dma_start3A_82 = tpu.memref_slice %arg6[%dma_start3A_78, %dma_start3A_80, %dma_start3A_81] : memref<8x40x64xf32, #tpu.memory_space<vmem>> -> memref<1x40x64xf32, #tpu.memory_space<vmem>>
    %dma_start3A_83 = tpu.memref_squeeze %dma_start3A_82 : memref<1x40x64xf32, #tpu.memory_space<vmem>> -> memref<40x64xf32, #tpu.memory_space<vmem>>
    %dma_start3A_84 = arith.constant 0 : i32
    %dma_start3A_85 = tpu.memref_slice %arg5[%dma_start3A_77, %dma_start3A_84] : memref<128x200xi32, #tpu.memory_space<vmem>> -> memref<1x40xi32, #tpu.memory_space<vmem>>
    %dma_start3A_86 = tpu.memref_squeeze %dma_start3A_85 : memref<1x40xi32, #tpu.memory_space<vmem>> -> memref<40xi32, #tpu.memory_space<vmem>>
    %dma_start3A_87 = arith.constant 0 : i32
    %dma_start3A_88 = arith.constant 0 : i32
    %dma_start3A_89 = tpu.memref_slice %arg3[%dma_start3A_87, %dma_start3A_88] : memref<1000000x64xf32, #tpu.memory_space<hbm>> -> memref<1000000x64xf32, #tpu.memory_space<hbm>>
    %dma_start3A_90 = tpu.memref_slice %arg7[%dma_start3A_79] : memref<8x!tpu.dma_semaphore, #tpu.memory_space<semaphore_mem>> -> memref<1x!tpu.dma_semaphore, #tpu.memory_space<semaphore_mem>>
    %dma_start3A_91 = tpu.memref_squeeze %dma_start3A_90 : memref<1x!tpu.dma_semaphore, #tpu.memory_space<semaphore_mem>> -> memref<!tpu.dma_semaphore, #tpu.memory_space<semaphore_mem>>
    tpu.enqueue_indirect_dma source(%dma_start3A_89 : memref<1000000x64xf32, #tpu.memory_space<hbm>>) target(%dma_start3A_83 : memref<40x64xf32, #tpu.memory_space<vmem>>) offsets(%dma_start3A_86 : memref<40xi32, #tpu.memory_space<vmem>>) semaphore(%dma_start3A_91 : memref<!tpu.dma_semaphore, #tpu.memory_space<semaphore_mem>>)
    %dma_start3A_92 = arith.constant 1 : i32
    %dma_start3A_93 = arith.constant 6 : i32
    %dma_start3A_94 = arith.constant 6 : i32
    %dma_start3A_95 = arith.constant 0 : i32
    %dma_start3A_96 = arith.constant 0 : i32
    %dma_start3A_97 = tpu.memref_slice %arg6[%dma_start3A_93, %dma_start3A_95, %dma_start3A_96] : memref<8x40x64xf32, #tpu.memory_space<vmem>> -> memref<1x40x64xf32, #tpu.memory_space<vmem>>
    %dma_start3A_98 = tpu.memref_squeeze %dma_start3A_97 : memref<1x40x64xf32, #tpu.memory_space<vmem>> -> memref<40x64xf32, #tpu.memory_space<vmem>>
    %dma_start3A_99 = arith.constant 40 : i32
    %dma_start3A_100 = tpu.memref_slice %arg5[%dma_start3A_92, %dma_start3A_99] : memref<128x200xi32, #tpu.memory_space<vmem>> -> memref<1x40xi32, #tpu.memory_space<vmem>>
    %dma_start3A_101 = tpu.memref_squeeze %dma_start3A_100 : memref<1x40xi32, #tpu.memory_space<vmem>> -> memref<40xi32, #tpu.memory_space<vmem>>
    %dma_start3A_102 = arith.constant 0 : i32
    %dma_start3A_103 = arith.constant 0 : i32
    %dma_start3A_104 = tpu.memref_slice %arg3[%dma_start3A_102, %dma_start3A_103] : memref<1000000x64xf32, #tpu.memory_space<hbm>> -> memref<1000000x64xf32, #tpu.memory_space<hbm>>
    %dma_start3A_105 = tpu.memref_slice %arg7[%dma_start3A_94] : memref<8x!tpu.dma_semaphore, #tpu.memory_space<semaphore_mem>> -> memref<1x!tpu.dma_semaphore, #tpu.memory_space<semaphore_mem>>
    %dma_start3A_106 = tpu.memref_squeeze %dma_start3A_105 : memref<1x!tpu.dma_semaphore, #tpu.memory_space<semaphore_mem>> -> memref<!tpu.dma_semaphore, #tpu.memory_space<semaphore_mem>>
    tpu.enqueue_indirect_dma source(%dma_start3A_104 : memref<1000000x64xf32, #tpu.memory_space<hbm>>) target(%dma_start3A_98 : memref<40x64xf32, #tpu.memory_space<vmem>>) offsets(%dma_start3A_101 : memref<40xi32, #tpu.memory_space<vmem>>) semaphore(%dma_start3A_106 : memref<!tpu.dma_semaphore, #tpu.memory_space<semaphore_mem>>)
    %dma_start3A_107 = arith.constant 1 : i32
    %dma_start3A_108 = arith.constant 7 : i32
    %dma_start3A_109 = arith.constant 7 : i32
    %dma_start3A_110 = arith.constant 0 : i32
    %dma_start3A_111 = arith.constant 0 : i32
    %dma_start3A_112 = tpu.memref_slice %arg6[%dma_start3A_108, %dma_start3A_110, %dma_start3A_111] : memref<8x40x64xf32, #tpu.memory_space<vmem>> -> memref<1x40x64xf32, #tpu.memory_space<vmem>>
    %dma_start3A_113 = tpu.memref_squeeze %dma_start3A_112 : memref<1x40x64xf32, #tpu.memory_space<vmem>> -> memref<40x64xf32, #tpu.memory_space<vmem>>
    %dma_start3A_114 = arith.constant 80 : i32
    %dma_start3A_115 = tpu.memref_slice %arg5[%dma_start3A_107, %dma_start3A_114] : memref<128x200xi32, #tpu.memory_space<vmem>> -> memref<1x40xi32, #tpu.memory_space<vmem>>
    %dma_start3A_116 = tpu.memref_squeeze %dma_start3A_115 : memref<1x40xi32, #tpu.memory_space<vmem>> -> memref<40xi32, #tpu.memory_space<vmem>>
    %dma_start3A_117 = arith.constant 0 : i32
    %dma_start3A_118 = arith.constant 0 : i32
    %dma_start3A_119 = tpu.memref_slice %arg3[%dma_start3A_117, %dma_start3A_118] : memref<1000000x64xf32, #tpu.memory_space<hbm>> -> memref<1000000x64xf32, #tpu.memory_space<hbm>>
    %dma_start3A_120 = tpu.memref_slice %arg7[%dma_start3A_109] : memref<8x!tpu.dma_semaphore, #tpu.memory_space<semaphore_mem>> -> memref<1x!tpu.dma_semaphore, #tpu.memory_space<semaphore_mem>>
    %dma_start3A_121 = tpu.memref_squeeze %dma_start3A_120 : memref<1x!tpu.dma_semaphore, #tpu.memory_space<semaphore_mem>> -> memref<!tpu.dma_semaphore, #tpu.memory_space<semaphore_mem>>
    tpu.enqueue_indirect_dma source(%dma_start3A_119 : memref<1000000x64xf32, #tpu.memory_space<hbm>>) target(%dma_start3A_113 : memref<40x64xf32, #tpu.memory_space<vmem>>) offsets(%dma_start3A_116 : memref<40xi32, #tpu.memory_space<vmem>>) semaphore(%dma_start3A_121 : memref<!tpu.dma_semaphore, #tpu.memory_space<semaphore_mem>>)
    %dma_wait3A = arith.constant 0 : i32
    %dma_wait3A_122 = arith.constant 0 : i32
    %dma_wait3A_123 = arith.constant 0 : i32
    %dma_wait3A_124 = arith.constant 0 : i32
    %dma_wait3A_125 = arith.constant 0 : i32
    %dma_wait3A_126 = tpu.memref_slice %arg6[%dma_wait3A_122, %dma_wait3A_124, %dma_wait3A_125] : memref<8x40x64xf32, #tpu.memory_space<vmem>> -> memref<1x40x64xf32, #tpu.memory_space<vmem>>
    %dma_wait3A_127 = tpu.memref_squeeze %dma_wait3A_126 : memref<1x40x64xf32, #tpu.memory_space<vmem>> -> memref<40x64xf32, #tpu.memory_space<vmem>>
    %dma_wait3A_128 = arith.constant 0 : i32
    %dma_wait3A_129 = tpu.memref_slice %arg5[%dma_wait3A, %dma_wait3A_128] : memref<128x200xi32, #tpu.memory_space<vmem>> -> memref<1x40xi32, #tpu.memory_space<vmem>>
    %dma_wait3A_130 = tpu.memref_squeeze %dma_wait3A_129 : memref<1x40xi32, #tpu.memory_space<vmem>> -> memref<40xi32, #tpu.memory_space<vmem>>
    %dma_wait3A_131 = arith.constant 0 : i32
    %dma_wait3A_132 = arith.constant 0 : i32
    %dma_wait3A_133 = tpu.memref_slice %arg3[%dma_wait3A_131, %dma_wait3A_132] : memref<1000000x64xf32, #tpu.memory_space<hbm>> -> memref<1000000x64xf32, #tpu.memory_space<hbm>>
    %dma_wait3A_134 = tpu.memref_slice %arg7[%dma_wait3A_123] : memref<8x!tpu.dma_semaphore, #tpu.memory_space<semaphore_mem>> -> memref<1x!tpu.dma_semaphore, #tpu.memory_space<semaphore_mem>>
    %dma_wait3A_135 = tpu.memref_squeeze %dma_wait3A_134 : memref<1x!tpu.dma_semaphore, #tpu.memory_space<semaphore_mem>> -> memref<!tpu.dma_semaphore, #tpu.memory_space<semaphore_mem>>
    tpu.wait_indirect_dma semaphore(%dma_wait3A_135 : memref<!tpu.dma_semaphore, #tpu.memory_space<semaphore_mem>>) src(%dma_wait3A_133 : memref<1000000x64xf32, #tpu.memory_space<hbm>>) dst(%dma_wait3A_127 : memref<40x64xf32, #tpu.memory_space<vmem>>)
    %dma_wait3A_136 = arith.constant 0 : i32
    %dma_wait3A_137 = arith.constant 1 : i32
    %dma_wait3A_138 = arith.constant 1 : i32
    %dma_wait3A_139 = arith.constant 0 : i32
    %dma_wait3A_140 = arith.constant 0 : i32
    %dma_wait3A_141 = tpu.memref_slice %arg6[%dma_wait3A_137, %dma_wait3A_139, %dma_wait3A_140] : memref<8x40x64xf32, #tpu.memory_space<vmem>> -> memref<1x40x64xf32, #tpu.memory_space<vmem>>
    %dma_wait3A_142 = tpu.memref_squeeze %dma_wait3A_141 : memref<1x40x64xf32, #tpu.memory_space<vmem>> -> memref<40x64xf32, #tpu.memory_space<vmem>>
    %dma_wait3A_143 = arith.constant 40 : i32
    %dma_wait3A_144 = tpu.memref_slice %arg5[%dma_wait3A_136, %dma_wait3A_143] : memref<128x200xi32, #tpu.memory_space<vmem>> -> memref<1x40xi32, #tpu.memory_space<vmem>>
    %dma_wait3A_145 = tpu.memref_squeeze %dma_wait3A_144 : memref<1x40xi32, #tpu.memory_space<vmem>> -> memref<40xi32, #tpu.memory_space<vmem>>
    %dma_wait3A_146 = arith.constant 0 : i32
    %dma_wait3A_147 = arith.constant 0 : i32
    %dma_wait3A_148 = tpu.memref_slice %arg3[%dma_wait3A_146, %dma_wait3A_147] : memref<1000000x64xf32, #tpu.memory_space<hbm>> -> memref<1000000x64xf32, #tpu.memory_space<hbm>>
    %dma_wait3A_149 = tpu.memref_slice %arg7[%dma_wait3A_138] : memref<8x!tpu.dma_semaphore, #tpu.memory_space<semaphore_mem>> -> memref<1x!tpu.dma_semaphore, #tpu.memory_space<semaphore_mem>>
    %dma_wait3A_150 = tpu.memref_squeeze %dma_wait3A_149 : memref<1x!tpu.dma_semaphore, #tpu.memory_space<semaphore_mem>> -> memref<!tpu.dma_semaphore, #tpu.memory_space<semaphore_mem>>
    tpu.wait_indirect_dma semaphore(%dma_wait3A_150 : memref<!tpu.dma_semaphore, #tpu.memory_space<semaphore_mem>>) src(%dma_wait3A_148 : memref<1000000x64xf32, #tpu.memory_space<hbm>>) dst(%dma_wait3A_142 : memref<40x64xf32, #tpu.memory_space<vmem>>)
    %dma_wait3A_151 = arith.constant 0 : i32
    %dma_wait3A_152 = arith.constant 2 : i32
    %dma_wait3A_153 = arith.constant 2 : i32
    %dma_wait3A_154 = arith.constant 0 : i32
    %dma_wait3A_155 = arith.constant 0 : i32
    %dma_wait3A_156 = tpu.memref_slice %arg6[%dma_wait3A_152, %dma_wait3A_154, %dma_wait3A_155] : memref<8x40x64xf32, #tpu.memory_space<vmem>> -> memref<1x40x64xf32, #tpu.memory_space<vmem>>
    %dma_wait3A_157 = tpu.memref_squeeze %dma_wait3A_156 : memref<1x40x64xf32, #tpu.memory_space<vmem>> -> memref<40x64xf32, #tpu.memory_space<vmem>>
    %dma_wait3A_158 = arith.constant 80 : i32
    %dma_wait3A_159 = tpu.memref_slice %arg5[%dma_wait3A_151, %dma_wait3A_158] : memref<128x200xi32, #tpu.memory_space<vmem>> -> memref<1x40xi32, #tpu.memory_space<vmem>>
    %dma_wait3A_160 = tpu.memref_squeeze %dma_wait3A_159 : memref<1x40xi32, #tpu.memory_space<vmem>> -> memref<40xi32, #tpu.memory_space<vmem>>
    %dma_wait3A_161 = arith.constant 0 : i32
    %dma_wait3A_162 = arith.constant 0 : i32
    %dma_wait3A_163 = tpu.memref_slice %arg3[%dma_wait3A_161, %dma_wait3A_162] : memref<1000000x64xf32, #tpu.memory_space<hbm>> -> memref<1000000x64xf32, #tpu.memory_space<hbm>>
    %dma_wait3A_164 = tpu.memref_slice %arg7[%dma_wait3A_153] : memref<8x!tpu.dma_semaphore, #tpu.memory_space<semaphore_mem>> -> memref<1x!tpu.dma_semaphore, #tpu.memory_space<semaphore_mem>>
    %dma_wait3A_165 = tpu.memref_squeeze %dma_wait3A_164 : memref<1x!tpu.dma_semaphore, #tpu.memory_space<semaphore_mem>> -> memref<!tpu.dma_semaphore, #tpu.memory_space<semaphore_mem>>
    tpu.wait_indirect_dma semaphore(%dma_wait3A_165 : memref<!tpu.dma_semaphore, #tpu.memory_space<semaphore_mem>>) src(%dma_wait3A_163 : memref<1000000x64xf32, #tpu.memory_space<hbm>>) dst(%dma_wait3A_157 : memref<40x64xf32, #tpu.memory_space<vmem>>)
    %dma_wait3A_166 = arith.constant 0 : i32
    %dma_wait3A_167 = arith.constant 3 : i32
    %dma_wait3A_168 = arith.constant 3 : i32
    %dma_wait3A_169 = arith.constant 0 : i32
    %dma_wait3A_170 = arith.constant 0 : i32
    %dma_wait3A_171 = tpu.memref_slice %arg6[%dma_wait3A_167, %dma_wait3A_169, %dma_wait3A_170] : memref<8x40x64xf32, #tpu.memory_space<vmem>> -> memref<1x40x64xf32, #tpu.memory_space<vmem>>
    %dma_wait3A_172 = tpu.memref_squeeze %dma_wait3A_171 : memref<1x40x64xf32, #tpu.memory_space<vmem>> -> memref<40x64xf32, #tpu.memory_space<vmem>>
    %dma_wait3A_173 = arith.constant 120 : i32
    %dma_wait3A_174 = tpu.memref_slice %arg5[%dma_wait3A_166, %dma_wait3A_173] : memref<128x200xi32, #tpu.memory_space<vmem>> -> memref<1x40xi32, #tpu.memory_space<vmem>>
    %dma_wait3A_175 = tpu.memref_squeeze %dma_wait3A_174 : memref<1x40xi32, #tpu.memory_space<vmem>> -> memref<40xi32, #tpu.memory_space<vmem>>
    %dma_wait3A_176 = arith.constant 0 : i32
    %dma_wait3A_177 = arith.constant 0 : i32
    %dma_wait3A_178 = tpu.memref_slice %arg3[%dma_wait3A_176, %dma_wait3A_177] : memref<1000000x64xf32, #tpu.memory_space<hbm>> -> memref<1000000x64xf32, #tpu.memory_space<hbm>>
    %dma_wait3A_179 = tpu.memref_slice %arg7[%dma_wait3A_168] : memref<8x!tpu.dma_semaphore, #tpu.memory_space<semaphore_mem>> -> memref<1x!tpu.dma_semaphore, #tpu.memory_space<semaphore_mem>>
    %dma_wait3A_180 = tpu.memref_squeeze %dma_wait3A_179 : memref<1x!tpu.dma_semaphore, #tpu.memory_space<semaphore_mem>> -> memref<!tpu.dma_semaphore, #tpu.memory_space<semaphore_mem>>
    tpu.wait_indirect_dma semaphore(%dma_wait3A_180 : memref<!tpu.dma_semaphore, #tpu.memory_space<semaphore_mem>>) src(%dma_wait3A_178 : memref<1000000x64xf32, #tpu.memory_space<hbm>>) dst(%dma_wait3A_172 : memref<40x64xf32, #tpu.memory_space<vmem>>)
    %add3A_181 = arith.constant 0 : i32
    %add3A_182 = arith.addi %mul3A_2, %add3A_181 : i32
    %dma_start3A_183 = arith.constant 0 : i32
    %dma_start3A_184 = arith.constant 0 : i32
    %dma_start3A_185 = arith.constant 0 : i32
    %dma_start3A_186 = arith.constant 0 : i32
    %dma_start3A_187 = tpu.memref_slice %arg6[%dma_start3A_183, %dma_start3A_185, %dma_start3A_186] : memref<8x40x64xf32, #tpu.memory_space<vmem>> -> memref<1x40x64xf32, #tpu.memory_space<vmem>>
    %dma_start3A_188 = tpu.memref_squeeze %dma_start3A_187 : memref<1x40x64xf32, #tpu.memory_space<vmem>> -> memref<40x64xf32, #tpu.memory_space<vmem>>
    %dma_start3A_189 = arith.constant 0 : i32
    %dma_start3A_190 = arith.constant 0 : i32
    %dma_start3A_191 = tpu.memref_slice %arg4[%add3A_182, %dma_start3A_189, %dma_start3A_190] : memref<4096x200x128xf32, #tpu.memory_space<hbm>> -> memref<1x40x64xf32, #tpu.memory_space<hbm>>
    %dma_start3A_192 = tpu.memref_squeeze %dma_start3A_191 : memref<1x40x64xf32, #tpu.memory_space<hbm>> -> memref<40x64xf32, #tpu.memory_space<hbm>>
    %dma_start3A_193 = tpu.memref_slice %arg8[%dma_start3A_184] : memref<8x!tpu.dma_semaphore, #tpu.memory_space<semaphore_mem>> -> memref<1x!tpu.dma_semaphore, #tpu.memory_space<semaphore_mem>>
    %dma_start3A_194 = tpu.memref_squeeze %dma_start3A_193 : memref<1x!tpu.dma_semaphore, #tpu.memory_space<semaphore_mem>> -> memref<!tpu.dma_semaphore, #tpu.memory_space<semaphore_mem>>
    %dma_start3A_195 = arith.constant 0 : i32
    %dma_start3A_196 = arith.constant 0 : i32
    %dma_start3A_197 = tpu.memref_slice %arg4[%add3A_182, %dma_start3A_195, %dma_start3A_196] : memref<4096x200x128xf32, #tpu.memory_space<hbm>> -> memref<1x40x64xf32, #tpu.memory_space<hbm>>
    %dma_start3A_198 = tpu.memref_squeeze %dma_start3A_197 : memref<1x40x64xf32, #tpu.memory_space<hbm>> -> memref<40x64xf32, #tpu.memory_space<hbm>>
    %dma_start3A_199 = arith.constant 0 : i32
    %dma_start3A_200 = arith.constant 0 : i32
    %dma_start3A_201 = tpu.memref_slice %arg6[%dma_start3A_183, %dma_start3A_199, %dma_start3A_200] : memref<8x40x64xf32, #tpu.memory_space<vmem>> -> memref<1x40x64xf32, #tpu.memory_space<vmem>>
    %dma_start3A_202 = tpu.memref_squeeze %dma_start3A_201 : memref<1x40x64xf32, #tpu.memory_space<vmem>> -> memref<40x64xf32, #tpu.memory_space<vmem>>
    tpu.enqueue_dma source(%dma_start3A_202 : memref<40x64xf32, #tpu.memory_space<vmem>>) target(%dma_start3A_198 : memref<40x64xf32, #tpu.memory_space<hbm>>) target_semaphore(%dma_start3A_194 : memref<!tpu.dma_semaphore, #tpu.memory_space<semaphore_mem>>)
    %add3A_203 = arith.constant 0 : i32
    %add3A_204 = arith.addi %mul3A_2, %add3A_203 : i32
    %dma_start3A_205 = arith.constant 1 : i32
    %dma_start3A_206 = arith.constant 1 : i32
    %dma_start3A_207 = arith.constant 0 : i32
    %dma_start3A_208 = arith.constant 0 : i32
    %dma_start3A_209 = tpu.memref_slice %arg6[%dma_start3A_205, %dma_start3A_207, %dma_start3A_208] : memref<8x40x64xf32, #tpu.memory_space<vmem>> -> memref<1x40x64xf32, #tpu.memory_space<vmem>>
    %dma_start3A_210 = tpu.memref_squeeze %dma_start3A_209 : memref<1x40x64xf32, #tpu.memory_space<vmem>> -> memref<40x64xf32, #tpu.memory_space<vmem>>
    %dma_start3A_211 = arith.constant 40 : i32
    %dma_start3A_212 = arith.constant 0 : i32
    %dma_start3A_213 = tpu.memref_slice %arg4[%add3A_204, %dma_start3A_211, %dma_start3A_212] : memref<4096x200x128xf32, #tpu.memory_space<hbm>> -> memref<1x40x64xf32, #tpu.memory_space<hbm>>
    %dma_start3A_214 = tpu.memref_squeeze %dma_start3A_213 : memref<1x40x64xf32, #tpu.memory_space<hbm>> -> memref<40x64xf32, #tpu.memory_space<hbm>>
    %dma_start3A_215 = tpu.memref_slice %arg8[%dma_start3A_206] : memref<8x!tpu.dma_semaphore, #tpu.memory_space<semaphore_mem>> -> memref<1x!tpu.dma_semaphore, #tpu.memory_space<semaphore_mem>>
    %dma_start3A_216 = tpu.memref_squeeze %dma_start3A_215 : memref<1x!tpu.dma_semaphore, #tpu.memory_space<semaphore_mem>> -> memref<!tpu.dma_semaphore, #tpu.memory_space<semaphore_mem>>
    %dma_start3A_217 = arith.constant 40 : i32
    %dma_start3A_218 = arith.constant 0 : i32
    %dma_start3A_219 = tpu.memref_slice %arg4[%add3A_204, %dma_start3A_217, %dma_start3A_218] : memref<4096x200x128xf32, #tpu.memory_space<hbm>> -> memref<1x40x64xf32, #tpu.memory_space<hbm>>
    %dma_start3A_220 = tpu.memref_squeeze %dma_start3A_219 : memref<1x40x64xf32, #tpu.memory_space<hbm>> -> memref<40x64xf32, #tpu.memory_space<hbm>>
    %dma_start3A_221 = arith.constant 0 : i32
    %dma_start3A_222 = arith.constant 0 : i32
    %dma_start3A_223 = tpu.memref_slice %arg6[%dma_start3A_205, %dma_start3A_221, %dma_start3A_222] : memref<8x40x64xf32, #tpu.memory_space<vmem>> -> memref<1x40x64xf32, #tpu.memory_space<vmem>>
    %dma_start3A_224 = tpu.memref_squeeze %dma_start3A_223 : memref<1x40x64xf32, #tpu.memory_space<vmem>> -> memref<40x64xf32, #tpu.memory_space<vmem>>
    tpu.enqueue_dma source(%dma_start3A_224 : memref<40x64xf32, #tpu.memory_space<vmem>>) target(%dma_start3A_220 : memref<40x64xf32, #tpu.memory_space<hbm>>) target_semaphore(%dma_start3A_216 : memref<!tpu.dma_semaphore, #tpu.memory_space<semaphore_mem>>)
    %add3A_225 = arith.constant 0 : i32
    %add3A_226 = arith.addi %mul3A_2, %add3A_225 : i32
    %dma_start3A_227 = arith.constant 2 : i32
    %dma_start3A_228 = arith.constant 2 : i32
    %dma_start3A_229 = arith.constant 0 : i32
    %dma_start3A_230 = arith.constant 0 : i32
    %dma_start3A_231 = tpu.memref_slice %arg6[%dma_start3A_227, %dma_start3A_229, %dma_start3A_230] : memref<8x40x64xf32, #tpu.memory_space<vmem>> -> memref<1x40x64xf32, #tpu.memory_space<vmem>>
    %dma_start3A_232 = tpu.memref_squeeze %dma_start3A_231 : memref<1x40x64xf32, #tpu.memory_space<vmem>> -> memref<40x64xf32, #tpu.memory_space<vmem>>
    %dma_start3A_233 = arith.constant 80 : i32
    %dma_start3A_234 = arith.constant 0 : i32
    %dma_start3A_235 = tpu.memref_slice %arg4[%add3A_226, %dma_start3A_233, %dma_start3A_234] : memref<4096x200x128xf32, #tpu.memory_space<hbm>> -> memref<1x40x64xf32, #tpu.memory_space<hbm>>
    %dma_start3A_236 = tpu.memref_squeeze %dma_start3A_235 : memref<1x40x64xf32, #tpu.memory_space<hbm>> -> memref<40x64xf32, #tpu.memory_space<hbm>>
    %dma_start3A_237 = tpu.memref_slice %arg8[%dma_start3A_228] : memref<8x!tpu.dma_semaphore, #tpu.memory_space<semaphore_mem>> -> memref<1x!tpu.dma_semaphore, #tpu.memory_space<semaphore_mem>>
    %dma_start3A_238 = tpu.memref_squeeze %dma_start3A_237 : memref<1x!tpu.dma_semaphore, #tpu.memory_space<semaphore_mem>> -> memref<!tpu.dma_semaphore, #tpu.memory_space<semaphore_mem>>
    %dma_start3A_239 = arith.constant 80 : i32
    %dma_start3A_240 = arith.constant 0 : i32
    %dma_start3A_241 = tpu.memref_slice %arg4[%add3A_226, %dma_start3A_239, %dma_start3A_240] : memref<4096x200x128xf32, #tpu.memory_space<hbm>> -> memref<1x40x64xf32, #tpu.memory_space<hbm>>
    %dma_start3A_242 = tpu.memref_squeeze %dma_start3A_241 : memref<1x40x64xf32, #tpu.memory_space<hbm>> -> memref<40x64xf32, #tpu.memory_space<hbm>>
    %dma_start3A_243 = arith.constant 0 : i32
    %dma_start3A_244 = arith.constant 0 : i32
    %dma_start3A_245 = tpu.memref_slice %arg6[%dma_start3A_227, %dma_start3A_243, %dma_start3A_244] : memref<8x40x64xf32, #tpu.memory_space<vmem>> -> memref<1x40x64xf32, #tpu.memory_space<vmem>>
    %dma_start3A_246 = tpu.memref_squeeze %dma_start3A_245 : memref<1x40x64xf32, #tpu.memory_space<vmem>> -> memref<40x64xf32, #tpu.memory_space<vmem>>
    tpu.enqueue_dma source(%dma_start3A_246 : memref<40x64xf32, #tpu.memory_space<vmem>>) target(%dma_start3A_242 : memref<40x64xf32, #tpu.memory_space<hbm>>) target_semaphore(%dma_start3A_238 : memref<!tpu.dma_semaphore, #tpu.memory_space<semaphore_mem>>)
    %add3A_247 = arith.constant 0 : i32
    %add3A_248 = arith.addi %mul3A_2, %add3A_247 : i32
    %dma_start3A_249 = arith.constant 3 : i32
    %dma_start3A_250 = arith.constant 3 : i32
    %dma_start3A_251 = arith.constant 0 : i32
    %dma_start3A_252 = arith.constant 0 : i32
    %dma_start3A_253 = tpu.memref_slice %arg6[%dma_start3A_249, %dma_start3A_251, %dma_start3A_252] : memref<8x40x64xf32, #tpu.memory_space<vmem>> -> memref<1x40x64xf32, #tpu.memory_space<vmem>>
    %dma_start3A_254 = tpu.memref_squeeze %dma_start3A_253 : memref<1x40x64xf32, #tpu.memory_space<vmem>> -> memref<40x64xf32, #tpu.memory_space<vmem>>
    %dma_start3A_255 = arith.constant 120 : i32
    %dma_start3A_256 = arith.constant 0 : i32
    %dma_start3A_257 = tpu.memref_slice %arg4[%add3A_248, %dma_start3A_255, %dma_start3A_256] : memref<4096x200x128xf32, #tpu.memory_space<hbm>> -> memref<1x40x64xf32, #tpu.memory_space<hbm>>
    %dma_start3A_258 = tpu.memref_squeeze %dma_start3A_257 : memref<1x40x64xf32, #tpu.memory_space<hbm>> -> memref<40x64xf32, #tpu.memory_space<hbm>>
    %dma_start3A_259 = tpu.memref_slice %arg8[%dma_start3A_250] : memref<8x!tpu.dma_semaphore, #tpu.memory_space<semaphore_mem>> -> memref<1x!tpu.dma_semaphore, #tpu.memory_space<semaphore_mem>>
    %dma_start3A_260 = tpu.memref_squeeze %dma_start3A_259 : memref<1x!tpu.dma_semaphore, #tpu.memory_space<semaphore_mem>> -> memref<!tpu.dma_semaphore, #tpu.memory_space<semaphore_mem>>
    %dma_start3A_261 = arith.constant 120 : i32
    %dma_start3A_262 = arith.constant 0 : i32
    %dma_start3A_263 = tpu.memref_slice %arg4[%add3A_248, %dma_start3A_261, %dma_start3A_262] : memref<4096x200x128xf32, #tpu.memory_space<hbm>> -> memref<1x40x64xf32, #tpu.memory_space<hbm>>
    %dma_start3A_264 = tpu.memref_squeeze %dma_start3A_263 : memref<1x40x64xf32, #tpu.memory_space<hbm>> -> memref<40x64xf32, #tpu.memory_space<hbm>>
    %dma_start3A_265 = arith.constant 0 : i32
    %dma_start3A_266 = arith.constant 0 : i32
    %dma_start3A_267 = tpu.memref_slice %arg6[%dma_start3A_249, %dma_start3A_265, %dma_start3A_266] : memref<8x40x64xf32, #tpu.memory_space<vmem>> -> memref<1x40x64xf32, #tpu.memory_space<vmem>>
    %dma_start3A_268 = tpu.memref_squeeze %dma_start3A_267 : memref<1x40x64xf32, #tpu.memory_space<vmem>> -> memref<40x64xf32, #tpu.memory_space<vmem>>
    tpu.enqueue_dma source(%dma_start3A_268 : memref<40x64xf32, #tpu.memory_space<vmem>>) target(%dma_start3A_264 : memref<40x64xf32, #tpu.memory_space<hbm>>) target_semaphore(%dma_start3A_260 : memref<!tpu.dma_semaphore, #tpu.memory_space<semaphore_mem>>)
    %scan3A = arith.constant 0 : i32
    %scan3A_269 = arith.constant 0 : i32
    %scan3A_270 = arith.constant 79 : i32
    %scan3A_271 = arith.addi %scan3A_269, %scan3A_270 : i32
    %scan3A_272 = arith.constant 1 : i32
    scf.for %scan3A_598 = %scan3A_269 to %scan3A_271 step %scan3A_272  : i32 {
      %mul3A_599 = arith.constant 2 : i32
      %mul3A_600 = arith.muli %mul3A_599, %scan3A_598 : i32
      %add3A_601 = arith.constant 1 : i32
      %add3A_602 = arith.addi %mul3A_600, %add3A_601 : i32
      %add3A_603 = arith.constant 0 : i32
      %add3A_604 = arith.addi %add3A_602, %add3A_603 : i32
      %sub3A = arith.constant 1 : i32
      %sub3A_605 = arith.subi %add3A_604, %sub3A : i32
      %mul3A_606 = arith.constant 4 : i32
      %mul3A_607 = arith.muli %sub3A_605, %mul3A_606 : i32
      %add3A_608 = arith.constant 0 : i32
      %add3A_609 = arith.addi %mul3A_607, %add3A_608 : i32
      %jit3A = arith.constant 5 : i32
      %div3A = arith.divsi %add3A_609, %jit3A : i32
      %sign3A = arith.constant 0 : i32
      %sign3A_610 = arith.cmpi sgt, %add3A_609, %sign3A : i32
      %sign3A_611 = arith.extui %sign3A_610 : i1 to i32
      %sign3A_612 = arith.constant 0 : i32
      %sign3A_613 = arith.cmpi slt, %add3A_609, %sign3A_612 : i32
      %sign3A_614 = arith.extui %sign3A_613 : i1 to i32
      %sign3A_615 = arith.subi %sign3A_611, %sign3A_614 : i32
      %sign3A_616 = arith.constant 0 : i32
      %sign3A_617 = arith.cmpi sgt, %jit3A, %sign3A_616 : i32
      %sign3A_618 = arith.extui %sign3A_617 : i1 to i32
      %sign3A_619 = arith.constant 0 : i32
      %sign3A_620 = arith.cmpi slt, %jit3A, %sign3A_619 : i32
      %sign3A_621 = arith.extui %sign3A_620 : i1 to i32
      %sign3A_622 = arith.subi %sign3A_618, %sign3A_621 : i32
      %ne3A = arith.cmpi ne, %sign3A_615, %sign3A_622 : i32
      %rem3A = arith.remsi %add3A_609, %jit3A : i32
      %ne3A_623 = arith.constant 0 : i32
      %ne3A_624 = arith.cmpi ne, %rem3A, %ne3A_623 : i32
      %and3A = arith.andi %ne3A, %ne3A_624 : i1
      %sub3A_625 = arith.constant 1 : i32
      %sub3A_626 = arith.subi %div3A, %sub3A_625 : i32
      %select_n3A = arith.select %and3A, %sub3A_626, %div3A : i32
      %jit3A_627 = arith.constant 5 : i32
      %eq3A = arith.constant 0 : i32
      %eq3A_628 = arith.cmpi eq, %jit3A_627, %eq3A : i32
      %jit3A_629 = arith.constant 1 : i32
      %select_n3A_630 = arith.select %eq3A_628, %jit3A_629, %jit3A_627 : i32
      %rem3A_631 = arith.remsi %add3A_609, %select_n3A_630 : i32
      %ne3A_632 = arith.constant 0 : i32
      %ne3A_633 = arith.cmpi ne, %rem3A_631, %ne3A_632 : i32
      %lt3A = arith.constant 0 : i32
      %lt3A_634 = arith.cmpi slt, %rem3A_631, %lt3A : i32
      %lt3A_635 = arith.constant 0 : i32
      %lt3A_636 = arith.cmpi slt, %select_n3A_630, %lt3A_635 : i32
      %ne3A_637 = arith.xori %lt3A_634, %lt3A_636 : i1
      %and3A_638 = arith.andi %ne3A_637, %ne3A_633 : i1
      %add3A_639 = arith.addi %rem3A_631, %select_n3A_630 : i32
      %select_n3A_640 = arith.select %and3A_638, %add3A_639, %rem3A_631 : i32
      %mul3A_641 = arith.constant 40 : i32
      %mul3A_642 = arith.muli %select_n3A_640, %mul3A_641 : i32
      %add3A_643 = arith.addi %mul3A_2, %select_n3A : i32
      %dma_wait3A_644 = arith.constant 0 : i32
      %dma_wait3A_645 = arith.constant 0 : i32
      %dma_wait3A_646 = arith.constant 0 : i32
      %dma_wait3A_647 = arith.constant 0 : i32
      %dma_wait3A_648 = tpu.memref_slice %arg6[%dma_wait3A_644, %dma_wait3A_646, %dma_wait3A_647] : memref<8x40x64xf32, #tpu.memory_space<vmem>> -> memref<1x40x64xf32, #tpu.memory_space<vmem>>
      %dma_wait3A_649 = tpu.memref_squeeze %dma_wait3A_648 : memref<1x40x64xf32, #tpu.memory_space<vmem>> -> memref<40x64xf32, #tpu.memory_space<vmem>>
      %dma_wait3A_650 = arith.constant 0 : i32
      %dma_wait3A_651 = tpu.memref_slice %arg4[%add3A_643, %mul3A_642, %dma_wait3A_650] : memref<4096x200x128xf32, #tpu.memory_space<hbm>> -> memref<1x40x64xf32, #tpu.memory_space<hbm>>
      %dma_wait3A_652 = tpu.memref_squeeze %dma_wait3A_651 : memref<1x40x64xf32, #tpu.memory_space<hbm>> -> memref<40x64xf32, #tpu.memory_space<hbm>>
      %dma_wait3A_653 = tpu.memref_slice %arg8[%dma_wait3A_645] : memref<8x!tpu.dma_semaphore, #tpu.memory_space<semaphore_mem>> -> memref<1x!tpu.dma_semaphore, #tpu.memory_space<semaphore_mem>>
      %dma_wait3A_654 = tpu.memref_squeeze %dma_wait3A_653 : memref<1x!tpu.dma_semaphore, #tpu.memory_space<semaphore_mem>> -> memref<!tpu.dma_semaphore, #tpu.memory_space<semaphore_mem>>
      %dma_wait3A_655 = arith.constant 0 : i32
      %dma_wait3A_656 = tpu.memref_slice %arg4[%add3A_643, %mul3A_642, %dma_wait3A_655] : memref<4096x200x128xf32, #tpu.memory_space<hbm>> -> memref<1x40x64xf32, #tpu.memory_space<hbm>>
      %dma_wait3A_657 = tpu.memref_squeeze %dma_wait3A_656 : memref<1x40x64xf32, #tpu.memory_space<hbm>> -> memref<40x64xf32, #tpu.memory_space<hbm>>
      %dma_wait3A_658 = arith.constant 0 : i32
      %dma_wait3A_659 = arith.constant 0 : i32
      %dma_wait3A_660 = tpu.memref_slice %arg6[%dma_wait3A_644, %dma_wait3A_658, %dma_wait3A_659] : memref<8x40x64xf32, #tpu.memory_space<vmem>> -> memref<1x40x64xf32, #tpu.memory_space<vmem>>
      %dma_wait3A_661 = tpu.memref_squeeze %dma_wait3A_660 : memref<1x40x64xf32, #tpu.memory_space<vmem>> -> memref<40x64xf32, #tpu.memory_space<vmem>>
      tpu.wait_dma2 semaphore(%dma_wait3A_654 : memref<!tpu.dma_semaphore, #tpu.memory_space<semaphore_mem>>) src(%dma_wait3A_661 : memref<40x64xf32, #tpu.memory_space<vmem>>) dst(%dma_wait3A_657 : memref<40x64xf32, #tpu.memory_space<hbm>>)
      %mul3A_662 = arith.constant 4 : i32
      %mul3A_663 = arith.muli %sub3A_605, %mul3A_662 : i32
      %add3A_664 = arith.constant 1 : i32
      %add3A_665 = arith.addi %mul3A_663, %add3A_664 : i32
      %jit3A_666 = arith.constant 5 : i32
      %div3A_667 = arith.divsi %add3A_665, %jit3A_666 : i32
      %sign3A_668 = arith.constant 0 : i32
      %sign3A_669 = arith.cmpi sgt, %add3A_665, %sign3A_668 : i32
      %sign3A_670 = arith.extui %sign3A_669 : i1 to i32
      %sign3A_671 = arith.constant 0 : i32
      %sign3A_672 = arith.cmpi slt, %add3A_665, %sign3A_671 : i32
      %sign3A_673 = arith.extui %sign3A_672 : i1 to i32
      %sign3A_674 = arith.subi %sign3A_670, %sign3A_673 : i32
      %sign3A_675 = arith.constant 0 : i32
      %sign3A_676 = arith.cmpi sgt, %jit3A_666, %sign3A_675 : i32
      %sign3A_677 = arith.extui %sign3A_676 : i1 to i32
      %sign3A_678 = arith.constant 0 : i32
      %sign3A_679 = arith.cmpi slt, %jit3A_666, %sign3A_678 : i32
      %sign3A_680 = arith.extui %sign3A_679 : i1 to i32
      %sign3A_681 = arith.subi %sign3A_677, %sign3A_680 : i32
      %ne3A_682 = arith.cmpi ne, %sign3A_674, %sign3A_681 : i32
      %rem3A_683 = arith.remsi %add3A_665, %jit3A_666 : i32
      %ne3A_684 = arith.constant 0 : i32
      %ne3A_685 = arith.cmpi ne, %rem3A_683, %ne3A_684 : i32
      %and3A_686 = arith.andi %ne3A_682, %ne3A_685 : i1
      %sub3A_687 = arith.constant 1 : i32
      %sub3A_688 = arith.subi %div3A_667, %sub3A_687 : i32
      %select_n3A_689 = arith.select %and3A_686, %sub3A_688, %div3A_667 : i32
      %jit3A_690 = arith.constant 5 : i32
      %eq3A_691 = arith.constant 0 : i32
      %eq3A_692 = arith.cmpi eq, %jit3A_690, %eq3A_691 : i32
      %jit3A_693 = arith.constant 1 : i32
      %select_n3A_694 = arith.select %eq3A_692, %jit3A_693, %jit3A_690 : i32
      %rem3A_695 = arith.remsi %add3A_665, %select_n3A_694 : i32
      %ne3A_696 = arith.constant 0 : i32
      %ne3A_697 = arith.cmpi ne, %rem3A_695, %ne3A_696 : i32
      %lt3A_698 = arith.constant 0 : i32
      %lt3A_699 = arith.cmpi slt, %rem3A_695, %lt3A_698 : i32
      %lt3A_700 = arith.constant 0 : i32
      %lt3A_701 = arith.cmpi slt, %select_n3A_694, %lt3A_700 : i32
      %ne3A_702 = arith.xori %lt3A_699, %lt3A_701 : i1
      %and3A_703 = arith.andi %ne3A_702, %ne3A_697 : i1
      %add3A_704 = arith.addi %rem3A_695, %select_n3A_694 : i32
      %select_n3A_705 = arith.select %and3A_703, %add3A_704, %rem3A_695 : i32
      %mul3A_706 = arith.constant 40 : i32
      %mul3A_707 = arith.muli %select_n3A_705, %mul3A_706 : i32
      %add3A_708 = arith.addi %mul3A_2, %select_n3A_689 : i32
      %dma_wait3A_709 = arith.constant 1 : i32
      %dma_wait3A_710 = arith.constant 1 : i32
      %dma_wait3A_711 = arith.constant 0 : i32
      %dma_wait3A_712 = arith.constant 0 : i32
      %dma_wait3A_713 = tpu.memref_slice %arg6[%dma_wait3A_709, %dma_wait3A_711, %dma_wait3A_712] : memref<8x40x64xf32, #tpu.memory_space<vmem>> -> memref<1x40x64xf32, #tpu.memory_space<vmem>>
      %dma_wait3A_714 = tpu.memref_squeeze %dma_wait3A_713 : memref<1x40x64xf32, #tpu.memory_space<vmem>> -> memref<40x64xf32, #tpu.memory_space<vmem>>
      %dma_wait3A_715 = arith.constant 0 : i32
      %dma_wait3A_716 = tpu.memref_slice %arg4[%add3A_708, %mul3A_707, %dma_wait3A_715] : memref<4096x200x128xf32, #tpu.memory_space<hbm>> -> memref<1x40x64xf32, #tpu.memory_space<hbm>>
      %dma_wait3A_717 = tpu.memref_squeeze %dma_wait3A_716 : memref<1x40x64xf32, #tpu.memory_space<hbm>> -> memref<40x64xf32, #tpu.memory_space<hbm>>
      %dma_wait3A_718 = tpu.memref_slice %arg8[%dma_wait3A_710] : memref<8x!tpu.dma_semaphore, #tpu.memory_space<semaphore_mem>> -> memref<1x!tpu.dma_semaphore, #tpu.memory_space<semaphore_mem>>
      %dma_wait3A_719 = tpu.memref_squeeze %dma_wait3A_718 : memref<1x!tpu.dma_semaphore, #tpu.memory_space<semaphore_mem>> -> memref<!tpu.dma_semaphore, #tpu.memory_space<semaphore_mem>>
      %dma_wait3A_720 = arith.constant 0 : i32
      %dma_wait3A_721 = tpu.memref_slice %arg4[%add3A_708, %mul3A_707, %dma_wait3A_720] : memref<4096x200x128xf32, #tpu.memory_space<hbm>> -> memref<1x40x64xf32, #tpu.memory_space<hbm>>
      %dma_wait3A_722 = tpu.memref_squeeze %dma_wait3A_721 : memref<1x40x64xf32, #tpu.memory_space<hbm>> -> memref<40x64xf32, #tpu.memory_space<hbm>>
      %dma_wait3A_723 = arith.constant 0 : i32
      %dma_wait3A_724 = arith.constant 0 : i32
      %dma_wait3A_725 = tpu.memref_slice %arg6[%dma_wait3A_709, %dma_wait3A_723, %dma_wait3A_724] : memref<8x40x64xf32, #tpu.memory_space<vmem>> -> memref<1x40x64xf32, #tpu.memory_space<vmem>>
      %dma_wait3A_726 = tpu.memref_squeeze %dma_wait3A_725 : memref<1x40x64xf32, #tpu.memory_space<vmem>> -> memref<40x64xf32, #tpu.memory_space<vmem>>
      tpu.wait_dma2 semaphore(%dma_wait3A_719 : memref<!tpu.dma_semaphore, #tpu.memory_space<semaphore_mem>>) src(%dma_wait3A_726 : memref<40x64xf32, #tpu.memory_space<vmem>>) dst(%dma_wait3A_722 : memref<40x64xf32, #tpu.memory_space<hbm>>)
      %mul3A_727 = arith.constant 4 : i32
      %mul3A_728 = arith.muli %sub3A_605, %mul3A_727 : i32
      %add3A_729 = arith.constant 2 : i32
      %add3A_730 = arith.addi %mul3A_728, %add3A_729 : i32
      %jit3A_731 = arith.constant 5 : i32
      %div3A_732 = arith.divsi %add3A_730, %jit3A_731 : i32
      %sign3A_733 = arith.constant 0 : i32
      %sign3A_734 = arith.cmpi sgt, %add3A_730, %sign3A_733 : i32
      %sign3A_735 = arith.extui %sign3A_734 : i1 to i32
      %sign3A_736 = arith.constant 0 : i32
      %sign3A_737 = arith.cmpi slt, %add3A_730, %sign3A_736 : i32
      %sign3A_738 = arith.extui %sign3A_737 : i1 to i32
      %sign3A_739 = arith.subi %sign3A_735, %sign3A_738 : i32
      %sign3A_740 = arith.constant 0 : i32
      %sign3A_741 = arith.cmpi sgt, %jit3A_731, %sign3A_740 : i32
      %sign3A_742 = arith.extui %sign3A_741 : i1 to i32
      %sign3A_743 = arith.constant 0 : i32
      %sign3A_744 = arith.cmpi slt, %jit3A_731, %sign3A_743 : i32
      %sign3A_745 = arith.extui %sign3A_744 : i1 to i32
      %sign3A_746 = arith.subi %sign3A_742, %sign3A_745 : i32
      %ne3A_747 = arith.cmpi ne, %sign3A_739, %sign3A_746 : i32
      %rem3A_748 = arith.remsi %add3A_730, %jit3A_731 : i32
      %ne3A_749 = arith.constant 0 : i32
      %ne3A_750 = arith.cmpi ne, %rem3A_748, %ne3A_749 : i32
      %and3A_751 = arith.andi %ne3A_747, %ne3A_750 : i1
      %sub3A_752 = arith.constant 1 : i32
      %sub3A_753 = arith.subi %div3A_732, %sub3A_752 : i32
      %select_n3A_754 = arith.select %and3A_751, %sub3A_753, %div3A_732 : i32
      %jit3A_755 = arith.constant 5 : i32
      %eq3A_756 = arith.constant 0 : i32
      %eq3A_757 = arith.cmpi eq, %jit3A_755, %eq3A_756 : i32
      %jit3A_758 = arith.constant 1 : i32
      %select_n3A_759 = arith.select %eq3A_757, %jit3A_758, %jit3A_755 : i32
      %rem3A_760 = arith.remsi %add3A_730, %select_n3A_759 : i32
      %ne3A_761 = arith.constant 0 : i32
      %ne3A_762 = arith.cmpi ne, %rem3A_760, %ne3A_761 : i32
      %lt3A_763 = arith.constant 0 : i32
      %lt3A_764 = arith.cmpi slt, %rem3A_760, %lt3A_763 : i32
      %lt3A_765 = arith.constant 0 : i32
      %lt3A_766 = arith.cmpi slt, %select_n3A_759, %lt3A_765 : i32
      %ne3A_767 = arith.xori %lt3A_764, %lt3A_766 : i1
      %and3A_768 = arith.andi %ne3A_767, %ne3A_762 : i1
      %add3A_769 = arith.addi %rem3A_760, %select_n3A_759 : i32
      %select_n3A_770 = arith.select %and3A_768, %add3A_769, %rem3A_760 : i32
      %mul3A_771 = arith.constant 40 : i32
      %mul3A_772 = arith.muli %select_n3A_770, %mul3A_771 : i32
      %add3A_773 = arith.addi %mul3A_2, %select_n3A_754 : i32
      %dma_wait3A_774 = arith.constant 2 : i32
      %dma_wait3A_775 = arith.constant 2 : i32
      %dma_wait3A_776 = arith.constant 0 : i32
      %dma_wait3A_777 = arith.constant 0 : i32
      %dma_wait3A_778 = tpu.memref_slice %arg6[%dma_wait3A_774, %dma_wait3A_776, %dma_wait3A_777] : memref<8x40x64xf32, #tpu.memory_space<vmem>> -> memref<1x40x64xf32, #tpu.memory_space<vmem>>
      %dma_wait3A_779 = tpu.memref_squeeze %dma_wait3A_778 : memref<1x40x64xf32, #tpu.memory_space<vmem>> -> memref<40x64xf32, #tpu.memory_space<vmem>>
      %dma_wait3A_780 = arith.constant 0 : i32
      %dma_wait3A_781 = tpu.memref_slice %arg4[%add3A_773, %mul3A_772, %dma_wait3A_780] : memref<4096x200x128xf32, #tpu.memory_space<hbm>> -> memref<1x40x64xf32, #tpu.memory_space<hbm>>
      %dma_wait3A_782 = tpu.memref_squeeze %dma_wait3A_781 : memref<1x40x64xf32, #tpu.memory_space<hbm>> -> memref<40x64xf32, #tpu.memory_space<hbm>>
      %dma_wait3A_783 = tpu.memref_slice %arg8[%dma_wait3A_775] : memref<8x!tpu.dma_semaphore, #tpu.memory_space<semaphore_mem>> -> memref<1x!tpu.dma_semaphore, #tpu.memory_space<semaphore_mem>>
      %dma_wait3A_784 = tpu.memref_squeeze %dma_wait3A_783 : memref<1x!tpu.dma_semaphore, #tpu.memory_space<semaphore_mem>> -> memref<!tpu.dma_semaphore, #tpu.memory_space<semaphore_mem>>
      %dma_wait3A_785 = arith.constant 0 : i32
      %dma_wait3A_786 = tpu.memref_slice %arg4[%add3A_773, %mul3A_772, %dma_wait3A_785] : memref<4096x200x128xf32, #tpu.memory_space<hbm>> -> memref<1x40x64xf32, #tpu.memory_space<hbm>>
      %dma_wait3A_787 = tpu.memref_squeeze %dma_wait3A_786 : memref<1x40x64xf32, #tpu.memory_space<hbm>> -> memref<40x64xf32, #tpu.memory_space<hbm>>
      %dma_wait3A_788 = arith.constant 0 : i32
      %dma_wait3A_789 = arith.constant 0 : i32
      %dma_wait3A_790 = tpu.memref_slice %arg6[%dma_wait3A_774, %dma_wait3A_788, %dma_wait3A_789] : memref<8x40x64xf32, #tpu.memory_space<vmem>> -> memref<1x40x64xf32, #tpu.memory_space<vmem>>
      %dma_wait3A_791 = tpu.memref_squeeze %dma_wait3A_790 : memref<1x40x64xf32, #tpu.memory_space<vmem>> -> memref<40x64xf32, #tpu.memory_space<vmem>>
      tpu.wait_dma2 semaphore(%dma_wait3A_784 : memref<!tpu.dma_semaphore, #tpu.memory_space<semaphore_mem>>) src(%dma_wait3A_791 : memref<40x64xf32, #tpu.memory_space<vmem>>) dst(%dma_wait3A_787 : memref<40x64xf32, #tpu.memory_space<hbm>>)
      %mul3A_792 = arith.constant 4 : i32
      %mul3A_793 = arith.muli %sub3A_605, %mul3A_792 : i32
      %add3A_794 = arith.constant 3 : i32
      %add3A_795 = arith.addi %mul3A_793, %add3A_794 : i32
      %jit3A_796 = arith.constant 5 : i32
      %div3A_797 = arith.divsi %add3A_795, %jit3A_796 : i32
      %sign3A_798 = arith.constant 0 : i32
      %sign3A_799 = arith.cmpi sgt, %add3A_795, %sign3A_798 : i32
      %sign3A_800 = arith.extui %sign3A_799 : i1 to i32
      %sign3A_801 = arith.constant 0 : i32
      %sign3A_802 = arith.cmpi slt, %add3A_795, %sign3A_801 : i32
      %sign3A_803 = arith.extui %sign3A_802 : i1 to i32
      %sign3A_804 = arith.subi %sign3A_800, %sign3A_803 : i32
      %sign3A_805 = arith.constant 0 : i32
      %sign3A_806 = arith.cmpi sgt, %jit3A_796, %sign3A_805 : i32
      %sign3A_807 = arith.extui %sign3A_806 : i1 to i32
      %sign3A_808 = arith.constant 0 : i32
      %sign3A_809 = arith.cmpi slt, %jit3A_796, %sign3A_808 : i32
      %sign3A_810 = arith.extui %sign3A_809 : i1 to i32
      %sign3A_811 = arith.subi %sign3A_807, %sign3A_810 : i32
      %ne3A_812 = arith.cmpi ne, %sign3A_804, %sign3A_811 : i32
      %rem3A_813 = arith.remsi %add3A_795, %jit3A_796 : i32
      %ne3A_814 = arith.constant 0 : i32
      %ne3A_815 = arith.cmpi ne, %rem3A_813, %ne3A_814 : i32
      %and3A_816 = arith.andi %ne3A_812, %ne3A_815 : i1
      %sub3A_817 = arith.constant 1 : i32
      %sub3A_818 = arith.subi %div3A_797, %sub3A_817 : i32
      %select_n3A_819 = arith.select %and3A_816, %sub3A_818, %div3A_797 : i32
      %jit3A_820 = arith.constant 5 : i32
      %eq3A_821 = arith.constant 0 : i32
      %eq3A_822 = arith.cmpi eq, %jit3A_820, %eq3A_821 : i32
      %jit3A_823 = arith.constant 1 : i32
      %select_n3A_824 = arith.select %eq3A_822, %jit3A_823, %jit3A_820 : i32
      %rem3A_825 = arith.remsi %add3A_795, %select_n3A_824 : i32
      %ne3A_826 = arith.constant 0 : i32
      %ne3A_827 = arith.cmpi ne, %rem3A_825, %ne3A_826 : i32
      %lt3A_828 = arith.constant 0 : i32
      %lt3A_829 = arith.cmpi slt, %rem3A_825, %lt3A_828 : i32
      %lt3A_830 = arith.constant 0 : i32
      %lt3A_831 = arith.cmpi slt, %select_n3A_824, %lt3A_830 : i32
      %ne3A_832 = arith.xori %lt3A_829, %lt3A_831 : i1
      %and3A_833 = arith.andi %ne3A_832, %ne3A_827 : i1
      %add3A_834 = arith.addi %rem3A_825, %select_n3A_824 : i32
      %select_n3A_835 = arith.select %and3A_833, %add3A_834, %rem3A_825 : i32
      %mul3A_836 = arith.constant 40 : i32
      %mul3A_837 = arith.muli %select_n3A_835, %mul3A_836 : i32
      %add3A_838 = arith.addi %mul3A_2, %select_n3A_819 : i32
      %dma_wait3A_839 = arith.constant 3 : i32
      %dma_wait3A_840 = arith.constant 3 : i32
      %dma_wait3A_841 = arith.constant 0 : i32
      %dma_wait3A_842 = arith.constant 0 : i32
      %dma_wait3A_843 = tpu.memref_slice %arg6[%dma_wait3A_839, %dma_wait3A_841, %dma_wait3A_842] : memref<8x40x64xf32, #tpu.memory_space<vmem>> -> memref<1x40x64xf32, #tpu.memory_space<vmem>>
      %dma_wait3A_844 = tpu.memref_squeeze %dma_wait3A_843 : memref<1x40x64xf32, #tpu.memory_space<vmem>> -> memref<40x64xf32, #tpu.memory_space<vmem>>
      %dma_wait3A_845 = arith.constant 0 : i32
      %dma_wait3A_846 = tpu.memref_slice %arg4[%add3A_838, %mul3A_837, %dma_wait3A_845] : memref<4096x200x128xf32, #tpu.memory_space<hbm>> -> memref<1x40x64xf32, #tpu.memory_space<hbm>>
      %dma_wait3A_847 = tpu.memref_squeeze %dma_wait3A_846 : memref<1x40x64xf32, #tpu.memory_space<hbm>> -> memref<40x64xf32, #tpu.memory_space<hbm>>
      %dma_wait3A_848 = tpu.memref_slice %arg8[%dma_wait3A_840] : memref<8x!tpu.dma_semaphore, #tpu.memory_space<semaphore_mem>> -> memref<1x!tpu.dma_semaphore, #tpu.memory_space<semaphore_mem>>
      %dma_wait3A_849 = tpu.memref_squeeze %dma_wait3A_848 : memref<1x!tpu.dma_semaphore, #tpu.memory_space<semaphore_mem>> -> memref<!tpu.dma_semaphore, #tpu.memory_space<semaphore_mem>>
      %dma_wait3A_850 = arith.constant 0 : i32
      %dma_wait3A_851 = tpu.memref_slice %arg4[%add3A_838, %mul3A_837, %dma_wait3A_850] : memref<4096x200x128xf32, #tpu.memory_space<hbm>> -> memref<1x40x64xf32, #tpu.memory_space<hbm>>
      %dma_wait3A_852 = tpu.memref_squeeze %dma_wait3A_851 : memref<1x40x64xf32, #tpu.memory_space<hbm>> -> memref<40x64xf32, #tpu.memory_space<hbm>>
      %dma_wait3A_853 = arith.constant 0 : i32
      %dma_wait3A_854 = arith.constant 0 : i32
      %dma_wait3A_855 = tpu.memref_slice %arg6[%dma_wait3A_839, %dma_wait3A_853, %dma_wait3A_854] : memref<8x40x64xf32, #tpu.memory_space<vmem>> -> memref<1x40x64xf32, #tpu.memory_space<vmem>>
      %dma_wait3A_856 = tpu.memref_squeeze %dma_wait3A_855 : memref<1x40x64xf32, #tpu.memory_space<vmem>> -> memref<40x64xf32, #tpu.memory_space<vmem>>
      tpu.wait_dma2 semaphore(%dma_wait3A_849 : memref<!tpu.dma_semaphore, #tpu.memory_space<semaphore_mem>>) src(%dma_wait3A_856 : memref<40x64xf32, #tpu.memory_space<vmem>>) dst(%dma_wait3A_852 : memref<40x64xf32, #tpu.memory_space<hbm>>)
      %add3A_857 = arith.constant 1 : i32
      %add3A_858 = arith.addi %add3A_604, %add3A_857 : i32
      %mul3A_859 = arith.constant 4 : i32
      %mul3A_860 = arith.muli %add3A_858, %mul3A_859 : i32
      %add3A_861 = arith.constant 0 : i32
      %add3A_862 = arith.addi %mul3A_860, %add3A_861 : i32
      %jit3A_863 = arith.constant 5 : i32
      %div3A_864 = arith.divsi %add3A_862, %jit3A_863 : i32
      %sign3A_865 = arith.constant 0 : i32
      %sign3A_866 = arith.cmpi sgt, %add3A_862, %sign3A_865 : i32
      %sign3A_867 = arith.extui %sign3A_866 : i1 to i32
      %sign3A_868 = arith.constant 0 : i32
      %sign3A_869 = arith.cmpi slt, %add3A_862, %sign3A_868 : i32
      %sign3A_870 = arith.extui %sign3A_869 : i1 to i32
      %sign3A_871 = arith.subi %sign3A_867, %sign3A_870 : i32
      %sign3A_872 = arith.constant 0 : i32
      %sign3A_873 = arith.cmpi sgt, %jit3A_863, %sign3A_872 : i32
      %sign3A_874 = arith.extui %sign3A_873 : i1 to i32
      %sign3A_875 = arith.constant 0 : i32
      %sign3A_876 = arith.cmpi slt, %jit3A_863, %sign3A_875 : i32
      %sign3A_877 = arith.extui %sign3A_876 : i1 to i32
      %sign3A_878 = arith.subi %sign3A_874, %sign3A_877 : i32
      %ne3A_879 = arith.cmpi ne, %sign3A_871, %sign3A_878 : i32
      %rem3A_880 = arith.remsi %add3A_862, %jit3A_863 : i32
      %ne3A_881 = arith.constant 0 : i32
      %ne3A_882 = arith.cmpi ne, %rem3A_880, %ne3A_881 : i32
      %and3A_883 = arith.andi %ne3A_879, %ne3A_882 : i1
      %sub3A_884 = arith.constant 1 : i32
      %sub3A_885 = arith.subi %div3A_864, %sub3A_884 : i32
      %select_n3A_886 = arith.select %and3A_883, %sub3A_885, %div3A_864 : i32
      %jit3A_887 = arith.constant 5 : i32
      %eq3A_888 = arith.constant 0 : i32
      %eq3A_889 = arith.cmpi eq, %jit3A_887, %eq3A_888 : i32
      %jit3A_890 = arith.constant 1 : i32
      %select_n3A_891 = arith.select %eq3A_889, %jit3A_890, %jit3A_887 : i32
      %rem3A_892 = arith.remsi %add3A_862, %select_n3A_891 : i32
      %ne3A_893 = arith.constant 0 : i32
      %ne3A_894 = arith.cmpi ne, %rem3A_892, %ne3A_893 : i32
      %lt3A_895 = arith.constant 0 : i32
      %lt3A_896 = arith.cmpi slt, %rem3A_892, %lt3A_895 : i32
      %lt3A_897 = arith.constant 0 : i32
      %lt3A_898 = arith.cmpi slt, %select_n3A_891, %lt3A_897 : i32
      %ne3A_899 = arith.xori %lt3A_896, %lt3A_898 : i1
      %and3A_900 = arith.andi %ne3A_899, %ne3A_894 : i1
      %add3A_901 = arith.addi %rem3A_892, %select_n3A_891 : i32
      %select_n3A_902 = arith.select %and3A_900, %add3A_901, %rem3A_892 : i32
      %mul3A_903 = arith.constant 40 : i32
      %mul3A_904 = arith.muli %select_n3A_902, %mul3A_903 : i32
      %dma_start3A_905 = arith.constant 0 : i32
      %dma_start3A_906 = arith.constant 0 : i32
      %dma_start3A_907 = arith.constant 0 : i32
      %dma_start3A_908 = arith.constant 0 : i32
      %dma_start3A_909 = tpu.memref_slice %arg6[%dma_start3A_905, %dma_start3A_907, %dma_start3A_908] : memref<8x40x64xf32, #tpu.memory_space<vmem>> -> memref<1x40x64xf32, #tpu.memory_space<vmem>>
      %dma_start3A_910 = tpu.memref_squeeze %dma_start3A_909 : memref<1x40x64xf32, #tpu.memory_space<vmem>> -> memref<40x64xf32, #tpu.memory_space<vmem>>
      %dma_start3A_911 = tpu.memref_slice %arg5[%select_n3A_886, %mul3A_904] : memref<128x200xi32, #tpu.memory_space<vmem>> -> memref<1x40xi32, #tpu.memory_space<vmem>>
      %dma_start3A_912 = tpu.memref_squeeze %dma_start3A_911 : memref<1x40xi32, #tpu.memory_space<vmem>> -> memref<40xi32, #tpu.memory_space<vmem>>
      %dma_start3A_913 = arith.constant 0 : i32
      %dma_start3A_914 = arith.constant 0 : i32
      %dma_start3A_915 = tpu.memref_slice %arg3[%dma_start3A_913, %dma_start3A_914] : memref<1000000x64xf32, #tpu.memory_space<hbm>> -> memref<1000000x64xf32, #tpu.memory_space<hbm>>
      %dma_start3A_916 = tpu.memref_slice %arg7[%dma_start3A_906] : memref<8x!tpu.dma_semaphore, #tpu.memory_space<semaphore_mem>> -> memref<1x!tpu.dma_semaphore, #tpu.memory_space<semaphore_mem>>
      %dma_start3A_917 = tpu.memref_squeeze %dma_start3A_916 : memref<1x!tpu.dma_semaphore, #tpu.memory_space<semaphore_mem>> -> memref<!tpu.dma_semaphore, #tpu.memory_space<semaphore_mem>>
      tpu.enqueue_indirect_dma source(%dma_start3A_915 : memref<1000000x64xf32, #tpu.memory_space<hbm>>) target(%dma_start3A_910 : memref<40x64xf32, #tpu.memory_space<vmem>>) offsets(%dma_start3A_912 : memref<40xi32, #tpu.memory_space<vmem>>) semaphore(%dma_start3A_917 : memref<!tpu.dma_semaphore, #tpu.memory_space<semaphore_mem>>)
      %mul3A_918 = arith.constant 4 : i32
      %mul3A_919 = arith.muli %add3A_858, %mul3A_918 : i32
      %add3A_920 = arith.constant 1 : i32
      %add3A_921 = arith.addi %mul3A_919, %add3A_920 : i32
      %jit3A_922 = arith.constant 5 : i32
      %div3A_923 = arith.divsi %add3A_921, %jit3A_922 : i32
      %sign3A_924 = arith.constant 0 : i32
      %sign3A_925 = arith.cmpi sgt, %add3A_921, %sign3A_924 : i32
      %sign3A_926 = arith.extui %sign3A_925 : i1 to i32
      %sign3A_927 = arith.constant 0 : i32
      %sign3A_928 = arith.cmpi slt, %add3A_921, %sign3A_927 : i32
      %sign3A_929 = arith.extui %sign3A_928 : i1 to i32
      %sign3A_930 = arith.subi %sign3A_926, %sign3A_929 : i32
      %sign3A_931 = arith.constant 0 : i32
      %sign3A_932 = arith.cmpi sgt, %jit3A_922, %sign3A_931 : i32
      %sign3A_933 = arith.extui %sign3A_932 : i1 to i32
      %sign3A_934 = arith.constant 0 : i32
      %sign3A_935 = arith.cmpi slt, %jit3A_922, %sign3A_934 : i32
      %sign3A_936 = arith.extui %sign3A_935 : i1 to i32
      %sign3A_937 = arith.subi %sign3A_933, %sign3A_936 : i32
      %ne3A_938 = arith.cmpi ne, %sign3A_930, %sign3A_937 : i32
      %rem3A_939 = arith.remsi %add3A_921, %jit3A_922 : i32
      %ne3A_940 = arith.constant 0 : i32
      %ne3A_941 = arith.cmpi ne, %rem3A_939, %ne3A_940 : i32
      %and3A_942 = arith.andi %ne3A_938, %ne3A_941 : i1
      %sub3A_943 = arith.constant 1 : i32
      %sub3A_944 = arith.subi %div3A_923, %sub3A_943 : i32
      %select_n3A_945 = arith.select %and3A_942, %sub3A_944, %div3A_923 : i32
      %jit3A_946 = arith.constant 5 : i32
      %eq3A_947 = arith.constant 0 : i32
      %eq3A_948 = arith.cmpi eq, %jit3A_946, %eq3A_947 : i32
      %jit3A_949 = arith.constant 1 : i32
      %select_n3A_950 = arith.select %eq3A_948, %jit3A_949, %jit3A_946 : i32
      %rem3A_951 = arith.remsi %add3A_921, %select_n3A_950 : i32
      %ne3A_952 = arith.constant 0 : i32
      %ne3A_953 = arith.cmpi ne, %rem3A_951, %ne3A_952 : i32
      %lt3A_954 = arith.constant 0 : i32
      %lt3A_955 = arith.cmpi slt, %rem3A_951, %lt3A_954 : i32
      %lt3A_956 = arith.constant 0 : i32
      %lt3A_957 = arith.cmpi slt, %select_n3A_950, %lt3A_956 : i32
      %ne3A_958 = arith.xori %lt3A_955, %lt3A_957 : i1
      %and3A_959 = arith.andi %ne3A_958, %ne3A_953 : i1
      %add3A_960 = arith.addi %rem3A_951, %select_n3A_950 : i32
      %select_n3A_961 = arith.select %and3A_959, %add3A_960, %rem3A_951 : i32
      %mul3A_962 = arith.constant 40 : i32
      %mul3A_963 = arith.muli %select_n3A_961, %mul3A_962 : i32
      %dma_start3A_964 = arith.constant 1 : i32
      %dma_start3A_965 = arith.constant 1 : i32
      %dma_start3A_966 = arith.constant 0 : i32
      %dma_start3A_967 = arith.constant 0 : i32
      %dma_start3A_968 = tpu.memref_slice %arg6[%dma_start3A_964, %dma_start3A_966, %dma_start3A_967] : memref<8x40x64xf32, #tpu.memory_space<vmem>> -> memref<1x40x64xf32, #tpu.memory_space<vmem>>
      %dma_start3A_969 = tpu.memref_squeeze %dma_start3A_968 : memref<1x40x64xf32, #tpu.memory_space<vmem>> -> memref<40x64xf32, #tpu.memory_space<vmem>>
      %dma_start3A_970 = tpu.memref_slice %arg5[%select_n3A_945, %mul3A_963] : memref<128x200xi32, #tpu.memory_space<vmem>> -> memref<1x40xi32, #tpu.memory_space<vmem>>
      %dma_start3A_971 = tpu.memref_squeeze %dma_start3A_970 : memref<1x40xi32, #tpu.memory_space<vmem>> -> memref<40xi32, #tpu.memory_space<vmem>>
      %dma_start3A_972 = arith.constant 0 : i32
      %dma_start3A_973 = arith.constant 0 : i32
      %dma_start3A_974 = tpu.memref_slice %arg3[%dma_start3A_972, %dma_start3A_973] : memref<1000000x64xf32, #tpu.memory_space<hbm>> -> memref<1000000x64xf32, #tpu.memory_space<hbm>>
      %dma_start3A_975 = tpu.memref_slice %arg7[%dma_start3A_965] : memref<8x!tpu.dma_semaphore, #tpu.memory_space<semaphore_mem>> -> memref<1x!tpu.dma_semaphore, #tpu.memory_space<semaphore_mem>>
      %dma_start3A_976 = tpu.memref_squeeze %dma_start3A_975 : memref<1x!tpu.dma_semaphore, #tpu.memory_space<semaphore_mem>> -> memref<!tpu.dma_semaphore, #tpu.memory_space<semaphore_mem>>
      tpu.enqueue_indirect_dma source(%dma_start3A_974 : memref<1000000x64xf32, #tpu.memory_space<hbm>>) target(%dma_start3A_969 : memref<40x64xf32, #tpu.memory_space<vmem>>) offsets(%dma_start3A_971 : memref<40xi32, #tpu.memory_space<vmem>>) semaphore(%dma_start3A_976 : memref<!tpu.dma_semaphore, #tpu.memory_space<semaphore_mem>>)
      %mul3A_977 = arith.constant 4 : i32
      %mul3A_978 = arith.muli %add3A_858, %mul3A_977 : i32
      %add3A_979 = arith.constant 2 : i32
      %add3A_980 = arith.addi %mul3A_978, %add3A_979 : i32
      %jit3A_981 = arith.constant 5 : i32
      %div3A_982 = arith.divsi %add3A_980, %jit3A_981 : i32
      %sign3A_983 = arith.constant 0 : i32
      %sign3A_984 = arith.cmpi sgt, %add3A_980, %sign3A_983 : i32
      %sign3A_985 = arith.extui %sign3A_984 : i1 to i32
      %sign3A_986 = arith.constant 0 : i32
      %sign3A_987 = arith.cmpi slt, %add3A_980, %sign3A_986 : i32
      %sign3A_988 = arith.extui %sign3A_987 : i1 to i32
      %sign3A_989 = arith.subi %sign3A_985, %sign3A_988 : i32
      %sign3A_990 = arith.constant 0 : i32
      %sign3A_991 = arith.cmpi sgt, %jit3A_981, %sign3A_990 : i32
      %sign3A_992 = arith.extui %sign3A_991 : i1 to i32
      %sign3A_993 = arith.constant 0 : i32
      %sign3A_994 = arith.cmpi slt, %jit3A_981, %sign3A_993 : i32
      %sign3A_995 = arith.extui %sign3A_994 : i1 to i32
      %sign3A_996 = arith.subi %sign3A_992, %sign3A_995 : i32
      %ne3A_997 = arith.cmpi ne, %sign3A_989, %sign3A_996 : i32
      %rem3A_998 = arith.remsi %add3A_980, %jit3A_981 : i32
      %ne3A_999 = arith.constant 0 : i32
      %ne3A_1000 = arith.cmpi ne, %rem3A_998, %ne3A_999 : i32
      %and3A_1001 = arith.andi %ne3A_997, %ne3A_1000 : i1
      %sub3A_1002 = arith.constant 1 : i32
      %sub3A_1003 = arith.subi %div3A_982, %sub3A_1002 : i32
      %select_n3A_1004 = arith.select %and3A_1001, %sub3A_1003, %div3A_982 : i32
      %jit3A_1005 = arith.constant 5 : i32
      %eq3A_1006 = arith.constant 0 : i32
      %eq3A_1007 = arith.cmpi eq, %jit3A_1005, %eq3A_1006 : i32
      %jit3A_1008 = arith.constant 1 : i32
      %select_n3A_1009 = arith.select %eq3A_1007, %jit3A_1008, %jit3A_1005 : i32
      %rem3A_1010 = arith.remsi %add3A_980, %select_n3A_1009 : i32
      %ne3A_1011 = arith.constant 0 : i32
      %ne3A_1012 = arith.cmpi ne, %rem3A_1010, %ne3A_1011 : i32
      %lt3A_1013 = arith.constant 0 : i32
      %lt3A_1014 = arith.cmpi slt, %rem3A_1010, %lt3A_1013 : i32
      %lt3A_1015 = arith.constant 0 : i32
      %lt3A_1016 = arith.cmpi slt, %select_n3A_1009, %lt3A_1015 : i32
      %ne3A_1017 = arith.xori %lt3A_1014, %lt3A_1016 : i1
      %and3A_1018 = arith.andi %ne3A_1017, %ne3A_1012 : i1
      %add3A_1019 = arith.addi %rem3A_1010, %select_n3A_1009 : i32
      %select_n3A_1020 = arith.select %and3A_1018, %add3A_1019, %rem3A_1010 : i32
      %mul3A_1021 = arith.constant 40 : i32
      %mul3A_1022 = arith.muli %select_n3A_1020, %mul3A_1021 : i32
      %dma_start3A_1023 = arith.constant 2 : i32
      %dma_start3A_1024 = arith.constant 2 : i32
      %dma_start3A_1025 = arith.constant 0 : i32
      %dma_start3A_1026 = arith.constant 0 : i32
      %dma_start3A_1027 = tpu.memref_slice %arg6[%dma_start3A_1023, %dma_start3A_1025, %dma_start3A_1026] : memref<8x40x64xf32, #tpu.memory_space<vmem>> -> memref<1x40x64xf32, #tpu.memory_space<vmem>>
      %dma_start3A_1028 = tpu.memref_squeeze %dma_start3A_1027 : memref<1x40x64xf32, #tpu.memory_space<vmem>> -> memref<40x64xf32, #tpu.memory_space<vmem>>
      %dma_start3A_1029 = tpu.memref_slice %arg5[%select_n3A_1004, %mul3A_1022] : memref<128x200xi32, #tpu.memory_space<vmem>> -> memref<1x40xi32, #tpu.memory_space<vmem>>
      %dma_start3A_1030 = tpu.memref_squeeze %dma_start3A_1029 : memref<1x40xi32, #tpu.memory_space<vmem>> -> memref<40xi32, #tpu.memory_space<vmem>>
      %dma_start3A_1031 = arith.constant 0 : i32
      %dma_start3A_1032 = arith.constant 0 : i32
      %dma_start3A_1033 = tpu.memref_slice %arg3[%dma_start3A_1031, %dma_start3A_1032] : memref<1000000x64xf32, #tpu.memory_space<hbm>> -> memref<1000000x64xf32, #tpu.memory_space<hbm>>
      %dma_start3A_1034 = tpu.memref_slice %arg7[%dma_start3A_1024] : memref<8x!tpu.dma_semaphore, #tpu.memory_space<semaphore_mem>> -> memref<1x!tpu.dma_semaphore, #tpu.memory_space<semaphore_mem>>
      %dma_start3A_1035 = tpu.memref_squeeze %dma_start3A_1034 : memref<1x!tpu.dma_semaphore, #tpu.memory_space<semaphore_mem>> -> memref<!tpu.dma_semaphore, #tpu.memory_space<semaphore_mem>>
      tpu.enqueue_indirect_dma source(%dma_start3A_1033 : memref<1000000x64xf32, #tpu.memory_space<hbm>>) target(%dma_start3A_1028 : memref<40x64xf32, #tpu.memory_space<vmem>>) offsets(%dma_start3A_1030 : memref<40xi32, #tpu.memory_space<vmem>>) semaphore(%dma_start3A_1035 : memref<!tpu.dma_semaphore, #tpu.memory_space<semaphore_mem>>)
      %mul3A_1036 = arith.constant 4 : i32
      %mul3A_1037 = arith.muli %add3A_858, %mul3A_1036 : i32
      %add3A_1038 = arith.constant 3 : i32
      %add3A_1039 = arith.addi %mul3A_1037, %add3A_1038 : i32
      %jit3A_1040 = arith.constant 5 : i32
      %div3A_1041 = arith.divsi %add3A_1039, %jit3A_1040 : i32
      %sign3A_1042 = arith.constant 0 : i32
      %sign3A_1043 = arith.cmpi sgt, %add3A_1039, %sign3A_1042 : i32
      %sign3A_1044 = arith.extui %sign3A_1043 : i1 to i32
      %sign3A_1045 = arith.constant 0 : i32
      %sign3A_1046 = arith.cmpi slt, %add3A_1039, %sign3A_1045 : i32
      %sign3A_1047 = arith.extui %sign3A_1046 : i1 to i32
      %sign3A_1048 = arith.subi %sign3A_1044, %sign3A_1047 : i32
      %sign3A_1049 = arith.constant 0 : i32
      %sign3A_1050 = arith.cmpi sgt, %jit3A_1040, %sign3A_1049 : i32
      %sign3A_1051 = arith.extui %sign3A_1050 : i1 to i32
      %sign3A_1052 = arith.constant 0 : i32
      %sign3A_1053 = arith.cmpi slt, %jit3A_1040, %sign3A_1052 : i32
      %sign3A_1054 = arith.extui %sign3A_1053 : i1 to i32
      %sign3A_1055 = arith.subi %sign3A_1051, %sign3A_1054 : i32
      %ne3A_1056 = arith.cmpi ne, %sign3A_1048, %sign3A_1055 : i32
      %rem3A_1057 = arith.remsi %add3A_1039, %jit3A_1040 : i32
      %ne3A_1058 = arith.constant 0 : i32
      %ne3A_1059 = arith.cmpi ne, %rem3A_1057, %ne3A_1058 : i32
      %and3A_1060 = arith.andi %ne3A_1056, %ne3A_1059 : i1
      %sub3A_1061 = arith.constant 1 : i32
      %sub3A_1062 = arith.subi %div3A_1041, %sub3A_1061 : i32
      %select_n3A_1063 = arith.select %and3A_1060, %sub3A_1062, %div3A_1041 : i32
      %jit3A_1064 = arith.constant 5 : i32
      %eq3A_1065 = arith.constant 0 : i32
      %eq3A_1066 = arith.cmpi eq, %jit3A_1064, %eq3A_1065 : i32
      %jit3A_1067 = arith.constant 1 : i32
      %select_n3A_1068 = arith.select %eq3A_1066, %jit3A_1067, %jit3A_1064 : i32
      %rem3A_1069 = arith.remsi %add3A_1039, %select_n3A_1068 : i32
      %ne3A_1070 = arith.constant 0 : i32
      %ne3A_1071 = arith.cmpi ne, %rem3A_1069, %ne3A_1070 : i32
      %lt3A_1072 = arith.constant 0 : i32
      %lt3A_1073 = arith.cmpi slt, %rem3A_1069, %lt3A_1072 : i32
      %lt3A_1074 = arith.constant 0 : i32
      %lt3A_1075 = arith.cmpi slt, %select_n3A_1068, %lt3A_1074 : i32
      %ne3A_1076 = arith.xori %lt3A_1073, %lt3A_1075 : i1
      %and3A_1077 = arith.andi %ne3A_1076, %ne3A_1071 : i1
      %add3A_1078 = arith.addi %rem3A_1069, %select_n3A_1068 : i32
      %select_n3A_1079 = arith.select %and3A_1077, %add3A_1078, %rem3A_1069 : i32
      %mul3A_1080 = arith.constant 40 : i32
      %mul3A_1081 = arith.muli %select_n3A_1079, %mul3A_1080 : i32
      %dma_start3A_1082 = arith.constant 3 : i32
      %dma_start3A_1083 = arith.constant 3 : i32
      %dma_start3A_1084 = arith.constant 0 : i32
      %dma_start3A_1085 = arith.constant 0 : i32
      %dma_start3A_1086 = tpu.memref_slice %arg6[%dma_start3A_1082, %dma_start3A_1084, %dma_start3A_1085] : memref<8x40x64xf32, #tpu.memory_space<vmem>> -> memref<1x40x64xf32, #tpu.memory_space<vmem>>
      %dma_start3A_1087 = tpu.memref_squeeze %dma_start3A_1086 : memref<1x40x64xf32, #tpu.memory_space<vmem>> -> memref<40x64xf32, #tpu.memory_space<vmem>>
      %dma_start3A_1088 = tpu.memref_slice %arg5[%select_n3A_1063, %mul3A_1081] : memref<128x200xi32, #tpu.memory_space<vmem>> -> memref<1x40xi32, #tpu.memory_space<vmem>>
      %dma_start3A_1089 = tpu.memref_squeeze %dma_start3A_1088 : memref<1x40xi32, #tpu.memory_space<vmem>> -> memref<40xi32, #tpu.memory_space<vmem>>
      %dma_start3A_1090 = arith.constant 0 : i32
      %dma_start3A_1091 = arith.constant 0 : i32
      %dma_start3A_1092 = tpu.memref_slice %arg3[%dma_start3A_1090, %dma_start3A_1091] : memref<1000000x64xf32, #tpu.memory_space<hbm>> -> memref<1000000x64xf32, #tpu.memory_space<hbm>>
      %dma_start3A_1093 = tpu.memref_slice %arg7[%dma_start3A_1083] : memref<8x!tpu.dma_semaphore, #tpu.memory_space<semaphore_mem>> -> memref<1x!tpu.dma_semaphore, #tpu.memory_space<semaphore_mem>>
      %dma_start3A_1094 = tpu.memref_squeeze %dma_start3A_1093 : memref<1x!tpu.dma_semaphore, #tpu.memory_space<semaphore_mem>> -> memref<!tpu.dma_semaphore, #tpu.memory_space<semaphore_mem>>
      tpu.enqueue_indirect_dma source(%dma_start3A_1092 : memref<1000000x64xf32, #tpu.memory_space<hbm>>) target(%dma_start3A_1087 : memref<40x64xf32, #tpu.memory_space<vmem>>) offsets(%dma_start3A_1089 : memref<40xi32, #tpu.memory_space<vmem>>) semaphore(%dma_start3A_1094 : memref<!tpu.dma_semaphore, #tpu.memory_space<semaphore_mem>>)
      %mul3A_1095 = arith.constant 4 : i32
      %mul3A_1096 = arith.muli %add3A_604, %mul3A_1095 : i32
      %add3A_1097 = arith.constant 0 : i32
      %add3A_1098 = arith.addi %mul3A_1096, %add3A_1097 : i32
      %jit3A_1099 = arith.constant 5 : i32
      %div3A_1100 = arith.divsi %add3A_1098, %jit3A_1099 : i32
      %sign3A_1101 = arith.constant 0 : i32
      %sign3A_1102 = arith.cmpi sgt, %add3A_1098, %sign3A_1101 : i32
      %sign3A_1103 = arith.extui %sign3A_1102 : i1 to i32
      %sign3A_1104 = arith.constant 0 : i32
      %sign3A_1105 = arith.cmpi slt, %add3A_1098, %sign3A_1104 : i32
      %sign3A_1106 = arith.extui %sign3A_1105 : i1 to i32
      %sign3A_1107 = arith.subi %sign3A_1103, %sign3A_1106 : i32
      %sign3A_1108 = arith.constant 0 : i32
      %sign3A_1109 = arith.cmpi sgt, %jit3A_1099, %sign3A_1108 : i32
      %sign3A_1110 = arith.extui %sign3A_1109 : i1 to i32
      %sign3A_1111 = arith.constant 0 : i32
      %sign3A_1112 = arith.cmpi slt, %jit3A_1099, %sign3A_1111 : i32
      %sign3A_1113 = arith.extui %sign3A_1112 : i1 to i32
      %sign3A_1114 = arith.subi %sign3A_1110, %sign3A_1113 : i32
      %ne3A_1115 = arith.cmpi ne, %sign3A_1107, %sign3A_1114 : i32
      %rem3A_1116 = arith.remsi %add3A_1098, %jit3A_1099 : i32
      %ne3A_1117 = arith.constant 0 : i32
      %ne3A_1118 = arith.cmpi ne, %rem3A_1116, %ne3A_1117 : i32
      %and3A_1119 = arith.andi %ne3A_1115, %ne3A_1118 : i1
      %sub3A_1120 = arith.constant 1 : i32
      %sub3A_1121 = arith.subi %div3A_1100, %sub3A_1120 : i32
      %select_n3A_1122 = arith.select %and3A_1119, %sub3A_1121, %div3A_1100 : i32
      %jit3A_1123 = arith.constant 5 : i32
      %eq3A_1124 = arith.constant 0 : i32
      %eq3A_1125 = arith.cmpi eq, %jit3A_1123, %eq3A_1124 : i32
      %jit3A_1126 = arith.constant 1 : i32
      %select_n3A_1127 = arith.select %eq3A_1125, %jit3A_1126, %jit3A_1123 : i32
      %rem3A_1128 = arith.remsi %add3A_1098, %select_n3A_1127 : i32
      %ne3A_1129 = arith.constant 0 : i32
      %ne3A_1130 = arith.cmpi ne, %rem3A_1128, %ne3A_1129 : i32
      %lt3A_1131 = arith.constant 0 : i32
      %lt3A_1132 = arith.cmpi slt, %rem3A_1128, %lt3A_1131 : i32
      %lt3A_1133 = arith.constant 0 : i32
      %lt3A_1134 = arith.cmpi slt, %select_n3A_1127, %lt3A_1133 : i32
      %ne3A_1135 = arith.xori %lt3A_1132, %lt3A_1134 : i1
      %and3A_1136 = arith.andi %ne3A_1135, %ne3A_1130 : i1
      %add3A_1137 = arith.addi %rem3A_1128, %select_n3A_1127 : i32
      %select_n3A_1138 = arith.select %and3A_1136, %add3A_1137, %rem3A_1128 : i32
      %mul3A_1139 = arith.constant 40 : i32
      %mul3A_1140 = arith.muli %select_n3A_1138, %mul3A_1139 : i32
      %dma_wait3A_1141 = arith.constant 4 : i32
      %dma_wait3A_1142 = arith.constant 4 : i32
      %dma_wait3A_1143 = arith.constant 0 : i32
      %dma_wait3A_1144 = arith.constant 0 : i32
      %dma_wait3A_1145 = tpu.memref_slice %arg6[%dma_wait3A_1141, %dma_wait3A_1143, %dma_wait3A_1144] : memref<8x40x64xf32, #tpu.memory_space<vmem>> -> memref<1x40x64xf32, #tpu.memory_space<vmem>>
      %dma_wait3A_1146 = tpu.memref_squeeze %dma_wait3A_1145 : memref<1x40x64xf32, #tpu.memory_space<vmem>> -> memref<40x64xf32, #tpu.memory_space<vmem>>
      %dma_wait3A_1147 = tpu.memref_slice %arg5[%select_n3A_1122, %mul3A_1140] : memref<128x200xi32, #tpu.memory_space<vmem>> -> memref<1x40xi32, #tpu.memory_space<vmem>>
      %dma_wait3A_1148 = tpu.memref_squeeze %dma_wait3A_1147 : memref<1x40xi32, #tpu.memory_space<vmem>> -> memref<40xi32, #tpu.memory_space<vmem>>
      %dma_wait3A_1149 = arith.constant 0 : i32
      %dma_wait3A_1150 = arith.constant 0 : i32
      %dma_wait3A_1151 = tpu.memref_slice %arg3[%dma_wait3A_1149, %dma_wait3A_1150] : memref<1000000x64xf32, #tpu.memory_space<hbm>> -> memref<1000000x64xf32, #tpu.memory_space<hbm>>
      %dma_wait3A_1152 = tpu.memref_slice %arg7[%dma_wait3A_1142] : memref<8x!tpu.dma_semaphore, #tpu.memory_space<semaphore_mem>> -> memref<1x!tpu.dma_semaphore, #tpu.memory_space<semaphore_mem>>
      %dma_wait3A_1153 = tpu.memref_squeeze %dma_wait3A_1152 : memref<1x!tpu.dma_semaphore, #tpu.memory_space<semaphore_mem>> -> memref<!tpu.dma_semaphore, #tpu.memory_space<semaphore_mem>>
      tpu.wait_indirect_dma semaphore(%dma_wait3A_1153 : memref<!tpu.dma_semaphore, #tpu.memory_space<semaphore_mem>>) src(%dma_wait3A_1151 : memref<1000000x64xf32, #tpu.memory_space<hbm>>) dst(%dma_wait3A_1146 : memref<40x64xf32, #tpu.memory_space<vmem>>)
      %mul3A_1154 = arith.constant 4 : i32
      %mul3A_1155 = arith.muli %add3A_604, %mul3A_1154 : i32
      %add3A_1156 = arith.constant 1 : i32
      %add3A_1157 = arith.addi %mul3A_1155, %add3A_1156 : i32
      %jit3A_1158 = arith.constant 5 : i32
      %div3A_1159 = arith.divsi %add3A_1157, %jit3A_1158 : i32
      %sign3A_1160 = arith.constant 0 : i32
      %sign3A_1161 = arith.cmpi sgt, %add3A_1157, %sign3A_1160 : i32
      %sign3A_1162 = arith.extui %sign3A_1161 : i1 to i32
      %sign3A_1163 = arith.constant 0 : i32
      %sign3A_1164 = arith.cmpi slt, %add3A_1157, %sign3A_1163 : i32
      %sign3A_1165 = arith.extui %sign3A_1164 : i1 to i32
      %sign3A_1166 = arith.subi %sign3A_1162, %sign3A_1165 : i32
      %sign3A_1167 = arith.constant 0 : i32
      %sign3A_1168 = arith.cmpi sgt, %jit3A_1158, %sign3A_1167 : i32
      %sign3A_1169 = arith.extui %sign3A_1168 : i1 to i32
      %sign3A_1170 = arith.constant 0 : i32
      %sign3A_1171 = arith.cmpi slt, %jit3A_1158, %sign3A_1170 : i32
      %sign3A_1172 = arith.extui %sign3A_1171 : i1 to i32
      %sign3A_1173 = arith.subi %sign3A_1169, %sign3A_1172 : i32
      %ne3A_1174 = arith.cmpi ne, %sign3A_1166, %sign3A_1173 : i32
      %rem3A_1175 = arith.remsi %add3A_1157, %jit3A_1158 : i32
      %ne3A_1176 = arith.constant 0 : i32
      %ne3A_1177 = arith.cmpi ne, %rem3A_1175, %ne3A_1176 : i32
      %and3A_1178 = arith.andi %ne3A_1174, %ne3A_1177 : i1
      %sub3A_1179 = arith.constant 1 : i32
      %sub3A_1180 = arith.subi %div3A_1159, %sub3A_1179 : i32
      %select_n3A_1181 = arith.select %and3A_1178, %sub3A_1180, %div3A_1159 : i32
      %jit3A_1182 = arith.constant 5 : i32
      %eq3A_1183 = arith.constant 0 : i32
      %eq3A_1184 = arith.cmpi eq, %jit3A_1182, %eq3A_1183 : i32
      %jit3A_1185 = arith.constant 1 : i32
      %select_n3A_1186 = arith.select %eq3A_1184, %jit3A_1185, %jit3A_1182 : i32
      %rem3A_1187 = arith.remsi %add3A_1157, %select_n3A_1186 : i32
      %ne3A_1188 = arith.constant 0 : i32
      %ne3A_1189 = arith.cmpi ne, %rem3A_1187, %ne3A_1188 : i32
      %lt3A_1190 = arith.constant 0 : i32
      %lt3A_1191 = arith.cmpi slt, %rem3A_1187, %lt3A_1190 : i32
      %lt3A_1192 = arith.constant 0 : i32
      %lt3A_1193 = arith.cmpi slt, %select_n3A_1186, %lt3A_1192 : i32
      %ne3A_1194 = arith.xori %lt3A_1191, %lt3A_1193 : i1
      %and3A_1195 = arith.andi %ne3A_1194, %ne3A_1189 : i1
      %add3A_1196 = arith.addi %rem3A_1187, %select_n3A_1186 : i32
      %select_n3A_1197 = arith.select %and3A_1195, %add3A_1196, %rem3A_1187 : i32
      %mul3A_1198 = arith.constant 40 : i32
      %mul3A_1199 = arith.muli %select_n3A_1197, %mul3A_1198 : i32
      %dma_wait3A_1200 = arith.constant 5 : i32
      %dma_wait3A_1201 = arith.constant 5 : i32
      %dma_wait3A_1202 = arith.constant 0 : i32
      %dma_wait3A_1203 = arith.constant 0 : i32
      %dma_wait3A_1204 = tpu.memref_slice %arg6[%dma_wait3A_1200, %dma_wait3A_1202, %dma_wait3A_1203] : memref<8x40x64xf32, #tpu.memory_space<vmem>> -> memref<1x40x64xf32, #tpu.memory_space<vmem>>
      %dma_wait3A_1205 = tpu.memref_squeeze %dma_wait3A_1204 : memref<1x40x64xf32, #tpu.memory_space<vmem>> -> memref<40x64xf32, #tpu.memory_space<vmem>>
      %dma_wait3A_1206 = tpu.memref_slice %arg5[%select_n3A_1181, %mul3A_1199] : memref<128x200xi32, #tpu.memory_space<vmem>> -> memref<1x40xi32, #tpu.memory_space<vmem>>
      %dma_wait3A_1207 = tpu.memref_squeeze %dma_wait3A_1206 : memref<1x40xi32, #tpu.memory_space<vmem>> -> memref<40xi32, #tpu.memory_space<vmem>>
      %dma_wait3A_1208 = arith.constant 0 : i32
      %dma_wait3A_1209 = arith.constant 0 : i32
      %dma_wait3A_1210 = tpu.memref_slice %arg3[%dma_wait3A_1208, %dma_wait3A_1209] : memref<1000000x64xf32, #tpu.memory_space<hbm>> -> memref<1000000x64xf32, #tpu.memory_space<hbm>>
      %dma_wait3A_1211 = tpu.memref_slice %arg7[%dma_wait3A_1201] : memref<8x!tpu.dma_semaphore, #tpu.memory_space<semaphore_mem>> -> memref<1x!tpu.dma_semaphore, #tpu.memory_space<semaphore_mem>>
      %dma_wait3A_1212 = tpu.memref_squeeze %dma_wait3A_1211 : memref<1x!tpu.dma_semaphore, #tpu.memory_space<semaphore_mem>> -> memref<!tpu.dma_semaphore, #tpu.memory_space<semaphore_mem>>
      tpu.wait_indirect_dma semaphore(%dma_wait3A_1212 : memref<!tpu.dma_semaphore, #tpu.memory_space<semaphore_mem>>) src(%dma_wait3A_1210 : memref<1000000x64xf32, #tpu.memory_space<hbm>>) dst(%dma_wait3A_1205 : memref<40x64xf32, #tpu.memory_space<vmem>>)
      %mul3A_1213 = arith.constant 4 : i32
      %mul3A_1214 = arith.muli %add3A_604, %mul3A_1213 : i32
      %add3A_1215 = arith.constant 2 : i32
      %add3A_1216 = arith.addi %mul3A_1214, %add3A_1215 : i32
      %jit3A_1217 = arith.constant 5 : i32
      %div3A_1218 = arith.divsi %add3A_1216, %jit3A_1217 : i32
      %sign3A_1219 = arith.constant 0 : i32
      %sign3A_1220 = arith.cmpi sgt, %add3A_1216, %sign3A_1219 : i32
      %sign3A_1221 = arith.extui %sign3A_1220 : i1 to i32
      %sign3A_1222 = arith.constant 0 : i32
      %sign3A_1223 = arith.cmpi slt, %add3A_1216, %sign3A_1222 : i32
      %sign3A_1224 = arith.extui %sign3A_1223 : i1 to i32
      %sign3A_1225 = arith.subi %sign3A_1221, %sign3A_1224 : i32
      %sign3A_1226 = arith.constant 0 : i32
      %sign3A_1227 = arith.cmpi sgt, %jit3A_1217, %sign3A_1226 : i32
      %sign3A_1228 = arith.extui %sign3A_1227 : i1 to i32
      %sign3A_1229 = arith.constant 0 : i32
      %sign3A_1230 = arith.cmpi slt, %jit3A_1217, %sign3A_1229 : i32
      %sign3A_1231 = arith.extui %sign3A_1230 : i1 to i32
      %sign3A_1232 = arith.subi %sign3A_1228, %sign3A_1231 : i32
      %ne3A_1233 = arith.cmpi ne, %sign3A_1225, %sign3A_1232 : i32
      %rem3A_1234 = arith.remsi %add3A_1216, %jit3A_1217 : i32
      %ne3A_1235 = arith.constant 0 : i32
      %ne3A_1236 = arith.cmpi ne, %rem3A_1234, %ne3A_1235 : i32
      %and3A_1237 = arith.andi %ne3A_1233, %ne3A_1236 : i1
      %sub3A_1238 = arith.constant 1 : i32
      %sub3A_1239 = arith.subi %div3A_1218, %sub3A_1238 : i32
      %select_n3A_1240 = arith.select %and3A_1237, %sub3A_1239, %div3A_1218 : i32
      %jit3A_1241 = arith.constant 5 : i32
      %eq3A_1242 = arith.constant 0 : i32
      %eq3A_1243 = arith.cmpi eq, %jit3A_1241, %eq3A_1242 : i32
      %jit3A_1244 = arith.constant 1 : i32
      %select_n3A_1245 = arith.select %eq3A_1243, %jit3A_1244, %jit3A_1241 : i32
      %rem3A_1246 = arith.remsi %add3A_1216, %select_n3A_1245 : i32
      %ne3A_1247 = arith.constant 0 : i32
      %ne3A_1248 = arith.cmpi ne, %rem3A_1246, %ne3A_1247 : i32
      %lt3A_1249 = arith.constant 0 : i32
      %lt3A_1250 = arith.cmpi slt, %rem3A_1246, %lt3A_1249 : i32
      %lt3A_1251 = arith.constant 0 : i32
      %lt3A_1252 = arith.cmpi slt, %select_n3A_1245, %lt3A_1251 : i32
      %ne3A_1253 = arith.xori %lt3A_1250, %lt3A_1252 : i1
      %and3A_1254 = arith.andi %ne3A_1253, %ne3A_1248 : i1
      %add3A_1255 = arith.addi %rem3A_1246, %select_n3A_1245 : i32
      %select_n3A_1256 = arith.select %and3A_1254, %add3A_1255, %rem3A_1246 : i32
      %mul3A_1257 = arith.constant 40 : i32
      %mul3A_1258 = arith.muli %select_n3A_1256, %mul3A_1257 : i32
      %dma_wait3A_1259 = arith.constant 6 : i32
      %dma_wait3A_1260 = arith.constant 6 : i32
      %dma_wait3A_1261 = arith.constant 0 : i32
      %dma_wait3A_1262 = arith.constant 0 : i32
      %dma_wait3A_1263 = tpu.memref_slice %arg6[%dma_wait3A_1259, %dma_wait3A_1261, %dma_wait3A_1262] : memref<8x40x64xf32, #tpu.memory_space<vmem>> -> memref<1x40x64xf32, #tpu.memory_space<vmem>>
      %dma_wait3A_1264 = tpu.memref_squeeze %dma_wait3A_1263 : memref<1x40x64xf32, #tpu.memory_space<vmem>> -> memref<40x64xf32, #tpu.memory_space<vmem>>
      %dma_wait3A_1265 = tpu.memref_slice %arg5[%select_n3A_1240, %mul3A_1258] : memref<128x200xi32, #tpu.memory_space<vmem>> -> memref<1x40xi32, #tpu.memory_space<vmem>>
      %dma_wait3A_1266 = tpu.memref_squeeze %dma_wait3A_1265 : memref<1x40xi32, #tpu.memory_space<vmem>> -> memref<40xi32, #tpu.memory_space<vmem>>
      %dma_wait3A_1267 = arith.constant 0 : i32
      %dma_wait3A_1268 = arith.constant 0 : i32
      %dma_wait3A_1269 = tpu.memref_slice %arg3[%dma_wait3A_1267, %dma_wait3A_1268] : memref<1000000x64xf32, #tpu.memory_space<hbm>> -> memref<1000000x64xf32, #tpu.memory_space<hbm>>
      %dma_wait3A_1270 = tpu.memref_slice %arg7[%dma_wait3A_1260] : memref<8x!tpu.dma_semaphore, #tpu.memory_space<semaphore_mem>> -> memref<1x!tpu.dma_semaphore, #tpu.memory_space<semaphore_mem>>
      %dma_wait3A_1271 = tpu.memref_squeeze %dma_wait3A_1270 : memref<1x!tpu.dma_semaphore, #tpu.memory_space<semaphore_mem>> -> memref<!tpu.dma_semaphore, #tpu.memory_space<semaphore_mem>>
      tpu.wait_indirect_dma semaphore(%dma_wait3A_1271 : memref<!tpu.dma_semaphore, #tpu.memory_space<semaphore_mem>>) src(%dma_wait3A_1269 : memref<1000000x64xf32, #tpu.memory_space<hbm>>) dst(%dma_wait3A_1264 : memref<40x64xf32, #tpu.memory_space<vmem>>)
      %mul3A_1272 = arith.constant 4 : i32
      %mul3A_1273 = arith.muli %add3A_604, %mul3A_1272 : i32
      %add3A_1274 = arith.constant 3 : i32
      %add3A_1275 = arith.addi %mul3A_1273, %add3A_1274 : i32
      %jit3A_1276 = arith.constant 5 : i32
      %div3A_1277 = arith.divsi %add3A_1275, %jit3A_1276 : i32
      %sign3A_1278 = arith.constant 0 : i32
      %sign3A_1279 = arith.cmpi sgt, %add3A_1275, %sign3A_1278 : i32
      %sign3A_1280 = arith.extui %sign3A_1279 : i1 to i32
      %sign3A_1281 = arith.constant 0 : i32
      %sign3A_1282 = arith.cmpi slt, %add3A_1275, %sign3A_1281 : i32
      %sign3A_1283 = arith.extui %sign3A_1282 : i1 to i32
      %sign3A_1284 = arith.subi %sign3A_1280, %sign3A_1283 : i32
      %sign3A_1285 = arith.constant 0 : i32
      %sign3A_1286 = arith.cmpi sgt, %jit3A_1276, %sign3A_1285 : i32
      %sign3A_1287 = arith.extui %sign3A_1286 : i1 to i32
      %sign3A_1288 = arith.constant 0 : i32
      %sign3A_1289 = arith.cmpi slt, %jit3A_1276, %sign3A_1288 : i32
      %sign3A_1290 = arith.extui %sign3A_1289 : i1 to i32
      %sign3A_1291 = arith.subi %sign3A_1287, %sign3A_1290 : i32
      %ne3A_1292 = arith.cmpi ne, %sign3A_1284, %sign3A_1291 : i32
      %rem3A_1293 = arith.remsi %add3A_1275, %jit3A_1276 : i32
      %ne3A_1294 = arith.constant 0 : i32
      %ne3A_1295 = arith.cmpi ne, %rem3A_1293, %ne3A_1294 : i32
      %and3A_1296 = arith.andi %ne3A_1292, %ne3A_1295 : i1
      %sub3A_1297 = arith.constant 1 : i32
      %sub3A_1298 = arith.subi %div3A_1277, %sub3A_1297 : i32
      %select_n3A_1299 = arith.select %and3A_1296, %sub3A_1298, %div3A_1277 : i32
      %jit3A_1300 = arith.constant 5 : i32
      %eq3A_1301 = arith.constant 0 : i32
      %eq3A_1302 = arith.cmpi eq, %jit3A_1300, %eq3A_1301 : i32
      %jit3A_1303 = arith.constant 1 : i32
      %select_n3A_1304 = arith.select %eq3A_1302, %jit3A_1303, %jit3A_1300 : i32
      %rem3A_1305 = arith.remsi %add3A_1275, %select_n3A_1304 : i32
      %ne3A_1306 = arith.constant 0 : i32
      %ne3A_1307 = arith.cmpi ne, %rem3A_1305, %ne3A_1306 : i32
      %lt3A_1308 = arith.constant 0 : i32
      %lt3A_1309 = arith.cmpi slt, %rem3A_1305, %lt3A_1308 : i32
      %lt3A_1310 = arith.constant 0 : i32
      %lt3A_1311 = arith.cmpi slt, %select_n3A_1304, %lt3A_1310 : i32
      %ne3A_1312 = arith.xori %lt3A_1309, %lt3A_1311 : i1
      %and3A_1313 = arith.andi %ne3A_1312, %ne3A_1307 : i1
      %add3A_1314 = arith.addi %rem3A_1305, %select_n3A_1304 : i32
      %select_n3A_1315 = arith.select %and3A_1313, %add3A_1314, %rem3A_1305 : i32
      %mul3A_1316 = arith.constant 40 : i32
      %mul3A_1317 = arith.muli %select_n3A_1315, %mul3A_1316 : i32
      %dma_wait3A_1318 = arith.constant 7 : i32
      %dma_wait3A_1319 = arith.constant 7 : i32
      %dma_wait3A_1320 = arith.constant 0 : i32
      %dma_wait3A_1321 = arith.constant 0 : i32
      %dma_wait3A_1322 = tpu.memref_slice %arg6[%dma_wait3A_1318, %dma_wait3A_1320, %dma_wait3A_1321] : memref<8x40x64xf32, #tpu.memory_space<vmem>> -> memref<1x40x64xf32, #tpu.memory_space<vmem>>
      %dma_wait3A_1323 = tpu.memref_squeeze %dma_wait3A_1322 : memref<1x40x64xf32, #tpu.memory_space<vmem>> -> memref<40x64xf32, #tpu.memory_space<vmem>>
      %dma_wait3A_1324 = tpu.memref_slice %arg5[%select_n3A_1299, %mul3A_1317] : memref<128x200xi32, #tpu.memory_space<vmem>> -> memref<1x40xi32, #tpu.memory_space<vmem>>
      %dma_wait3A_1325 = tpu.memref_squeeze %dma_wait3A_1324 : memref<1x40xi32, #tpu.memory_space<vmem>> -> memref<40xi32, #tpu.memory_space<vmem>>
      %dma_wait3A_1326 = arith.constant 0 : i32
      %dma_wait3A_1327 = arith.constant 0 : i32
      %dma_wait3A_1328 = tpu.memref_slice %arg3[%dma_wait3A_1326, %dma_wait3A_1327] : memref<1000000x64xf32, #tpu.memory_space<hbm>> -> memref<1000000x64xf32, #tpu.memory_space<hbm>>
      %dma_wait3A_1329 = tpu.memref_slice %arg7[%dma_wait3A_1319] : memref<8x!tpu.dma_semaphore, #tpu.memory_space<semaphore_mem>> -> memref<1x!tpu.dma_semaphore, #tpu.memory_space<semaphore_mem>>
      %dma_wait3A_1330 = tpu.memref_squeeze %dma_wait3A_1329 : memref<1x!tpu.dma_semaphore, #tpu.memory_space<semaphore_mem>> -> memref<!tpu.dma_semaphore, #tpu.memory_space<semaphore_mem>>
      tpu.wait_indirect_dma semaphore(%dma_wait3A_1330 : memref<!tpu.dma_semaphore, #tpu.memory_space<semaphore_mem>>) src(%dma_wait3A_1328 : memref<1000000x64xf32, #tpu.memory_space<hbm>>) dst(%dma_wait3A_1323 : memref<40x64xf32, #tpu.memory_space<vmem>>)
      %mul3A_1331 = arith.constant 4 : i32
      %mul3A_1332 = arith.muli %add3A_604, %mul3A_1331 : i32
      %add3A_1333 = arith.constant 0 : i32
      %add3A_1334 = arith.addi %mul3A_1332, %add3A_1333 : i32
      %jit3A_1335 = arith.constant 5 : i32
      %div3A_1336 = arith.divsi %add3A_1334, %jit3A_1335 : i32
      %sign3A_1337 = arith.constant 0 : i32
      %sign3A_1338 = arith.cmpi sgt, %add3A_1334, %sign3A_1337 : i32
      %sign3A_1339 = arith.extui %sign3A_1338 : i1 to i32
      %sign3A_1340 = arith.constant 0 : i32
      %sign3A_1341 = arith.cmpi slt, %add3A_1334, %sign3A_1340 : i32
      %sign3A_1342 = arith.extui %sign3A_1341 : i1 to i32
      %sign3A_1343 = arith.subi %sign3A_1339, %sign3A_1342 : i32
      %sign3A_1344 = arith.constant 0 : i32
      %sign3A_1345 = arith.cmpi sgt, %jit3A_1335, %sign3A_1344 : i32
      %sign3A_1346 = arith.extui %sign3A_1345 : i1 to i32
      %sign3A_1347 = arith.constant 0 : i32
      %sign3A_1348 = arith.cmpi slt, %jit3A_1335, %sign3A_1347 : i32
      %sign3A_1349 = arith.extui %sign3A_1348 : i1 to i32
      %sign3A_1350 = arith.subi %sign3A_1346, %sign3A_1349 : i32
      %ne3A_1351 = arith.cmpi ne, %sign3A_1343, %sign3A_1350 : i32
      %rem3A_1352 = arith.remsi %add3A_1334, %jit3A_1335 : i32
      %ne3A_1353 = arith.constant 0 : i32
      %ne3A_1354 = arith.cmpi ne, %rem3A_1352, %ne3A_1353 : i32
      %and3A_1355 = arith.andi %ne3A_1351, %ne3A_1354 : i1
      %sub3A_1356 = arith.constant 1 : i32
      %sub3A_1357 = arith.subi %div3A_1336, %sub3A_1356 : i32
      %select_n3A_1358 = arith.select %and3A_1355, %sub3A_1357, %div3A_1336 : i32
      %jit3A_1359 = arith.constant 5 : i32
      %eq3A_1360 = arith.constant 0 : i32
      %eq3A_1361 = arith.cmpi eq, %jit3A_1359, %eq3A_1360 : i32
      %jit3A_1362 = arith.constant 1 : i32
      %select_n3A_1363 = arith.select %eq3A_1361, %jit3A_1362, %jit3A_1359 : i32
      %rem3A_1364 = arith.remsi %add3A_1334, %select_n3A_1363 : i32
      %ne3A_1365 = arith.constant 0 : i32
      %ne3A_1366 = arith.cmpi ne, %rem3A_1364, %ne3A_1365 : i32
      %lt3A_1367 = arith.constant 0 : i32
      %lt3A_1368 = arith.cmpi slt, %rem3A_1364, %lt3A_1367 : i32
      %lt3A_1369 = arith.constant 0 : i32
      %lt3A_1370 = arith.cmpi slt, %select_n3A_1363, %lt3A_1369 : i32
      %ne3A_1371 = arith.xori %lt3A_1368, %lt3A_1370 : i1
      %and3A_1372 = arith.andi %ne3A_1371, %ne3A_1366 : i1
      %add3A_1373 = arith.addi %rem3A_1364, %select_n3A_1363 : i32
      %select_n3A_1374 = arith.select %and3A_1372, %add3A_1373, %rem3A_1364 : i32
      %mul3A_1375 = arith.constant 40 : i32
      %mul3A_1376 = arith.muli %select_n3A_1374, %mul3A_1375 : i32
      %add3A_1377 = arith.addi %mul3A_2, %select_n3A_1358 : i32
      %dma_start3A_1378 = arith.constant 4 : i32
      %dma_start3A_1379 = arith.constant 4 : i32
      %dma_start3A_1380 = arith.constant 0 : i32
      %dma_start3A_1381 = arith.constant 0 : i32
      %dma_start3A_1382 = tpu.memref_slice %arg6[%dma_start3A_1378, %dma_start3A_1380, %dma_start3A_1381] : memref<8x40x64xf32, #tpu.memory_space<vmem>> -> memref<1x40x64xf32, #tpu.memory_space<vmem>>
      %dma_start3A_1383 = tpu.memref_squeeze %dma_start3A_1382 : memref<1x40x64xf32, #tpu.memory_space<vmem>> -> memref<40x64xf32, #tpu.memory_space<vmem>>
      %dma_start3A_1384 = arith.constant 0 : i32
      %dma_start3A_1385 = tpu.memref_slice %arg4[%add3A_1377, %mul3A_1376, %dma_start3A_1384] : memref<4096x200x128xf32, #tpu.memory_space<hbm>> -> memref<1x40x64xf32, #tpu.memory_space<hbm>>
      %dma_start3A_1386 = tpu.memref_squeeze %dma_start3A_1385 : memref<1x40x64xf32, #tpu.memory_space<hbm>> -> memref<40x64xf32, #tpu.memory_space<hbm>>
      %dma_start3A_1387 = tpu.memref_slice %arg8[%dma_start3A_1379] : memref<8x!tpu.dma_semaphore, #tpu.memory_space<semaphore_mem>> -> memref<1x!tpu.dma_semaphore, #tpu.memory_space<semaphore_mem>>
      %dma_start3A_1388 = tpu.memref_squeeze %dma_start3A_1387 : memref<1x!tpu.dma_semaphore, #tpu.memory_space<semaphore_mem>> -> memref<!tpu.dma_semaphore, #tpu.memory_space<semaphore_mem>>
      %dma_start3A_1389 = arith.constant 0 : i32
      %dma_start3A_1390 = tpu.memref_slice %arg4[%add3A_1377, %mul3A_1376, %dma_start3A_1389] : memref<4096x200x128xf32, #tpu.memory_space<hbm>> -> memref<1x40x64xf32, #tpu.memory_space<hbm>>
      %dma_start3A_1391 = tpu.memref_squeeze %dma_start3A_1390 : memref<1x40x64xf32, #tpu.memory_space<hbm>> -> memref<40x64xf32, #tpu.memory_space<hbm>>
      %dma_start3A_1392 = arith.constant 0 : i32
      %dma_start3A_1393 = arith.constant 0 : i32
      %dma_start3A_1394 = tpu.memref_slice %arg6[%dma_start3A_1378, %dma_start3A_1392, %dma_start3A_1393] : memref<8x40x64xf32, #tpu.memory_space<vmem>> -> memref<1x40x64xf32, #tpu.memory_space<vmem>>
      %dma_start3A_1395 = tpu.memref_squeeze %dma_start3A_1394 : memref<1x40x64xf32, #tpu.memory_space<vmem>> -> memref<40x64xf32, #tpu.memory_space<vmem>>
      tpu.enqueue_dma source(%dma_start3A_1395 : memref<40x64xf32, #tpu.memory_space<vmem>>) target(%dma_start3A_1391 : memref<40x64xf32, #tpu.memory_space<hbm>>) target_semaphore(%dma_start3A_1388 : memref<!tpu.dma_semaphore, #tpu.memory_space<semaphore_mem>>)
      %mul3A_1396 = arith.constant 4 : i32
      %mul3A_1397 = arith.muli %add3A_604, %mul3A_1396 : i32
      %add3A_1398 = arith.constant 1 : i32
      %add3A_1399 = arith.addi %mul3A_1397, %add3A_1398 : i32
      %jit3A_1400 = arith.constant 5 : i32
      %div3A_1401 = arith.divsi %add3A_1399, %jit3A_1400 : i32
      %sign3A_1402 = arith.constant 0 : i32
      %sign3A_1403 = arith.cmpi sgt, %add3A_1399, %sign3A_1402 : i32
      %sign3A_1404 = arith.extui %sign3A_1403 : i1 to i32
      %sign3A_1405 = arith.constant 0 : i32
      %sign3A_1406 = arith.cmpi slt, %add3A_1399, %sign3A_1405 : i32
      %sign3A_1407 = arith.extui %sign3A_1406 : i1 to i32
      %sign3A_1408 = arith.subi %sign3A_1404, %sign3A_1407 : i32
      %sign3A_1409 = arith.constant 0 : i32
      %sign3A_1410 = arith.cmpi sgt, %jit3A_1400, %sign3A_1409 : i32
      %sign3A_1411 = arith.extui %sign3A_1410 : i1 to i32
      %sign3A_1412 = arith.constant 0 : i32
      %sign3A_1413 = arith.cmpi slt, %jit3A_1400, %sign3A_1412 : i32
      %sign3A_1414 = arith.extui %sign3A_1413 : i1 to i32
      %sign3A_1415 = arith.subi %sign3A_1411, %sign3A_1414 : i32
      %ne3A_1416 = arith.cmpi ne, %sign3A_1408, %sign3A_1415 : i32
      %rem3A_1417 = arith.remsi %add3A_1399, %jit3A_1400 : i32
      %ne3A_1418 = arith.constant 0 : i32
      %ne3A_1419 = arith.cmpi ne, %rem3A_1417, %ne3A_1418 : i32
      %and3A_1420 = arith.andi %ne3A_1416, %ne3A_1419 : i1
      %sub3A_1421 = arith.constant 1 : i32
      %sub3A_1422 = arith.subi %div3A_1401, %sub3A_1421 : i32
      %select_n3A_1423 = arith.select %and3A_1420, %sub3A_1422, %div3A_1401 : i32
      %jit3A_1424 = arith.constant 5 : i32
      %eq3A_1425 = arith.constant 0 : i32
      %eq3A_1426 = arith.cmpi eq, %jit3A_1424, %eq3A_1425 : i32
      %jit3A_1427 = arith.constant 1 : i32
      %select_n3A_1428 = arith.select %eq3A_1426, %jit3A_1427, %jit3A_1424 : i32
      %rem3A_1429 = arith.remsi %add3A_1399, %select_n3A_1428 : i32
      %ne3A_1430 = arith.constant 0 : i32
      %ne3A_1431 = arith.cmpi ne, %rem3A_1429, %ne3A_1430 : i32
      %lt3A_1432 = arith.constant 0 : i32
      %lt3A_1433 = arith.cmpi slt, %rem3A_1429, %lt3A_1432 : i32
      %lt3A_1434 = arith.constant 0 : i32
      %lt3A_1435 = arith.cmpi slt, %select_n3A_1428, %lt3A_1434 : i32
      %ne3A_1436 = arith.xori %lt3A_1433, %lt3A_1435 : i1
      %and3A_1437 = arith.andi %ne3A_1436, %ne3A_1431 : i1
      %add3A_1438 = arith.addi %rem3A_1429, %select_n3A_1428 : i32
      %select_n3A_1439 = arith.select %and3A_1437, %add3A_1438, %rem3A_1429 : i32
      %mul3A_1440 = arith.constant 40 : i32
      %mul3A_1441 = arith.muli %select_n3A_1439, %mul3A_1440 : i32
      %add3A_1442 = arith.addi %mul3A_2, %select_n3A_1423 : i32
      %dma_start3A_1443 = arith.constant 5 : i32
      %dma_start3A_1444 = arith.constant 5 : i32
      %dma_start3A_1445 = arith.constant 0 : i32
      %dma_start3A_1446 = arith.constant 0 : i32
      %dma_start3A_1447 = tpu.memref_slice %arg6[%dma_start3A_1443, %dma_start3A_1445, %dma_start3A_1446] : memref<8x40x64xf32, #tpu.memory_space<vmem>> -> memref<1x40x64xf32, #tpu.memory_space<vmem>>
      %dma_start3A_1448 = tpu.memref_squeeze %dma_start3A_1447 : memref<1x40x64xf32, #tpu.memory_space<vmem>> -> memref<40x64xf32, #tpu.memory_space<vmem>>
      %dma_start3A_1449 = arith.constant 0 : i32
      %dma_start3A_1450 = tpu.memref_slice %arg4[%add3A_1442, %mul3A_1441, %dma_start3A_1449] : memref<4096x200x128xf32, #tpu.memory_space<hbm>> -> memref<1x40x64xf32, #tpu.memory_space<hbm>>
      %dma_start3A_1451 = tpu.memref_squeeze %dma_start3A_1450 : memref<1x40x64xf32, #tpu.memory_space<hbm>> -> memref<40x64xf32, #tpu.memory_space<hbm>>
      %dma_start3A_1452 = tpu.memref_slice %arg8[%dma_start3A_1444] : memref<8x!tpu.dma_semaphore, #tpu.memory_space<semaphore_mem>> -> memref<1x!tpu.dma_semaphore, #tpu.memory_space<semaphore_mem>>
      %dma_start3A_1453 = tpu.memref_squeeze %dma_start3A_1452 : memref<1x!tpu.dma_semaphore, #tpu.memory_space<semaphore_mem>> -> memref<!tpu.dma_semaphore, #tpu.memory_space<semaphore_mem>>
      %dma_start3A_1454 = arith.constant 0 : i32
      %dma_start3A_1455 = tpu.memref_slice %arg4[%add3A_1442, %mul3A_1441, %dma_start3A_1454] : memref<4096x200x128xf32, #tpu.memory_space<hbm>> -> memref<1x40x64xf32, #tpu.memory_space<hbm>>
      %dma_start3A_1456 = tpu.memref_squeeze %dma_start3A_1455 : memref<1x40x64xf32, #tpu.memory_space<hbm>> -> memref<40x64xf32, #tpu.memory_space<hbm>>
      %dma_start3A_1457 = arith.constant 0 : i32
      %dma_start3A_1458 = arith.constant 0 : i32
      %dma_start3A_1459 = tpu.memref_slice %arg6[%dma_start3A_1443, %dma_start3A_1457, %dma_start3A_1458] : memref<8x40x64xf32, #tpu.memory_space<vmem>> -> memref<1x40x64xf32, #tpu.memory_space<vmem>>
      %dma_start3A_1460 = tpu.memref_squeeze %dma_start3A_1459 : memref<1x40x64xf32, #tpu.memory_space<vmem>> -> memref<40x64xf32, #tpu.memory_space<vmem>>
      tpu.enqueue_dma source(%dma_start3A_1460 : memref<40x64xf32, #tpu.memory_space<vmem>>) target(%dma_start3A_1456 : memref<40x64xf32, #tpu.memory_space<hbm>>) target_semaphore(%dma_start3A_1453 : memref<!tpu.dma_semaphore, #tpu.memory_space<semaphore_mem>>)
      %mul3A_1461 = arith.constant 4 : i32
      %mul3A_1462 = arith.muli %add3A_604, %mul3A_1461 : i32
      %add3A_1463 = arith.constant 2 : i32
      %add3A_1464 = arith.addi %mul3A_1462, %add3A_1463 : i32
      %jit3A_1465 = arith.constant 5 : i32
      %div3A_1466 = arith.divsi %add3A_1464, %jit3A_1465 : i32
      %sign3A_1467 = arith.constant 0 : i32
      %sign3A_1468 = arith.cmpi sgt, %add3A_1464, %sign3A_1467 : i32
      %sign3A_1469 = arith.extui %sign3A_1468 : i1 to i32
      %sign3A_1470 = arith.constant 0 : i32
      %sign3A_1471 = arith.cmpi slt, %add3A_1464, %sign3A_1470 : i32
      %sign3A_1472 = arith.extui %sign3A_1471 : i1 to i32
      %sign3A_1473 = arith.subi %sign3A_1469, %sign3A_1472 : i32
      %sign3A_1474 = arith.constant 0 : i32
      %sign3A_1475 = arith.cmpi sgt, %jit3A_1465, %sign3A_1474 : i32
      %sign3A_1476 = arith.extui %sign3A_1475 : i1 to i32
      %sign3A_1477 = arith.constant 0 : i32
      %sign3A_1478 = arith.cmpi slt, %jit3A_1465, %sign3A_1477 : i32
      %sign3A_1479 = arith.extui %sign3A_1478 : i1 to i32
      %sign3A_1480 = arith.subi %sign3A_1476, %sign3A_1479 : i32
      %ne3A_1481 = arith.cmpi ne, %sign3A_1473, %sign3A_1480 : i32
      %rem3A_1482 = arith.remsi %add3A_1464, %jit3A_1465 : i32
      %ne3A_1483 = arith.constant 0 : i32
      %ne3A_1484 = arith.cmpi ne, %rem3A_1482, %ne3A_1483 : i32
      %and3A_1485 = arith.andi %ne3A_1481, %ne3A_1484 : i1
      %sub3A_1486 = arith.constant 1 : i32
      %sub3A_1487 = arith.subi %div3A_1466, %sub3A_1486 : i32
      %select_n3A_1488 = arith.select %and3A_1485, %sub3A_1487, %div3A_1466 : i32
      %jit3A_1489 = arith.constant 5 : i32
      %eq3A_1490 = arith.constant 0 : i32
      %eq3A_1491 = arith.cmpi eq, %jit3A_1489, %eq3A_1490 : i32
      %jit3A_1492 = arith.constant 1 : i32
      %select_n3A_1493 = arith.select %eq3A_1491, %jit3A_1492, %jit3A_1489 : i32
      %rem3A_1494 = arith.remsi %add3A_1464, %select_n3A_1493 : i32
      %ne3A_1495 = arith.constant 0 : i32
      %ne3A_1496 = arith.cmpi ne, %rem3A_1494, %ne3A_1495 : i32
      %lt3A_1497 = arith.constant 0 : i32
      %lt3A_1498 = arith.cmpi slt, %rem3A_1494, %lt3A_1497 : i32
      %lt3A_1499 = arith.constant 0 : i32
      %lt3A_1500 = arith.cmpi slt, %select_n3A_1493, %lt3A_1499 : i32
      %ne3A_1501 = arith.xori %lt3A_1498, %lt3A_1500 : i1
      %and3A_1502 = arith.andi %ne3A_1501, %ne3A_1496 : i1
      %add3A_1503 = arith.addi %rem3A_1494, %select_n3A_1493 : i32
      %select_n3A_1504 = arith.select %and3A_1502, %add3A_1503, %rem3A_1494 : i32
      %mul3A_1505 = arith.constant 40 : i32
      %mul3A_1506 = arith.muli %select_n3A_1504, %mul3A_1505 : i32
      %add3A_1507 = arith.addi %mul3A_2, %select_n3A_1488 : i32
      %dma_start3A_1508 = arith.constant 6 : i32
      %dma_start3A_1509 = arith.constant 6 : i32
      %dma_start3A_1510 = arith.constant 0 : i32
      %dma_start3A_1511 = arith.constant 0 : i32
      %dma_start3A_1512 = tpu.memref_slice %arg6[%dma_start3A_1508, %dma_start3A_1510, %dma_start3A_1511] : memref<8x40x64xf32, #tpu.memory_space<vmem>> -> memref<1x40x64xf32, #tpu.memory_space<vmem>>
      %dma_start3A_1513 = tpu.memref_squeeze %dma_start3A_1512 : memref<1x40x64xf32, #tpu.memory_space<vmem>> -> memref<40x64xf32, #tpu.memory_space<vmem>>
      %dma_start3A_1514 = arith.constant 0 : i32
      %dma_start3A_1515 = tpu.memref_slice %arg4[%add3A_1507, %mul3A_1506, %dma_start3A_1514] : memref<4096x200x128xf32, #tpu.memory_space<hbm>> -> memref<1x40x64xf32, #tpu.memory_space<hbm>>
      %dma_start3A_1516 = tpu.memref_squeeze %dma_start3A_1515 : memref<1x40x64xf32, #tpu.memory_space<hbm>> -> memref<40x64xf32, #tpu.memory_space<hbm>>
      %dma_start3A_1517 = tpu.memref_slice %arg8[%dma_start3A_1509] : memref<8x!tpu.dma_semaphore, #tpu.memory_space<semaphore_mem>> -> memref<1x!tpu.dma_semaphore, #tpu.memory_space<semaphore_mem>>
      %dma_start3A_1518 = tpu.memref_squeeze %dma_start3A_1517 : memref<1x!tpu.dma_semaphore, #tpu.memory_space<semaphore_mem>> -> memref<!tpu.dma_semaphore, #tpu.memory_space<semaphore_mem>>
      %dma_start3A_1519 = arith.constant 0 : i32
      %dma_start3A_1520 = tpu.memref_slice %arg4[%add3A_1507, %mul3A_1506, %dma_start3A_1519] : memref<4096x200x128xf32, #tpu.memory_space<hbm>> -> memref<1x40x64xf32, #tpu.memory_space<hbm>>
      %dma_start3A_1521 = tpu.memref_squeeze %dma_start3A_1520 : memref<1x40x64xf32, #tpu.memory_space<hbm>> -> memref<40x64xf32, #tpu.memory_space<hbm>>
      %dma_start3A_1522 = arith.constant 0 : i32
      %dma_start3A_1523 = arith.constant 0 : i32
      %dma_start3A_1524 = tpu.memref_slice %arg6[%dma_start3A_1508, %dma_start3A_1522, %dma_start3A_1523] : memref<8x40x64xf32, #tpu.memory_space<vmem>> -> memref<1x40x64xf32, #tpu.memory_space<vmem>>
      %dma_start3A_1525 = tpu.memref_squeeze %dma_start3A_1524 : memref<1x40x64xf32, #tpu.memory_space<vmem>> -> memref<40x64xf32, #tpu.memory_space<vmem>>
      tpu.enqueue_dma source(%dma_start3A_1525 : memref<40x64xf32, #tpu.memory_space<vmem>>) target(%dma_start3A_1521 : memref<40x64xf32, #tpu.memory_space<hbm>>) target_semaphore(%dma_start3A_1518 : memref<!tpu.dma_semaphore, #tpu.memory_space<semaphore_mem>>)
      %mul3A_1526 = arith.constant 4 : i32
      %mul3A_1527 = arith.muli %add3A_604, %mul3A_1526 : i32
      %add3A_1528 = arith.constant 3 : i32
      %add3A_1529 = arith.addi %mul3A_1527, %add3A_1528 : i32
      %jit3A_1530 = arith.constant 5 : i32
      %div3A_1531 = arith.divsi %add3A_1529, %jit3A_1530 : i32
      %sign3A_1532 = arith.constant 0 : i32
      %sign3A_1533 = arith.cmpi sgt, %add3A_1529, %sign3A_1532 : i32
      %sign3A_1534 = arith.extui %sign3A_1533 : i1 to i32
      %sign3A_1535 = arith.constant 0 : i32
      %sign3A_1536 = arith.cmpi slt, %add3A_1529, %sign3A_1535 : i32
      %sign3A_1537 = arith.extui %sign3A_1536 : i1 to i32
      %sign3A_1538 = arith.subi %sign3A_1534, %sign3A_1537 : i32
      %sign3A_1539 = arith.constant 0 : i32
      %sign3A_1540 = arith.cmpi sgt, %jit3A_1530, %sign3A_1539 : i32
      %sign3A_1541 = arith.extui %sign3A_1540 : i1 to i32
      %sign3A_1542 = arith.constant 0 : i32
      %sign3A_1543 = arith.cmpi slt, %jit3A_1530, %sign3A_1542 : i32
      %sign3A_1544 = arith.extui %sign3A_1543 : i1 to i32
      %sign3A_1545 = arith.subi %sign3A_1541, %sign3A_1544 : i32
      %ne3A_1546 = arith.cmpi ne, %sign3A_1538, %sign3A_1545 : i32
      %rem3A_1547 = arith.remsi %add3A_1529, %jit3A_1530 : i32
      %ne3A_1548 = arith.constant 0 : i32
      %ne3A_1549 = arith.cmpi ne, %rem3A_1547, %ne3A_1548 : i32
      %and3A_1550 = arith.andi %ne3A_1546, %ne3A_1549 : i1
      %sub3A_1551 = arith.constant 1 : i32
      %sub3A_1552 = arith.subi %div3A_1531, %sub3A_1551 : i32
      %select_n3A_1553 = arith.select %and3A_1550, %sub3A_1552, %div3A_1531 : i32
      %jit3A_1554 = arith.constant 5 : i32
      %eq3A_1555 = arith.constant 0 : i32
      %eq3A_1556 = arith.cmpi eq, %jit3A_1554, %eq3A_1555 : i32
      %jit3A_1557 = arith.constant 1 : i32
      %select_n3A_1558 = arith.select %eq3A_1556, %jit3A_1557, %jit3A_1554 : i32
      %rem3A_1559 = arith.remsi %add3A_1529, %select_n3A_1558 : i32
      %ne3A_1560 = arith.constant 0 : i32
      %ne3A_1561 = arith.cmpi ne, %rem3A_1559, %ne3A_1560 : i32
      %lt3A_1562 = arith.constant 0 : i32
      %lt3A_1563 = arith.cmpi slt, %rem3A_1559, %lt3A_1562 : i32
      %lt3A_1564 = arith.constant 0 : i32
      %lt3A_1565 = arith.cmpi slt, %select_n3A_1558, %lt3A_1564 : i32
      %ne3A_1566 = arith.xori %lt3A_1563, %lt3A_1565 : i1
      %and3A_1567 = arith.andi %ne3A_1566, %ne3A_1561 : i1
      %add3A_1568 = arith.addi %rem3A_1559, %select_n3A_1558 : i32
      %select_n3A_1569 = arith.select %and3A_1567, %add3A_1568, %rem3A_1559 : i32
      %mul3A_1570 = arith.constant 40 : i32
      %mul3A_1571 = arith.muli %select_n3A_1569, %mul3A_1570 : i32
      %add3A_1572 = arith.addi %mul3A_2, %select_n3A_1553 : i32
      %dma_start3A_1573 = arith.constant 7 : i32
      %dma_start3A_1574 = arith.constant 7 : i32
      %dma_start3A_1575 = arith.constant 0 : i32
      %dma_start3A_1576 = arith.constant 0 : i32
      %dma_start3A_1577 = tpu.memref_slice %arg6[%dma_start3A_1573, %dma_start3A_1575, %dma_start3A_1576] : memref<8x40x64xf32, #tpu.memory_space<vmem>> -> memref<1x40x64xf32, #tpu.memory_space<vmem>>
      %dma_start3A_1578 = tpu.memref_squeeze %dma_start3A_1577 : memref<1x40x64xf32, #tpu.memory_space<vmem>> -> memref<40x64xf32, #tpu.memory_space<vmem>>
      %dma_start3A_1579 = arith.constant 0 : i32
      %dma_start3A_1580 = tpu.memref_slice %arg4[%add3A_1572, %mul3A_1571, %dma_start3A_1579] : memref<4096x200x128xf32, #tpu.memory_space<hbm>> -> memref<1x40x64xf32, #tpu.memory_space<hbm>>
      %dma_start3A_1581 = tpu.memref_squeeze %dma_start3A_1580 : memref<1x40x64xf32, #tpu.memory_space<hbm>> -> memref<40x64xf32, #tpu.memory_space<hbm>>
      %dma_start3A_1582 = tpu.memref_slice %arg8[%dma_start3A_1574] : memref<8x!tpu.dma_semaphore, #tpu.memory_space<semaphore_mem>> -> memref<1x!tpu.dma_semaphore, #tpu.memory_space<semaphore_mem>>
      %dma_start3A_1583 = tpu.memref_squeeze %dma_start3A_1582 : memref<1x!tpu.dma_semaphore, #tpu.memory_space<semaphore_mem>> -> memref<!tpu.dma_semaphore, #tpu.memory_space<semaphore_mem>>
      %dma_start3A_1584 = arith.constant 0 : i32
      %dma_start3A_1585 = tpu.memref_slice %arg4[%add3A_1572, %mul3A_1571, %dma_start3A_1584] : memref<4096x200x128xf32, #tpu.memory_space<hbm>> -> memref<1x40x64xf32, #tpu.memory_space<hbm>>
      %dma_start3A_1586 = tpu.memref_squeeze %dma_start3A_1585 : memref<1x40x64xf32, #tpu.memory_space<hbm>> -> memref<40x64xf32, #tpu.memory_space<hbm>>
      %dma_start3A_1587 = arith.constant 0 : i32
      %dma_start3A_1588 = arith.constant 0 : i32
      %dma_start3A_1589 = tpu.memref_slice %arg6[%dma_start3A_1573, %dma_start3A_1587, %dma_start3A_1588] : memref<8x40x64xf32, #tpu.memory_space<vmem>> -> memref<1x40x64xf32, #tpu.memory_space<vmem>>
      %dma_start3A_1590 = tpu.memref_squeeze %dma_start3A_1589 : memref<1x40x64xf32, #tpu.memory_space<vmem>> -> memref<40x64xf32, #tpu.memory_space<vmem>>
      tpu.enqueue_dma source(%dma_start3A_1590 : memref<40x64xf32, #tpu.memory_space<vmem>>) target(%dma_start3A_1586 : memref<40x64xf32, #tpu.memory_space<hbm>>) target_semaphore(%dma_start3A_1583 : memref<!tpu.dma_semaphore, #tpu.memory_space<semaphore_mem>>)
      %mul3A_1591 = arith.constant 2 : i32
      %mul3A_1592 = arith.muli %mul3A_1591, %scan3A_598 : i32
      %add3A_1593 = arith.constant 1 : i32
      %add3A_1594 = arith.addi %mul3A_1592, %add3A_1593 : i32
      %add3A_1595 = arith.constant 1 : i32
      %add3A_1596 = arith.addi %add3A_1594, %add3A_1595 : i32
      %sub3A_1597 = arith.constant 1 : i32
      %sub3A_1598 = arith.subi %add3A_1596, %sub3A_1597 : i32
      %mul3A_1599 = arith.constant 4 : i32
      %mul3A_1600 = arith.muli %sub3A_1598, %mul3A_1599 : i32
      %add3A_1601 = arith.constant 0 : i32
      %add3A_1602 = arith.addi %mul3A_1600, %add3A_1601 : i32
      %jit3A_1603 = arith.constant 5 : i32
      %div3A_1604 = arith.divsi %add3A_1602, %jit3A_1603 : i32
      %sign3A_1605 = arith.constant 0 : i32
      %sign3A_1606 = arith.cmpi sgt, %add3A_1602, %sign3A_1605 : i32
      %sign3A_1607 = arith.extui %sign3A_1606 : i1 to i32
      %sign3A_1608 = arith.constant 0 : i32
      %sign3A_1609 = arith.cmpi slt, %add3A_1602, %sign3A_1608 : i32
      %sign3A_1610 = arith.extui %sign3A_1609 : i1 to i32
      %sign3A_1611 = arith.subi %sign3A_1607, %sign3A_1610 : i32
      %sign3A_1612 = arith.constant 0 : i32
      %sign3A_1613 = arith.cmpi sgt, %jit3A_1603, %sign3A_1612 : i32
      %sign3A_1614 = arith.extui %sign3A_1613 : i1 to i32
      %sign3A_1615 = arith.constant 0 : i32
      %sign3A_1616 = arith.cmpi slt, %jit3A_1603, %sign3A_1615 : i32
      %sign3A_1617 = arith.extui %sign3A_1616 : i1 to i32
      %sign3A_1618 = arith.subi %sign3A_1614, %sign3A_1617 : i32
      %ne3A_1619 = arith.cmpi ne, %sign3A_1611, %sign3A_1618 : i32
      %rem3A_1620 = arith.remsi %add3A_1602, %jit3A_1603 : i32
      %ne3A_1621 = arith.constant 0 : i32
      %ne3A_1622 = arith.cmpi ne, %rem3A_1620, %ne3A_1621 : i32
      %and3A_1623 = arith.andi %ne3A_1619, %ne3A_1622 : i1
      %sub3A_1624 = arith.constant 1 : i32
      %sub3A_1625 = arith.subi %div3A_1604, %sub3A_1624 : i32
      %select_n3A_1626 = arith.select %and3A_1623, %sub3A_1625, %div3A_1604 : i32
      %jit3A_1627 = arith.constant 5 : i32
      %eq3A_1628 = arith.constant 0 : i32
      %eq3A_1629 = arith.cmpi eq, %jit3A_1627, %eq3A_1628 : i32
      %jit3A_1630 = arith.constant 1 : i32
      %select_n3A_1631 = arith.select %eq3A_1629, %jit3A_1630, %jit3A_1627 : i32
      %rem3A_1632 = arith.remsi %add3A_1602, %select_n3A_1631 : i32
      %ne3A_1633 = arith.constant 0 : i32
      %ne3A_1634 = arith.cmpi ne, %rem3A_1632, %ne3A_1633 : i32
      %lt3A_1635 = arith.constant 0 : i32
      %lt3A_1636 = arith.cmpi slt, %rem3A_1632, %lt3A_1635 : i32
      %lt3A_1637 = arith.constant 0 : i32
      %lt3A_1638 = arith.cmpi slt, %select_n3A_1631, %lt3A_1637 : i32
      %ne3A_1639 = arith.xori %lt3A_1636, %lt3A_1638 : i1
      %and3A_1640 = arith.andi %ne3A_1639, %ne3A_1634 : i1
      %add3A_1641 = arith.addi %rem3A_1632, %select_n3A_1631 : i32
      %select_n3A_1642 = arith.select %and3A_1640, %add3A_1641, %rem3A_1632 : i32
      %mul3A_1643 = arith.constant 40 : i32
      %mul3A_1644 = arith.muli %select_n3A_1642, %mul3A_1643 : i32
      %add3A_1645 = arith.addi %mul3A_2, %select_n3A_1626 : i32
      %dma_wait3A_1646 = arith.constant 4 : i32
      %dma_wait3A_1647 = arith.constant 4 : i32
      %dma_wait3A_1648 = arith.constant 0 : i32
      %dma_wait3A_1649 = arith.constant 0 : i32
      %dma_wait3A_1650 = tpu.memref_slice %arg6[%dma_wait3A_1646, %dma_wait3A_1648, %dma_wait3A_1649] : memref<8x40x64xf32, #tpu.memory_space<vmem>> -> memref<1x40x64xf32, #tpu.memory_space<vmem>>
      %dma_wait3A_1651 = tpu.memref_squeeze %dma_wait3A_1650 : memref<1x40x64xf32, #tpu.memory_space<vmem>> -> memref<40x64xf32, #tpu.memory_space<vmem>>
      %dma_wait3A_1652 = arith.constant 0 : i32
      %dma_wait3A_1653 = tpu.memref_slice %arg4[%add3A_1645, %mul3A_1644, %dma_wait3A_1652] : memref<4096x200x128xf32, #tpu.memory_space<hbm>> -> memref<1x40x64xf32, #tpu.memory_space<hbm>>
      %dma_wait3A_1654 = tpu.memref_squeeze %dma_wait3A_1653 : memref<1x40x64xf32, #tpu.memory_space<hbm>> -> memref<40x64xf32, #tpu.memory_space<hbm>>
      %dma_wait3A_1655 = tpu.memref_slice %arg8[%dma_wait3A_1647] : memref<8x!tpu.dma_semaphore, #tpu.memory_space<semaphore_mem>> -> memref<1x!tpu.dma_semaphore, #tpu.memory_space<semaphore_mem>>
      %dma_wait3A_1656 = tpu.memref_squeeze %dma_wait3A_1655 : memref<1x!tpu.dma_semaphore, #tpu.memory_space<semaphore_mem>> -> memref<!tpu.dma_semaphore, #tpu.memory_space<semaphore_mem>>
      %dma_wait3A_1657 = arith.constant 0 : i32
      %dma_wait3A_1658 = tpu.memref_slice %arg4[%add3A_1645, %mul3A_1644, %dma_wait3A_1657] : memref<4096x200x128xf32, #tpu.memory_space<hbm>> -> memref<1x40x64xf32, #tpu.memory_space<hbm>>
      %dma_wait3A_1659 = tpu.memref_squeeze %dma_wait3A_1658 : memref<1x40x64xf32, #tpu.memory_space<hbm>> -> memref<40x64xf32, #tpu.memory_space<hbm>>
      %dma_wait3A_1660 = arith.constant 0 : i32
      %dma_wait3A_1661 = arith.constant 0 : i32
      %dma_wait3A_1662 = tpu.memref_slice %arg6[%dma_wait3A_1646, %dma_wait3A_1660, %dma_wait3A_1661] : memref<8x40x64xf32, #tpu.memory_space<vmem>> -> memref<1x40x64xf32, #tpu.memory_space<vmem>>
      %dma_wait3A_1663 = tpu.memref_squeeze %dma_wait3A_1662 : memref<1x40x64xf32, #tpu.memory_space<vmem>> -> memref<40x64xf32, #tpu.memory_space<vmem>>
      tpu.wait_dma2 semaphore(%dma_wait3A_1656 : memref<!tpu.dma_semaphore, #tpu.memory_space<semaphore_mem>>) src(%dma_wait3A_1663 : memref<40x64xf32, #tpu.memory_space<vmem>>) dst(%dma_wait3A_1659 : memref<40x64xf32, #tpu.memory_space<hbm>>)
      %mul3A_1664 = arith.constant 4 : i32
      %mul3A_1665 = arith.muli %sub3A_1598, %mul3A_1664 : i32
      %add3A_1666 = arith.constant 1 : i32
      %add3A_1667 = arith.addi %mul3A_1665, %add3A_1666 : i32
      %jit3A_1668 = arith.constant 5 : i32
      %div3A_1669 = arith.divsi %add3A_1667, %jit3A_1668 : i32
      %sign3A_1670 = arith.constant 0 : i32
      %sign3A_1671 = arith.cmpi sgt, %add3A_1667, %sign3A_1670 : i32
      %sign3A_1672 = arith.extui %sign3A_1671 : i1 to i32
      %sign3A_1673 = arith.constant 0 : i32
      %sign3A_1674 = arith.cmpi slt, %add3A_1667, %sign3A_1673 : i32
      %sign3A_1675 = arith.extui %sign3A_1674 : i1 to i32
      %sign3A_1676 = arith.subi %sign3A_1672, %sign3A_1675 : i32
      %sign3A_1677 = arith.constant 0 : i32
      %sign3A_1678 = arith.cmpi sgt, %jit3A_1668, %sign3A_1677 : i32
      %sign3A_1679 = arith.extui %sign3A_1678 : i1 to i32
      %sign3A_1680 = arith.constant 0 : i32
      %sign3A_1681 = arith.cmpi slt, %jit3A_1668, %sign3A_1680 : i32
      %sign3A_1682 = arith.extui %sign3A_1681 : i1 to i32
      %sign3A_1683 = arith.subi %sign3A_1679, %sign3A_1682 : i32
      %ne3A_1684 = arith.cmpi ne, %sign3A_1676, %sign3A_1683 : i32
      %rem3A_1685 = arith.remsi %add3A_1667, %jit3A_1668 : i32
      %ne3A_1686 = arith.constant 0 : i32
      %ne3A_1687 = arith.cmpi ne, %rem3A_1685, %ne3A_1686 : i32
      %and3A_1688 = arith.andi %ne3A_1684, %ne3A_1687 : i1
      %sub3A_1689 = arith.constant 1 : i32
      %sub3A_1690 = arith.subi %div3A_1669, %sub3A_1689 : i32
      %select_n3A_1691 = arith.select %and3A_1688, %sub3A_1690, %div3A_1669 : i32
      %jit3A_1692 = arith.constant 5 : i32
      %eq3A_1693 = arith.constant 0 : i32
      %eq3A_1694 = arith.cmpi eq, %jit3A_1692, %eq3A_1693 : i32
      %jit3A_1695 = arith.constant 1 : i32
      %select_n3A_1696 = arith.select %eq3A_1694, %jit3A_1695, %jit3A_1692 : i32
      %rem3A_1697 = arith.remsi %add3A_1667, %select_n3A_1696 : i32
      %ne3A_1698 = arith.constant 0 : i32
      %ne3A_1699 = arith.cmpi ne, %rem3A_1697, %ne3A_1698 : i32
      %lt3A_1700 = arith.constant 0 : i32
      %lt3A_1701 = arith.cmpi slt, %rem3A_1697, %lt3A_1700 : i32
      %lt3A_1702 = arith.constant 0 : i32
      %lt3A_1703 = arith.cmpi slt, %select_n3A_1696, %lt3A_1702 : i32
      %ne3A_1704 = arith.xori %lt3A_1701, %lt3A_1703 : i1
      %and3A_1705 = arith.andi %ne3A_1704, %ne3A_1699 : i1
      %add3A_1706 = arith.addi %rem3A_1697, %select_n3A_1696 : i32
      %select_n3A_1707 = arith.select %and3A_1705, %add3A_1706, %rem3A_1697 : i32
      %mul3A_1708 = arith.constant 40 : i32
      %mul3A_1709 = arith.muli %select_n3A_1707, %mul3A_1708 : i32
      %add3A_1710 = arith.addi %mul3A_2, %select_n3A_1691 : i32
      %dma_wait3A_1711 = arith.constant 5 : i32
      %dma_wait3A_1712 = arith.constant 5 : i32
      %dma_wait3A_1713 = arith.constant 0 : i32
      %dma_wait3A_1714 = arith.constant 0 : i32
      %dma_wait3A_1715 = tpu.memref_slice %arg6[%dma_wait3A_1711, %dma_wait3A_1713, %dma_wait3A_1714] : memref<8x40x64xf32, #tpu.memory_space<vmem>> -> memref<1x40x64xf32, #tpu.memory_space<vmem>>
      %dma_wait3A_1716 = tpu.memref_squeeze %dma_wait3A_1715 : memref<1x40x64xf32, #tpu.memory_space<vmem>> -> memref<40x64xf32, #tpu.memory_space<vmem>>
      %dma_wait3A_1717 = arith.constant 0 : i32
      %dma_wait3A_1718 = tpu.memref_slice %arg4[%add3A_1710, %mul3A_1709, %dma_wait3A_1717] : memref<4096x200x128xf32, #tpu.memory_space<hbm>> -> memref<1x40x64xf32, #tpu.memory_space<hbm>>
      %dma_wait3A_1719 = tpu.memref_squeeze %dma_wait3A_1718 : memref<1x40x64xf32, #tpu.memory_space<hbm>> -> memref<40x64xf32, #tpu.memory_space<hbm>>
      %dma_wait3A_1720 = tpu.memref_slice %arg8[%dma_wait3A_1712] : memref<8x!tpu.dma_semaphore, #tpu.memory_space<semaphore_mem>> -> memref<1x!tpu.dma_semaphore, #tpu.memory_space<semaphore_mem>>
      %dma_wait3A_1721 = tpu.memref_squeeze %dma_wait3A_1720 : memref<1x!tpu.dma_semaphore, #tpu.memory_space<semaphore_mem>> -> memref<!tpu.dma_semaphore, #tpu.memory_space<semaphore_mem>>
      %dma_wait3A_1722 = arith.constant 0 : i32
      %dma_wait3A_1723 = tpu.memref_slice %arg4[%add3A_1710, %mul3A_1709, %dma_wait3A_1722] : memref<4096x200x128xf32, #tpu.memory_space<hbm>> -> memref<1x40x64xf32, #tpu.memory_space<hbm>>
      %dma_wait3A_1724 = tpu.memref_squeeze %dma_wait3A_1723 : memref<1x40x64xf32, #tpu.memory_space<hbm>> -> memref<40x64xf32, #tpu.memory_space<hbm>>
      %dma_wait3A_1725 = arith.constant 0 : i32
      %dma_wait3A_1726 = arith.constant 0 : i32
      %dma_wait3A_1727 = tpu.memref_slice %arg6[%dma_wait3A_1711, %dma_wait3A_1725, %dma_wait3A_1726] : memref<8x40x64xf32, #tpu.memory_space<vmem>> -> memref<1x40x64xf32, #tpu.memory_space<vmem>>
      %dma_wait3A_1728 = tpu.memref_squeeze %dma_wait3A_1727 : memref<1x40x64xf32, #tpu.memory_space<vmem>> -> memref<40x64xf32, #tpu.memory_space<vmem>>
      tpu.wait_dma2 semaphore(%dma_wait3A_1721 : memref<!tpu.dma_semaphore, #tpu.memory_space<semaphore_mem>>) src(%dma_wait3A_1728 : memref<40x64xf32, #tpu.memory_space<vmem>>) dst(%dma_wait3A_1724 : memref<40x64xf32, #tpu.memory_space<hbm>>)
      %mul3A_1729 = arith.constant 4 : i32
      %mul3A_1730 = arith.muli %sub3A_1598, %mul3A_1729 : i32
      %add3A_1731 = arith.constant 2 : i32
      %add3A_1732 = arith.addi %mul3A_1730, %add3A_1731 : i32
      %jit3A_1733 = arith.constant 5 : i32
      %div3A_1734 = arith.divsi %add3A_1732, %jit3A_1733 : i32
      %sign3A_1735 = arith.constant 0 : i32
      %sign3A_1736 = arith.cmpi sgt, %add3A_1732, %sign3A_1735 : i32
      %sign3A_1737 = arith.extui %sign3A_1736 : i1 to i32
      %sign3A_1738 = arith.constant 0 : i32
      %sign3A_1739 = arith.cmpi slt, %add3A_1732, %sign3A_1738 : i32
      %sign3A_1740 = arith.extui %sign3A_1739 : i1 to i32
      %sign3A_1741 = arith.subi %sign3A_1737, %sign3A_1740 : i32
      %sign3A_1742 = arith.constant 0 : i32
      %sign3A_1743 = arith.cmpi sgt, %jit3A_1733, %sign3A_1742 : i32
      %sign3A_1744 = arith.extui %sign3A_1743 : i1 to i32
      %sign3A_1745 = arith.constant 0 : i32
      %sign3A_1746 = arith.cmpi slt, %jit3A_1733, %sign3A_1745 : i32
      %sign3A_1747 = arith.extui %sign3A_1746 : i1 to i32
      %sign3A_1748 = arith.subi %sign3A_1744, %sign3A_1747 : i32
      %ne3A_1749 = arith.cmpi ne, %sign3A_1741, %sign3A_1748 : i32
      %rem3A_1750 = arith.remsi %add3A_1732, %jit3A_1733 : i32
      %ne3A_1751 = arith.constant 0 : i32
      %ne3A_1752 = arith.cmpi ne, %rem3A_1750, %ne3A_1751 : i32
      %and3A_1753 = arith.andi %ne3A_1749, %ne3A_1752 : i1
      %sub3A_1754 = arith.constant 1 : i32
      %sub3A_1755 = arith.subi %div3A_1734, %sub3A_1754 : i32
      %select_n3A_1756 = arith.select %and3A_1753, %sub3A_1755, %div3A_1734 : i32
      %jit3A_1757 = arith.constant 5 : i32
      %eq3A_1758 = arith.constant 0 : i32
      %eq3A_1759 = arith.cmpi eq, %jit3A_1757, %eq3A_1758 : i32
      %jit3A_1760 = arith.constant 1 : i32
      %select_n3A_1761 = arith.select %eq3A_1759, %jit3A_1760, %jit3A_1757 : i32
      %rem3A_1762 = arith.remsi %add3A_1732, %select_n3A_1761 : i32
      %ne3A_1763 = arith.constant 0 : i32
      %ne3A_1764 = arith.cmpi ne, %rem3A_1762, %ne3A_1763 : i32
      %lt3A_1765 = arith.constant 0 : i32
      %lt3A_1766 = arith.cmpi slt, %rem3A_1762, %lt3A_1765 : i32
      %lt3A_1767 = arith.constant 0 : i32
      %lt3A_1768 = arith.cmpi slt, %select_n3A_1761, %lt3A_1767 : i32
      %ne3A_1769 = arith.xori %lt3A_1766, %lt3A_1768 : i1
      %and3A_1770 = arith.andi %ne3A_1769, %ne3A_1764 : i1
      %add3A_1771 = arith.addi %rem3A_1762, %select_n3A_1761 : i32
      %select_n3A_1772 = arith.select %and3A_1770, %add3A_1771, %rem3A_1762 : i32
      %mul3A_1773 = arith.constant 40 : i32
      %mul3A_1774 = arith.muli %select_n3A_1772, %mul3A_1773 : i32
      %add3A_1775 = arith.addi %mul3A_2, %select_n3A_1756 : i32
      %dma_wait3A_1776 = arith.constant 6 : i32
      %dma_wait3A_1777 = arith.constant 6 : i32
      %dma_wait3A_1778 = arith.constant 0 : i32
      %dma_wait3A_1779 = arith.constant 0 : i32
      %dma_wait3A_1780 = tpu.memref_slice %arg6[%dma_wait3A_1776, %dma_wait3A_1778, %dma_wait3A_1779] : memref<8x40x64xf32, #tpu.memory_space<vmem>> -> memref<1x40x64xf32, #tpu.memory_space<vmem>>
      %dma_wait3A_1781 = tpu.memref_squeeze %dma_wait3A_1780 : memref<1x40x64xf32, #tpu.memory_space<vmem>> -> memref<40x64xf32, #tpu.memory_space<vmem>>
      %dma_wait3A_1782 = arith.constant 0 : i32
      %dma_wait3A_1783 = tpu.memref_slice %arg4[%add3A_1775, %mul3A_1774, %dma_wait3A_1782] : memref<4096x200x128xf32, #tpu.memory_space<hbm>> -> memref<1x40x64xf32, #tpu.memory_space<hbm>>
      %dma_wait3A_1784 = tpu.memref_squeeze %dma_wait3A_1783 : memref<1x40x64xf32, #tpu.memory_space<hbm>> -> memref<40x64xf32, #tpu.memory_space<hbm>>
      %dma_wait3A_1785 = tpu.memref_slice %arg8[%dma_wait3A_1777] : memref<8x!tpu.dma_semaphore, #tpu.memory_space<semaphore_mem>> -> memref<1x!tpu.dma_semaphore, #tpu.memory_space<semaphore_mem>>
      %dma_wait3A_1786 = tpu.memref_squeeze %dma_wait3A_1785 : memref<1x!tpu.dma_semaphore, #tpu.memory_space<semaphore_mem>> -> memref<!tpu.dma_semaphore, #tpu.memory_space<semaphore_mem>>
      %dma_wait3A_1787 = arith.constant 0 : i32
      %dma_wait3A_1788 = tpu.memref_slice %arg4[%add3A_1775, %mul3A_1774, %dma_wait3A_1787] : memref<4096x200x128xf32, #tpu.memory_space<hbm>> -> memref<1x40x64xf32, #tpu.memory_space<hbm>>
      %dma_wait3A_1789 = tpu.memref_squeeze %dma_wait3A_1788 : memref<1x40x64xf32, #tpu.memory_space<hbm>> -> memref<40x64xf32, #tpu.memory_space<hbm>>
      %dma_wait3A_1790 = arith.constant 0 : i32
      %dma_wait3A_1791 = arith.constant 0 : i32
      %dma_wait3A_1792 = tpu.memref_slice %arg6[%dma_wait3A_1776, %dma_wait3A_1790, %dma_wait3A_1791] : memref<8x40x64xf32, #tpu.memory_space<vmem>> -> memref<1x40x64xf32, #tpu.memory_space<vmem>>
      %dma_wait3A_1793 = tpu.memref_squeeze %dma_wait3A_1792 : memref<1x40x64xf32, #tpu.memory_space<vmem>> -> memref<40x64xf32, #tpu.memory_space<vmem>>
      tpu.wait_dma2 semaphore(%dma_wait3A_1786 : memref<!tpu.dma_semaphore, #tpu.memory_space<semaphore_mem>>) src(%dma_wait3A_1793 : memref<40x64xf32, #tpu.memory_space<vmem>>) dst(%dma_wait3A_1789 : memref<40x64xf32, #tpu.memory_space<hbm>>)
      %mul3A_1794 = arith.constant 4 : i32
      %mul3A_1795 = arith.muli %sub3A_1598, %mul3A_1794 : i32
      %add3A_1796 = arith.constant 3 : i32
      %add3A_1797 = arith.addi %mul3A_1795, %add3A_1796 : i32
      %jit3A_1798 = arith.constant 5 : i32
      %div3A_1799 = arith.divsi %add3A_1797, %jit3A_1798 : i32
      %sign3A_1800 = arith.constant 0 : i32
      %sign3A_1801 = arith.cmpi sgt, %add3A_1797, %sign3A_1800 : i32
      %sign3A_1802 = arith.extui %sign3A_1801 : i1 to i32
      %sign3A_1803 = arith.constant 0 : i32
      %sign3A_1804 = arith.cmpi slt, %add3A_1797, %sign3A_1803 : i32
      %sign3A_1805 = arith.extui %sign3A_1804 : i1 to i32
      %sign3A_1806 = arith.subi %sign3A_1802, %sign3A_1805 : i32
      %sign3A_1807 = arith.constant 0 : i32
      %sign3A_1808 = arith.cmpi sgt, %jit3A_1798, %sign3A_1807 : i32
      %sign3A_1809 = arith.extui %sign3A_1808 : i1 to i32
      %sign3A_1810 = arith.constant 0 : i32
      %sign3A_1811 = arith.cmpi slt, %jit3A_1798, %sign3A_1810 : i32
      %sign3A_1812 = arith.extui %sign3A_1811 : i1 to i32
      %sign3A_1813 = arith.subi %sign3A_1809, %sign3A_1812 : i32
      %ne3A_1814 = arith.cmpi ne, %sign3A_1806, %sign3A_1813 : i32
      %rem3A_1815 = arith.remsi %add3A_1797, %jit3A_1798 : i32
      %ne3A_1816 = arith.constant 0 : i32
      %ne3A_1817 = arith.cmpi ne, %rem3A_1815, %ne3A_1816 : i32
      %and3A_1818 = arith.andi %ne3A_1814, %ne3A_1817 : i1
      %sub3A_1819 = arith.constant 1 : i32
      %sub3A_1820 = arith.subi %div3A_1799, %sub3A_1819 : i32
      %select_n3A_1821 = arith.select %and3A_1818, %sub3A_1820, %div3A_1799 : i32
      %jit3A_1822 = arith.constant 5 : i32
      %eq3A_1823 = arith.constant 0 : i32
      %eq3A_1824 = arith.cmpi eq, %jit3A_1822, %eq3A_1823 : i32
      %jit3A_1825 = arith.constant 1 : i32
      %select_n3A_1826 = arith.select %eq3A_1824, %jit3A_1825, %jit3A_1822 : i32
      %rem3A_1827 = arith.remsi %add3A_1797, %select_n3A_1826 : i32
      %ne3A_1828 = arith.constant 0 : i32
      %ne3A_1829 = arith.cmpi ne, %rem3A_1827, %ne3A_1828 : i32
      %lt3A_1830 = arith.constant 0 : i32
      %lt3A_1831 = arith.cmpi slt, %rem3A_1827, %lt3A_1830 : i32
      %lt3A_1832 = arith.constant 0 : i32
      %lt3A_1833 = arith.cmpi slt, %select_n3A_1826, %lt3A_1832 : i32
      %ne3A_1834 = arith.xori %lt3A_1831, %lt3A_1833 : i1
      %and3A_1835 = arith.andi %ne3A_1834, %ne3A_1829 : i1
      %add3A_1836 = arith.addi %rem3A_1827, %select_n3A_1826 : i32
      %select_n3A_1837 = arith.select %and3A_1835, %add3A_1836, %rem3A_1827 : i32
      %mul3A_1838 = arith.constant 40 : i32
      %mul3A_1839 = arith.muli %select_n3A_1837, %mul3A_1838 : i32
      %add3A_1840 = arith.addi %mul3A_2, %select_n3A_1821 : i32
      %dma_wait3A_1841 = arith.constant 7 : i32
      %dma_wait3A_1842 = arith.constant 7 : i32
      %dma_wait3A_1843 = arith.constant 0 : i32
      %dma_wait3A_1844 = arith.constant 0 : i32
      %dma_wait3A_1845 = tpu.memref_slice %arg6[%dma_wait3A_1841, %dma_wait3A_1843, %dma_wait3A_1844] : memref<8x40x64xf32, #tpu.memory_space<vmem>> -> memref<1x40x64xf32, #tpu.memory_space<vmem>>
      %dma_wait3A_1846 = tpu.memref_squeeze %dma_wait3A_1845 : memref<1x40x64xf32, #tpu.memory_space<vmem>> -> memref<40x64xf32, #tpu.memory_space<vmem>>
      %dma_wait3A_1847 = arith.constant 0 : i32
      %dma_wait3A_1848 = tpu.memref_slice %arg4[%add3A_1840, %mul3A_1839, %dma_wait3A_1847] : memref<4096x200x128xf32, #tpu.memory_space<hbm>> -> memref<1x40x64xf32, #tpu.memory_space<hbm>>
      %dma_wait3A_1849 = tpu.memref_squeeze %dma_wait3A_1848 : memref<1x40x64xf32, #tpu.memory_space<hbm>> -> memref<40x64xf32, #tpu.memory_space<hbm>>
      %dma_wait3A_1850 = tpu.memref_slice %arg8[%dma_wait3A_1842] : memref<8x!tpu.dma_semaphore, #tpu.memory_space<semaphore_mem>> -> memref<1x!tpu.dma_semaphore, #tpu.memory_space<semaphore_mem>>
      %dma_wait3A_1851 = tpu.memref_squeeze %dma_wait3A_1850 : memref<1x!tpu.dma_semaphore, #tpu.memory_space<semaphore_mem>> -> memref<!tpu.dma_semaphore, #tpu.memory_space<semaphore_mem>>
      %dma_wait3A_1852 = arith.constant 0 : i32
      %dma_wait3A_1853 = tpu.memref_slice %arg4[%add3A_1840, %mul3A_1839, %dma_wait3A_1852] : memref<4096x200x128xf32, #tpu.memory_space<hbm>> -> memref<1x40x64xf32, #tpu.memory_space<hbm>>
      %dma_wait3A_1854 = tpu.memref_squeeze %dma_wait3A_1853 : memref<1x40x64xf32, #tpu.memory_space<hbm>> -> memref<40x64xf32, #tpu.memory_space<hbm>>
      %dma_wait3A_1855 = arith.constant 0 : i32
      %dma_wait3A_1856 = arith.constant 0 : i32
      %dma_wait3A_1857 = tpu.memref_slice %arg6[%dma_wait3A_1841, %dma_wait3A_1855, %dma_wait3A_1856] : memref<8x40x64xf32, #tpu.memory_space<vmem>> -> memref<1x40x64xf32, #tpu.memory_space<vmem>>
      %dma_wait3A_1858 = tpu.memref_squeeze %dma_wait3A_1857 : memref<1x40x64xf32, #tpu.memory_space<vmem>> -> memref<40x64xf32, #tpu.memory_space<vmem>>
      tpu.wait_dma2 semaphore(%dma_wait3A_1851 : memref<!tpu.dma_semaphore, #tpu.memory_space<semaphore_mem>>) src(%dma_wait3A_1858 : memref<40x64xf32, #tpu.memory_space<vmem>>) dst(%dma_wait3A_1854 : memref<40x64xf32, #tpu.memory_space<hbm>>)
      %add3A_1859 = arith.constant 1 : i32
      %add3A_1860 = arith.addi %add3A_1596, %add3A_1859 : i32
      %mul3A_1861 = arith.constant 4 : i32
      %mul3A_1862 = arith.muli %add3A_1860, %mul3A_1861 : i32
      %add3A_1863 = arith.constant 0 : i32
      %add3A_1864 = arith.addi %mul3A_1862, %add3A_1863 : i32
      %jit3A_1865 = arith.constant 5 : i32
      %div3A_1866 = arith.divsi %add3A_1864, %jit3A_1865 : i32
      %sign3A_1867 = arith.constant 0 : i32
      %sign3A_1868 = arith.cmpi sgt, %add3A_1864, %sign3A_1867 : i32
      %sign3A_1869 = arith.extui %sign3A_1868 : i1 to i32
      %sign3A_1870 = arith.constant 0 : i32
      %sign3A_1871 = arith.cmpi slt, %add3A_1864, %sign3A_1870 : i32
      %sign3A_1872 = arith.extui %sign3A_1871 : i1 to i32
      %sign3A_1873 = arith.subi %sign3A_1869, %sign3A_1872 : i32
      %sign3A_1874 = arith.constant 0 : i32
      %sign3A_1875 = arith.cmpi sgt, %jit3A_1865, %sign3A_1874 : i32
      %sign3A_1876 = arith.extui %sign3A_1875 : i1 to i32
      %sign3A_1877 = arith.constant 0 : i32
      %sign3A_1878 = arith.cmpi slt, %jit3A_1865, %sign3A_1877 : i32
      %sign3A_1879 = arith.extui %sign3A_1878 : i1 to i32
      %sign3A_1880 = arith.subi %sign3A_1876, %sign3A_1879 : i32
      %ne3A_1881 = arith.cmpi ne, %sign3A_1873, %sign3A_1880 : i32
      %rem3A_1882 = arith.remsi %add3A_1864, %jit3A_1865 : i32
      %ne3A_1883 = arith.constant 0 : i32
      %ne3A_1884 = arith.cmpi ne, %rem3A_1882, %ne3A_1883 : i32
      %and3A_1885 = arith.andi %ne3A_1881, %ne3A_1884 : i1
      %sub3A_1886 = arith.constant 1 : i32
      %sub3A_1887 = arith.subi %div3A_1866, %sub3A_1886 : i32
      %select_n3A_1888 = arith.select %and3A_1885, %sub3A_1887, %div3A_1866 : i32
      %jit3A_1889 = arith.constant 5 : i32
      %eq3A_1890 = arith.constant 0 : i32
      %eq3A_1891 = arith.cmpi eq, %jit3A_1889, %eq3A_1890 : i32
      %jit3A_1892 = arith.constant 1 : i32
      %select_n3A_1893 = arith.select %eq3A_1891, %jit3A_1892, %jit3A_1889 : i32
      %rem3A_1894 = arith.remsi %add3A_1864, %select_n3A_1893 : i32
      %ne3A_1895 = arith.constant 0 : i32
      %ne3A_1896 = arith.cmpi ne, %rem3A_1894, %ne3A_1895 : i32
      %lt3A_1897 = arith.constant 0 : i32
      %lt3A_1898 = arith.cmpi slt, %rem3A_1894, %lt3A_1897 : i32
      %lt3A_1899 = arith.constant 0 : i32
      %lt3A_1900 = arith.cmpi slt, %select_n3A_1893, %lt3A_1899 : i32
      %ne3A_1901 = arith.xori %lt3A_1898, %lt3A_1900 : i1
      %and3A_1902 = arith.andi %ne3A_1901, %ne3A_1896 : i1
      %add3A_1903 = arith.addi %rem3A_1894, %select_n3A_1893 : i32
      %select_n3A_1904 = arith.select %and3A_1902, %add3A_1903, %rem3A_1894 : i32
      %mul3A_1905 = arith.constant 40 : i32
      %mul3A_1906 = arith.muli %select_n3A_1904, %mul3A_1905 : i32
      %dma_start3A_1907 = arith.constant 4 : i32
      %dma_start3A_1908 = arith.constant 4 : i32
      %dma_start3A_1909 = arith.constant 0 : i32
      %dma_start3A_1910 = arith.constant 0 : i32
      %dma_start3A_1911 = tpu.memref_slice %arg6[%dma_start3A_1907, %dma_start3A_1909, %dma_start3A_1910] : memref<8x40x64xf32, #tpu.memory_space<vmem>> -> memref<1x40x64xf32, #tpu.memory_space<vmem>>
      %dma_start3A_1912 = tpu.memref_squeeze %dma_start3A_1911 : memref<1x40x64xf32, #tpu.memory_space<vmem>> -> memref<40x64xf32, #tpu.memory_space<vmem>>
      %dma_start3A_1913 = tpu.memref_slice %arg5[%select_n3A_1888, %mul3A_1906] : memref<128x200xi32, #tpu.memory_space<vmem>> -> memref<1x40xi32, #tpu.memory_space<vmem>>
      %dma_start3A_1914 = tpu.memref_squeeze %dma_start3A_1913 : memref<1x40xi32, #tpu.memory_space<vmem>> -> memref<40xi32, #tpu.memory_space<vmem>>
      %dma_start3A_1915 = arith.constant 0 : i32
      %dma_start3A_1916 = arith.constant 0 : i32
      %dma_start3A_1917 = tpu.memref_slice %arg3[%dma_start3A_1915, %dma_start3A_1916] : memref<1000000x64xf32, #tpu.memory_space<hbm>> -> memref<1000000x64xf32, #tpu.memory_space<hbm>>
      %dma_start3A_1918 = tpu.memref_slice %arg7[%dma_start3A_1908] : memref<8x!tpu.dma_semaphore, #tpu.memory_space<semaphore_mem>> -> memref<1x!tpu.dma_semaphore, #tpu.memory_space<semaphore_mem>>
      %dma_start3A_1919 = tpu.memref_squeeze %dma_start3A_1918 : memref<1x!tpu.dma_semaphore, #tpu.memory_space<semaphore_mem>> -> memref<!tpu.dma_semaphore, #tpu.memory_space<semaphore_mem>>
      tpu.enqueue_indirect_dma source(%dma_start3A_1917 : memref<1000000x64xf32, #tpu.memory_space<hbm>>) target(%dma_start3A_1912 : memref<40x64xf32, #tpu.memory_space<vmem>>) offsets(%dma_start3A_1914 : memref<40xi32, #tpu.memory_space<vmem>>) semaphore(%dma_start3A_1919 : memref<!tpu.dma_semaphore, #tpu.memory_space<semaphore_mem>>)
      %mul3A_1920 = arith.constant 4 : i32
      %mul3A_1921 = arith.muli %add3A_1860, %mul3A_1920 : i32
      %add3A_1922 = arith.constant 1 : i32
      %add3A_1923 = arith.addi %mul3A_1921, %add3A_1922 : i32
      %jit3A_1924 = arith.constant 5 : i32
      %div3A_1925 = arith.divsi %add3A_1923, %jit3A_1924 : i32
      %sign3A_1926 = arith.constant 0 : i32
      %sign3A_1927 = arith.cmpi sgt, %add3A_1923, %sign3A_1926 : i32
      %sign3A_1928 = arith.extui %sign3A_1927 : i1 to i32
      %sign3A_1929 = arith.constant 0 : i32
      %sign3A_1930 = arith.cmpi slt, %add3A_1923, %sign3A_1929 : i32
      %sign3A_1931 = arith.extui %sign3A_1930 : i1 to i32
      %sign3A_1932 = arith.subi %sign3A_1928, %sign3A_1931 : i32
      %sign3A_1933 = arith.constant 0 : i32
      %sign3A_1934 = arith.cmpi sgt, %jit3A_1924, %sign3A_1933 : i32
      %sign3A_1935 = arith.extui %sign3A_1934 : i1 to i32
      %sign3A_1936 = arith.constant 0 : i32
      %sign3A_1937 = arith.cmpi slt, %jit3A_1924, %sign3A_1936 : i32
      %sign3A_1938 = arith.extui %sign3A_1937 : i1 to i32
      %sign3A_1939 = arith.subi %sign3A_1935, %sign3A_1938 : i32
      %ne3A_1940 = arith.cmpi ne, %sign3A_1932, %sign3A_1939 : i32
      %rem3A_1941 = arith.remsi %add3A_1923, %jit3A_1924 : i32
      %ne3A_1942 = arith.constant 0 : i32
      %ne3A_1943 = arith.cmpi ne, %rem3A_1941, %ne3A_1942 : i32
      %and3A_1944 = arith.andi %ne3A_1940, %ne3A_1943 : i1
      %sub3A_1945 = arith.constant 1 : i32
      %sub3A_1946 = arith.subi %div3A_1925, %sub3A_1945 : i32
      %select_n3A_1947 = arith.select %and3A_1944, %sub3A_1946, %div3A_1925 : i32
      %jit3A_1948 = arith.constant 5 : i32
      %eq3A_1949 = arith.constant 0 : i32
      %eq3A_1950 = arith.cmpi eq, %jit3A_1948, %eq3A_1949 : i32
      %jit3A_1951 = arith.constant 1 : i32
      %select_n3A_1952 = arith.select %eq3A_1950, %jit3A_1951, %jit3A_1948 : i32
      %rem3A_1953 = arith.remsi %add3A_1923, %select_n3A_1952 : i32
      %ne3A_1954 = arith.constant 0 : i32
      %ne3A_1955 = arith.cmpi ne, %rem3A_1953, %ne3A_1954 : i32
      %lt3A_1956 = arith.constant 0 : i32
      %lt3A_1957 = arith.cmpi slt, %rem3A_1953, %lt3A_1956 : i32
      %lt3A_1958 = arith.constant 0 : i32
      %lt3A_1959 = arith.cmpi slt, %select_n3A_1952, %lt3A_1958 : i32
      %ne3A_1960 = arith.xori %lt3A_1957, %lt3A_1959 : i1
      %and3A_1961 = arith.andi %ne3A_1960, %ne3A_1955 : i1
      %add3A_1962 = arith.addi %rem3A_1953, %select_n3A_1952 : i32
      %select_n3A_1963 = arith.select %and3A_1961, %add3A_1962, %rem3A_1953 : i32
      %mul3A_1964 = arith.constant 40 : i32
      %mul3A_1965 = arith.muli %select_n3A_1963, %mul3A_1964 : i32
      %dma_start3A_1966 = arith.constant 5 : i32
      %dma_start3A_1967 = arith.constant 5 : i32
      %dma_start3A_1968 = arith.constant 0 : i32
      %dma_start3A_1969 = arith.constant 0 : i32
      %dma_start3A_1970 = tpu.memref_slice %arg6[%dma_start3A_1966, %dma_start3A_1968, %dma_start3A_1969] : memref<8x40x64xf32, #tpu.memory_space<vmem>> -> memref<1x40x64xf32, #tpu.memory_space<vmem>>
      %dma_start3A_1971 = tpu.memref_squeeze %dma_start3A_1970 : memref<1x40x64xf32, #tpu.memory_space<vmem>> -> memref<40x64xf32, #tpu.memory_space<vmem>>
      %dma_start3A_1972 = tpu.memref_slice %arg5[%select_n3A_1947, %mul3A_1965] : memref<128x200xi32, #tpu.memory_space<vmem>> -> memref<1x40xi32, #tpu.memory_space<vmem>>
      %dma_start3A_1973 = tpu.memref_squeeze %dma_start3A_1972 : memref<1x40xi32, #tpu.memory_space<vmem>> -> memref<40xi32, #tpu.memory_space<vmem>>
      %dma_start3A_1974 = arith.constant 0 : i32
      %dma_start3A_1975 = arith.constant 0 : i32
      %dma_start3A_1976 = tpu.memref_slice %arg3[%dma_start3A_1974, %dma_start3A_1975] : memref<1000000x64xf32, #tpu.memory_space<hbm>> -> memref<1000000x64xf32, #tpu.memory_space<hbm>>
      %dma_start3A_1977 = tpu.memref_slice %arg7[%dma_start3A_1967] : memref<8x!tpu.dma_semaphore, #tpu.memory_space<semaphore_mem>> -> memref<1x!tpu.dma_semaphore, #tpu.memory_space<semaphore_mem>>
      %dma_start3A_1978 = tpu.memref_squeeze %dma_start3A_1977 : memref<1x!tpu.dma_semaphore, #tpu.memory_space<semaphore_mem>> -> memref<!tpu.dma_semaphore, #tpu.memory_space<semaphore_mem>>
      tpu.enqueue_indirect_dma source(%dma_start3A_1976 : memref<1000000x64xf32, #tpu.memory_space<hbm>>) target(%dma_start3A_1971 : memref<40x64xf32, #tpu.memory_space<vmem>>) offsets(%dma_start3A_1973 : memref<40xi32, #tpu.memory_space<vmem>>) semaphore(%dma_start3A_1978 : memref<!tpu.dma_semaphore, #tpu.memory_space<semaphore_mem>>)
      %mul3A_1979 = arith.constant 4 : i32
      %mul3A_1980 = arith.muli %add3A_1860, %mul3A_1979 : i32
      %add3A_1981 = arith.constant 2 : i32
      %add3A_1982 = arith.addi %mul3A_1980, %add3A_1981 : i32
      %jit3A_1983 = arith.constant 5 : i32
      %div3A_1984 = arith.divsi %add3A_1982, %jit3A_1983 : i32
      %sign3A_1985 = arith.constant 0 : i32
      %sign3A_1986 = arith.cmpi sgt, %add3A_1982, %sign3A_1985 : i32
      %sign3A_1987 = arith.extui %sign3A_1986 : i1 to i32
      %sign3A_1988 = arith.constant 0 : i32
      %sign3A_1989 = arith.cmpi slt, %add3A_1982, %sign3A_1988 : i32
      %sign3A_1990 = arith.extui %sign3A_1989 : i1 to i32
      %sign3A_1991 = arith.subi %sign3A_1987, %sign3A_1990 : i32
      %sign3A_1992 = arith.constant 0 : i32
      %sign3A_1993 = arith.cmpi sgt, %jit3A_1983, %sign3A_1992 : i32
      %sign3A_1994 = arith.extui %sign3A_1993 : i1 to i32
      %sign3A_1995 = arith.constant 0 : i32
      %sign3A_1996 = arith.cmpi slt, %jit3A_1983, %sign3A_1995 : i32
      %sign3A_1997 = arith.extui %sign3A_1996 : i1 to i32
      %sign3A_1998 = arith.subi %sign3A_1994, %sign3A_1997 : i32
      %ne3A_1999 = arith.cmpi ne, %sign3A_1991, %sign3A_1998 : i32
      %rem3A_2000 = arith.remsi %add3A_1982, %jit3A_1983 : i32
      %ne3A_2001 = arith.constant 0 : i32
      %ne3A_2002 = arith.cmpi ne, %rem3A_2000, %ne3A_2001 : i32
      %and3A_2003 = arith.andi %ne3A_1999, %ne3A_2002 : i1
      %sub3A_2004 = arith.constant 1 : i32
      %sub3A_2005 = arith.subi %div3A_1984, %sub3A_2004 : i32
      %select_n3A_2006 = arith.select %and3A_2003, %sub3A_2005, %div3A_1984 : i32
      %jit3A_2007 = arith.constant 5 : i32
      %eq3A_2008 = arith.constant 0 : i32
      %eq3A_2009 = arith.cmpi eq, %jit3A_2007, %eq3A_2008 : i32
      %jit3A_2010 = arith.constant 1 : i32
      %select_n3A_2011 = arith.select %eq3A_2009, %jit3A_2010, %jit3A_2007 : i32
      %rem3A_2012 = arith.remsi %add3A_1982, %select_n3A_2011 : i32
      %ne3A_2013 = arith.constant 0 : i32
      %ne3A_2014 = arith.cmpi ne, %rem3A_2012, %ne3A_2013 : i32
      %lt3A_2015 = arith.constant 0 : i32
      %lt3A_2016 = arith.cmpi slt, %rem3A_2012, %lt3A_2015 : i32
      %lt3A_2017 = arith.constant 0 : i32
      %lt3A_2018 = arith.cmpi slt, %select_n3A_2011, %lt3A_2017 : i32
      %ne3A_2019 = arith.xori %lt3A_2016, %lt3A_2018 : i1
      %and3A_2020 = arith.andi %ne3A_2019, %ne3A_2014 : i1
      %add3A_2021 = arith.addi %rem3A_2012, %select_n3A_2011 : i32
      %select_n3A_2022 = arith.select %and3A_2020, %add3A_2021, %rem3A_2012 : i32
      %mul3A_2023 = arith.constant 40 : i32
      %mul3A_2024 = arith.muli %select_n3A_2022, %mul3A_2023 : i32
      %dma_start3A_2025 = arith.constant 6 : i32
      %dma_start3A_2026 = arith.constant 6 : i32
      %dma_start3A_2027 = arith.constant 0 : i32
      %dma_start3A_2028 = arith.constant 0 : i32
      %dma_start3A_2029 = tpu.memref_slice %arg6[%dma_start3A_2025, %dma_start3A_2027, %dma_start3A_2028] : memref<8x40x64xf32, #tpu.memory_space<vmem>> -> memref<1x40x64xf32, #tpu.memory_space<vmem>>
      %dma_start3A_2030 = tpu.memref_squeeze %dma_start3A_2029 : memref<1x40x64xf32, #tpu.memory_space<vmem>> -> memref<40x64xf32, #tpu.memory_space<vmem>>
      %dma_start3A_2031 = tpu.memref_slice %arg5[%select_n3A_2006, %mul3A_2024] : memref<128x200xi32, #tpu.memory_space<vmem>> -> memref<1x40xi32, #tpu.memory_space<vmem>>
      %dma_start3A_2032 = tpu.memref_squeeze %dma_start3A_2031 : memref<1x40xi32, #tpu.memory_space<vmem>> -> memref<40xi32, #tpu.memory_space<vmem>>
      %dma_start3A_2033 = arith.constant 0 : i32
      %dma_start3A_2034 = arith.constant 0 : i32
      %dma_start3A_2035 = tpu.memref_slice %arg3[%dma_start3A_2033, %dma_start3A_2034] : memref<1000000x64xf32, #tpu.memory_space<hbm>> -> memref<1000000x64xf32, #tpu.memory_space<hbm>>
      %dma_start3A_2036 = tpu.memref_slice %arg7[%dma_start3A_2026] : memref<8x!tpu.dma_semaphore, #tpu.memory_space<semaphore_mem>> -> memref<1x!tpu.dma_semaphore, #tpu.memory_space<semaphore_mem>>
      %dma_start3A_2037 = tpu.memref_squeeze %dma_start3A_2036 : memref<1x!tpu.dma_semaphore, #tpu.memory_space<semaphore_mem>> -> memref<!tpu.dma_semaphore, #tpu.memory_space<semaphore_mem>>
      tpu.enqueue_indirect_dma source(%dma_start3A_2035 : memref<1000000x64xf32, #tpu.memory_space<hbm>>) target(%dma_start3A_2030 : memref<40x64xf32, #tpu.memory_space<vmem>>) offsets(%dma_start3A_2032 : memref<40xi32, #tpu.memory_space<vmem>>) semaphore(%dma_start3A_2037 : memref<!tpu.dma_semaphore, #tpu.memory_space<semaphore_mem>>)
      %mul3A_2038 = arith.constant 4 : i32
      %mul3A_2039 = arith.muli %add3A_1860, %mul3A_2038 : i32
      %add3A_2040 = arith.constant 3 : i32
      %add3A_2041 = arith.addi %mul3A_2039, %add3A_2040 : i32
      %jit3A_2042 = arith.constant 5 : i32
      %div3A_2043 = arith.divsi %add3A_2041, %jit3A_2042 : i32
      %sign3A_2044 = arith.constant 0 : i32
      %sign3A_2045 = arith.cmpi sgt, %add3A_2041, %sign3A_2044 : i32
      %sign3A_2046 = arith.extui %sign3A_2045 : i1 to i32
      %sign3A_2047 = arith.constant 0 : i32
      %sign3A_2048 = arith.cmpi slt, %add3A_2041, %sign3A_2047 : i32
      %sign3A_2049 = arith.extui %sign3A_2048 : i1 to i32
      %sign3A_2050 = arith.subi %sign3A_2046, %sign3A_2049 : i32
      %sign3A_2051 = arith.constant 0 : i32
      %sign3A_2052 = arith.cmpi sgt, %jit3A_2042, %sign3A_2051 : i32
      %sign3A_2053 = arith.extui %sign3A_2052 : i1 to i32
      %sign3A_2054 = arith.constant 0 : i32
      %sign3A_2055 = arith.cmpi slt, %jit3A_2042, %sign3A_2054 : i32
      %sign3A_2056 = arith.extui %sign3A_2055 : i1 to i32
      %sign3A_2057 = arith.subi %sign3A_2053, %sign3A_2056 : i32
      %ne3A_2058 = arith.cmpi ne, %sign3A_2050, %sign3A_2057 : i32
      %rem3A_2059 = arith.remsi %add3A_2041, %jit3A_2042 : i32
      %ne3A_2060 = arith.constant 0 : i32
      %ne3A_2061 = arith.cmpi ne, %rem3A_2059, %ne3A_2060 : i32
      %and3A_2062 = arith.andi %ne3A_2058, %ne3A_2061 : i1
      %sub3A_2063 = arith.constant 1 : i32
      %sub3A_2064 = arith.subi %div3A_2043, %sub3A_2063 : i32
      %select_n3A_2065 = arith.select %and3A_2062, %sub3A_2064, %div3A_2043 : i32
      %jit3A_2066 = arith.constant 5 : i32
      %eq3A_2067 = arith.constant 0 : i32
      %eq3A_2068 = arith.cmpi eq, %jit3A_2066, %eq3A_2067 : i32
      %jit3A_2069 = arith.constant 1 : i32
      %select_n3A_2070 = arith.select %eq3A_2068, %jit3A_2069, %jit3A_2066 : i32
      %rem3A_2071 = arith.remsi %add3A_2041, %select_n3A_2070 : i32
      %ne3A_2072 = arith.constant 0 : i32
      %ne3A_2073 = arith.cmpi ne, %rem3A_2071, %ne3A_2072 : i32
      %lt3A_2074 = arith.constant 0 : i32
      %lt3A_2075 = arith.cmpi slt, %rem3A_2071, %lt3A_2074 : i32
      %lt3A_2076 = arith.constant 0 : i32
      %lt3A_2077 = arith.cmpi slt, %select_n3A_2070, %lt3A_2076 : i32
      %ne3A_2078 = arith.xori %lt3A_2075, %lt3A_2077 : i1
      %and3A_2079 = arith.andi %ne3A_2078, %ne3A_2073 : i1
      %add3A_2080 = arith.addi %rem3A_2071, %select_n3A_2070 : i32
      %select_n3A_2081 = arith.select %and3A_2079, %add3A_2080, %rem3A_2071 : i32
      %mul3A_2082 = arith.constant 40 : i32
      %mul3A_2083 = arith.muli %select_n3A_2081, %mul3A_2082 : i32
      %dma_start3A_2084 = arith.constant 7 : i32
      %dma_start3A_2085 = arith.constant 7 : i32
      %dma_start3A_2086 = arith.constant 0 : i32
      %dma_start3A_2087 = arith.constant 0 : i32
      %dma_start3A_2088 = tpu.memref_slice %arg6[%dma_start3A_2084, %dma_start3A_2086, %dma_start3A_2087] : memref<8x40x64xf32, #tpu.memory_space<vmem>> -> memref<1x40x64xf32, #tpu.memory_space<vmem>>
      %dma_start3A_2089 = tpu.memref_squeeze %dma_start3A_2088 : memref<1x40x64xf32, #tpu.memory_space<vmem>> -> memref<40x64xf32, #tpu.memory_space<vmem>>
      %dma_start3A_2090 = tpu.memref_slice %arg5[%select_n3A_2065, %mul3A_2083] : memref<128x200xi32, #tpu.memory_space<vmem>> -> memref<1x40xi32, #tpu.memory_space<vmem>>
      %dma_start3A_2091 = tpu.memref_squeeze %dma_start3A_2090 : memref<1x40xi32, #tpu.memory_space<vmem>> -> memref<40xi32, #tpu.memory_space<vmem>>
      %dma_start3A_2092 = arith.constant 0 : i32
      %dma_start3A_2093 = arith.constant 0 : i32
      %dma_start3A_2094 = tpu.memref_slice %arg3[%dma_start3A_2092, %dma_start3A_2093] : memref<1000000x64xf32, #tpu.memory_space<hbm>> -> memref<1000000x64xf32, #tpu.memory_space<hbm>>
      %dma_start3A_2095 = tpu.memref_slice %arg7[%dma_start3A_2085] : memref<8x!tpu.dma_semaphore, #tpu.memory_space<semaphore_mem>> -> memref<1x!tpu.dma_semaphore, #tpu.memory_space<semaphore_mem>>
      %dma_start3A_2096 = tpu.memref_squeeze %dma_start3A_2095 : memref<1x!tpu.dma_semaphore, #tpu.memory_space<semaphore_mem>> -> memref<!tpu.dma_semaphore, #tpu.memory_space<semaphore_mem>>
      tpu.enqueue_indirect_dma source(%dma_start3A_2094 : memref<1000000x64xf32, #tpu.memory_space<hbm>>) target(%dma_start3A_2089 : memref<40x64xf32, #tpu.memory_space<vmem>>) offsets(%dma_start3A_2091 : memref<40xi32, #tpu.memory_space<vmem>>) semaphore(%dma_start3A_2096 : memref<!tpu.dma_semaphore, #tpu.memory_space<semaphore_mem>>)
      %mul3A_2097 = arith.constant 4 : i32
      %mul3A_2098 = arith.muli %add3A_1596, %mul3A_2097 : i32
      %add3A_2099 = arith.constant 0 : i32
      %add3A_2100 = arith.addi %mul3A_2098, %add3A_2099 : i32
      %jit3A_2101 = arith.constant 5 : i32
      %div3A_2102 = arith.divsi %add3A_2100, %jit3A_2101 : i32
      %sign3A_2103 = arith.constant 0 : i32
      %sign3A_2104 = arith.cmpi sgt, %add3A_2100, %sign3A_2103 : i32
      %sign3A_2105 = arith.extui %sign3A_2104 : i1 to i32
      %sign3A_2106 = arith.constant 0 : i32
      %sign3A_2107 = arith.cmpi slt, %add3A_2100, %sign3A_2106 : i32
      %sign3A_2108 = arith.extui %sign3A_2107 : i1 to i32
      %sign3A_2109 = arith.subi %sign3A_2105, %sign3A_2108 : i32
      %sign3A_2110 = arith.constant 0 : i32
      %sign3A_2111 = arith.cmpi sgt, %jit3A_2101, %sign3A_2110 : i32
      %sign3A_2112 = arith.extui %sign3A_2111 : i1 to i32
      %sign3A_2113 = arith.constant 0 : i32
      %sign3A_2114 = arith.cmpi slt, %jit3A_2101, %sign3A_2113 : i32
      %sign3A_2115 = arith.extui %sign3A_2114 : i1 to i32
      %sign3A_2116 = arith.subi %sign3A_2112, %sign3A_2115 : i32
      %ne3A_2117 = arith.cmpi ne, %sign3A_2109, %sign3A_2116 : i32
      %rem3A_2118 = arith.remsi %add3A_2100, %jit3A_2101 : i32
      %ne3A_2119 = arith.constant 0 : i32
      %ne3A_2120 = arith.cmpi ne, %rem3A_2118, %ne3A_2119 : i32
      %and3A_2121 = arith.andi %ne3A_2117, %ne3A_2120 : i1
      %sub3A_2122 = arith.constant 1 : i32
      %sub3A_2123 = arith.subi %div3A_2102, %sub3A_2122 : i32
      %select_n3A_2124 = arith.select %and3A_2121, %sub3A_2123, %div3A_2102 : i32
      %jit3A_2125 = arith.constant 5 : i32
      %eq3A_2126 = arith.constant 0 : i32
      %eq3A_2127 = arith.cmpi eq, %jit3A_2125, %eq3A_2126 : i32
      %jit3A_2128 = arith.constant 1 : i32
      %select_n3A_2129 = arith.select %eq3A_2127, %jit3A_2128, %jit3A_2125 : i32
      %rem3A_2130 = arith.remsi %add3A_2100, %select_n3A_2129 : i32
      %ne3A_2131 = arith.constant 0 : i32
      %ne3A_2132 = arith.cmpi ne, %rem3A_2130, %ne3A_2131 : i32
      %lt3A_2133 = arith.constant 0 : i32
      %lt3A_2134 = arith.cmpi slt, %rem3A_2130, %lt3A_2133 : i32
      %lt3A_2135 = arith.constant 0 : i32
      %lt3A_2136 = arith.cmpi slt, %select_n3A_2129, %lt3A_2135 : i32
      %ne3A_2137 = arith.xori %lt3A_2134, %lt3A_2136 : i1
      %and3A_2138 = arith.andi %ne3A_2137, %ne3A_2132 : i1
      %add3A_2139 = arith.addi %rem3A_2130, %select_n3A_2129 : i32
      %select_n3A_2140 = arith.select %and3A_2138, %add3A_2139, %rem3A_2130 : i32
      %mul3A_2141 = arith.constant 40 : i32
      %mul3A_2142 = arith.muli %select_n3A_2140, %mul3A_2141 : i32
      %dma_wait3A_2143 = arith.constant 0 : i32
      %dma_wait3A_2144 = arith.constant 0 : i32
      %dma_wait3A_2145 = arith.constant 0 : i32
      %dma_wait3A_2146 = arith.constant 0 : i32
      %dma_wait3A_2147 = tpu.memref_slice %arg6[%dma_wait3A_2143, %dma_wait3A_2145, %dma_wait3A_2146] : memref<8x40x64xf32, #tpu.memory_space<vmem>> -> memref<1x40x64xf32, #tpu.memory_space<vmem>>
      %dma_wait3A_2148 = tpu.memref_squeeze %dma_wait3A_2147 : memref<1x40x64xf32, #tpu.memory_space<vmem>> -> memref<40x64xf32, #tpu.memory_space<vmem>>
      %dma_wait3A_2149 = tpu.memref_slice %arg5[%select_n3A_2124, %mul3A_2142] : memref<128x200xi32, #tpu.memory_space<vmem>> -> memref<1x40xi32, #tpu.memory_space<vmem>>
      %dma_wait3A_2150 = tpu.memref_squeeze %dma_wait3A_2149 : memref<1x40xi32, #tpu.memory_space<vmem>> -> memref<40xi32, #tpu.memory_space<vmem>>
      %dma_wait3A_2151 = arith.constant 0 : i32
      %dma_wait3A_2152 = arith.constant 0 : i32
      %dma_wait3A_2153 = tpu.memref_slice %arg3[%dma_wait3A_2151, %dma_wait3A_2152] : memref<1000000x64xf32, #tpu.memory_space<hbm>> -> memref<1000000x64xf32, #tpu.memory_space<hbm>>
      %dma_wait3A_2154 = tpu.memref_slice %arg7[%dma_wait3A_2144] : memref<8x!tpu.dma_semaphore, #tpu.memory_space<semaphore_mem>> -> memref<1x!tpu.dma_semaphore, #tpu.memory_space<semaphore_mem>>
      %dma_wait3A_2155 = tpu.memref_squeeze %dma_wait3A_2154 : memref<1x!tpu.dma_semaphore, #tpu.memory_space<semaphore_mem>> -> memref<!tpu.dma_semaphore, #tpu.memory_space<semaphore_mem>>
      tpu.wait_indirect_dma semaphore(%dma_wait3A_2155 : memref<!tpu.dma_semaphore, #tpu.memory_space<semaphore_mem>>) src(%dma_wait3A_2153 : memref<1000000x64xf32, #tpu.memory_space<hbm>>) dst(%dma_wait3A_2148 : memref<40x64xf32, #tpu.memory_space<vmem>>)
      %mul3A_2156 = arith.constant 4 : i32
      %mul3A_2157 = arith.muli %add3A_1596, %mul3A_2156 : i32
      %add3A_2158 = arith.constant 1 : i32
      %add3A_2159 = arith.addi %mul3A_2157, %add3A_2158 : i32
      %jit3A_2160 = arith.constant 5 : i32
      %div3A_2161 = arith.divsi %add3A_2159, %jit3A_2160 : i32
      %sign3A_2162 = arith.constant 0 : i32
      %sign3A_2163 = arith.cmpi sgt, %add3A_2159, %sign3A_2162 : i32
      %sign3A_2164 = arith.extui %sign3A_2163 : i1 to i32
      %sign3A_2165 = arith.constant 0 : i32
      %sign3A_2166 = arith.cmpi slt, %add3A_2159, %sign3A_2165 : i32
      %sign3A_2167 = arith.extui %sign3A_2166 : i1 to i32
      %sign3A_2168 = arith.subi %sign3A_2164, %sign3A_2167 : i32
      %sign3A_2169 = arith.constant 0 : i32
      %sign3A_2170 = arith.cmpi sgt, %jit3A_2160, %sign3A_2169 : i32
      %sign3A_2171 = arith.extui %sign3A_2170 : i1 to i32
      %sign3A_2172 = arith.constant 0 : i32
      %sign3A_2173 = arith.cmpi slt, %jit3A_2160, %sign3A_2172 : i32
      %sign3A_2174 = arith.extui %sign3A_2173 : i1 to i32
      %sign3A_2175 = arith.subi %sign3A_2171, %sign3A_2174 : i32
      %ne3A_2176 = arith.cmpi ne, %sign3A_2168, %sign3A_2175 : i32
      %rem3A_2177 = arith.remsi %add3A_2159, %jit3A_2160 : i32
      %ne3A_2178 = arith.constant 0 : i32
      %ne3A_2179 = arith.cmpi ne, %rem3A_2177, %ne3A_2178 : i32
      %and3A_2180 = arith.andi %ne3A_2176, %ne3A_2179 : i1
      %sub3A_2181 = arith.constant 1 : i32
      %sub3A_2182 = arith.subi %div3A_2161, %sub3A_2181 : i32
      %select_n3A_2183 = arith.select %and3A_2180, %sub3A_2182, %div3A_2161 : i32
      %jit3A_2184 = arith.constant 5 : i32
      %eq3A_2185 = arith.constant 0 : i32
      %eq3A_2186 = arith.cmpi eq, %jit3A_2184, %eq3A_2185 : i32
      %jit3A_2187 = arith.constant 1 : i32
      %select_n3A_2188 = arith.select %eq3A_2186, %jit3A_2187, %jit3A_2184 : i32
      %rem3A_2189 = arith.remsi %add3A_2159, %select_n3A_2188 : i32
      %ne3A_2190 = arith.constant 0 : i32
      %ne3A_2191 = arith.cmpi ne, %rem3A_2189, %ne3A_2190 : i32
      %lt3A_2192 = arith.constant 0 : i32
      %lt3A_2193 = arith.cmpi slt, %rem3A_2189, %lt3A_2192 : i32
      %lt3A_2194 = arith.constant 0 : i32
      %lt3A_2195 = arith.cmpi slt, %select_n3A_2188, %lt3A_2194 : i32
      %ne3A_2196 = arith.xori %lt3A_2193, %lt3A_2195 : i1
      %and3A_2197 = arith.andi %ne3A_2196, %ne3A_2191 : i1
      %add3A_2198 = arith.addi %rem3A_2189, %select_n3A_2188 : i32
      %select_n3A_2199 = arith.select %and3A_2197, %add3A_2198, %rem3A_2189 : i32
      %mul3A_2200 = arith.constant 40 : i32
      %mul3A_2201 = arith.muli %select_n3A_2199, %mul3A_2200 : i32
      %dma_wait3A_2202 = arith.constant 1 : i32
      %dma_wait3A_2203 = arith.constant 1 : i32
      %dma_wait3A_2204 = arith.constant 0 : i32
      %dma_wait3A_2205 = arith.constant 0 : i32
      %dma_wait3A_2206 = tpu.memref_slice %arg6[%dma_wait3A_2202, %dma_wait3A_2204, %dma_wait3A_2205] : memref<8x40x64xf32, #tpu.memory_space<vmem>> -> memref<1x40x64xf32, #tpu.memory_space<vmem>>
      %dma_wait3A_2207 = tpu.memref_squeeze %dma_wait3A_2206 : memref<1x40x64xf32, #tpu.memory_space<vmem>> -> memref<40x64xf32, #tpu.memory_space<vmem>>
      %dma_wait3A_2208 = tpu.memref_slice %arg5[%select_n3A_2183, %mul3A_2201] : memref<128x200xi32, #tpu.memory_space<vmem>> -> memref<1x40xi32, #tpu.memory_space<vmem>>
      %dma_wait3A_2209 = tpu.memref_squeeze %dma_wait3A_2208 : memref<1x40xi32, #tpu.memory_space<vmem>> -> memref<40xi32, #tpu.memory_space<vmem>>
      %dma_wait3A_2210 = arith.constant 0 : i32
      %dma_wait3A_2211 = arith.constant 0 : i32
      %dma_wait3A_2212 = tpu.memref_slice %arg3[%dma_wait3A_2210, %dma_wait3A_2211] : memref<1000000x64xf32, #tpu.memory_space<hbm>> -> memref<1000000x64xf32, #tpu.memory_space<hbm>>
      %dma_wait3A_2213 = tpu.memref_slice %arg7[%dma_wait3A_2203] : memref<8x!tpu.dma_semaphore, #tpu.memory_space<semaphore_mem>> -> memref<1x!tpu.dma_semaphore, #tpu.memory_space<semaphore_mem>>
      %dma_wait3A_2214 = tpu.memref_squeeze %dma_wait3A_2213 : memref<1x!tpu.dma_semaphore, #tpu.memory_space<semaphore_mem>> -> memref<!tpu.dma_semaphore, #tpu.memory_space<semaphore_mem>>
      tpu.wait_indirect_dma semaphore(%dma_wait3A_2214 : memref<!tpu.dma_semaphore, #tpu.memory_space<semaphore_mem>>) src(%dma_wait3A_2212 : memref<1000000x64xf32, #tpu.memory_space<hbm>>) dst(%dma_wait3A_2207 : memref<40x64xf32, #tpu.memory_space<vmem>>)
      %mul3A_2215 = arith.constant 4 : i32
      %mul3A_2216 = arith.muli %add3A_1596, %mul3A_2215 : i32
      %add3A_2217 = arith.constant 2 : i32
      %add3A_2218 = arith.addi %mul3A_2216, %add3A_2217 : i32
      %jit3A_2219 = arith.constant 5 : i32
      %div3A_2220 = arith.divsi %add3A_2218, %jit3A_2219 : i32
      %sign3A_2221 = arith.constant 0 : i32
      %sign3A_2222 = arith.cmpi sgt, %add3A_2218, %sign3A_2221 : i32
      %sign3A_2223 = arith.extui %sign3A_2222 : i1 to i32
      %sign3A_2224 = arith.constant 0 : i32
      %sign3A_2225 = arith.cmpi slt, %add3A_2218, %sign3A_2224 : i32
      %sign3A_2226 = arith.extui %sign3A_2225 : i1 to i32
      %sign3A_2227 = arith.subi %sign3A_2223, %sign3A_2226 : i32
      %sign3A_2228 = arith.constant 0 : i32
      %sign3A_2229 = arith.cmpi sgt, %jit3A_2219, %sign3A_2228 : i32
      %sign3A_2230 = arith.extui %sign3A_2229 : i1 to i32
      %sign3A_2231 = arith.constant 0 : i32
      %sign3A_2232 = arith.cmpi slt, %jit3A_2219, %sign3A_2231 : i32
      %sign3A_2233 = arith.extui %sign3A_2232 : i1 to i32
      %sign3A_2234 = arith.subi %sign3A_2230, %sign3A_2233 : i32
      %ne3A_2235 = arith.cmpi ne, %sign3A_2227, %sign3A_2234 : i32
      %rem3A_2236 = arith.remsi %add3A_2218, %jit3A_2219 : i32
      %ne3A_2237 = arith.constant 0 : i32
      %ne3A_2238 = arith.cmpi ne, %rem3A_2236, %ne3A_2237 : i32
      %and3A_2239 = arith.andi %ne3A_2235, %ne3A_2238 : i1
      %sub3A_2240 = arith.constant 1 : i32
      %sub3A_2241 = arith.subi %div3A_2220, %sub3A_2240 : i32
      %select_n3A_2242 = arith.select %and3A_2239, %sub3A_2241, %div3A_2220 : i32
      %jit3A_2243 = arith.constant 5 : i32
      %eq3A_2244 = arith.constant 0 : i32
      %eq3A_2245 = arith.cmpi eq, %jit3A_2243, %eq3A_2244 : i32
      %jit3A_2246 = arith.constant 1 : i32
      %select_n3A_2247 = arith.select %eq3A_2245, %jit3A_2246, %jit3A_2243 : i32
      %rem3A_2248 = arith.remsi %add3A_2218, %select_n3A_2247 : i32
      %ne3A_2249 = arith.constant 0 : i32
      %ne3A_2250 = arith.cmpi ne, %rem3A_2248, %ne3A_2249 : i32
      %lt3A_2251 = arith.constant 0 : i32
      %lt3A_2252 = arith.cmpi slt, %rem3A_2248, %lt3A_2251 : i32
      %lt3A_2253 = arith.constant 0 : i32
      %lt3A_2254 = arith.cmpi slt, %select_n3A_2247, %lt3A_2253 : i32
      %ne3A_2255 = arith.xori %lt3A_2252, %lt3A_2254 : i1
      %and3A_2256 = arith.andi %ne3A_2255, %ne3A_2250 : i1
      %add3A_2257 = arith.addi %rem3A_2248, %select_n3A_2247 : i32
      %select_n3A_2258 = arith.select %and3A_2256, %add3A_2257, %rem3A_2248 : i32
      %mul3A_2259 = arith.constant 40 : i32
      %mul3A_2260 = arith.muli %select_n3A_2258, %mul3A_2259 : i32
      %dma_wait3A_2261 = arith.constant 2 : i32
      %dma_wait3A_2262 = arith.constant 2 : i32
      %dma_wait3A_2263 = arith.constant 0 : i32
      %dma_wait3A_2264 = arith.constant 0 : i32
      %dma_wait3A_2265 = tpu.memref_slice %arg6[%dma_wait3A_2261, %dma_wait3A_2263, %dma_wait3A_2264] : memref<8x40x64xf32, #tpu.memory_space<vmem>> -> memref<1x40x64xf32, #tpu.memory_space<vmem>>
      %dma_wait3A_2266 = tpu.memref_squeeze %dma_wait3A_2265 : memref<1x40x64xf32, #tpu.memory_space<vmem>> -> memref<40x64xf32, #tpu.memory_space<vmem>>
      %dma_wait3A_2267 = tpu.memref_slice %arg5[%select_n3A_2242, %mul3A_2260] : memref<128x200xi32, #tpu.memory_space<vmem>> -> memref<1x40xi32, #tpu.memory_space<vmem>>
      %dma_wait3A_2268 = tpu.memref_squeeze %dma_wait3A_2267 : memref<1x40xi32, #tpu.memory_space<vmem>> -> memref<40xi32, #tpu.memory_space<vmem>>
      %dma_wait3A_2269 = arith.constant 0 : i32
      %dma_wait3A_2270 = arith.constant 0 : i32
      %dma_wait3A_2271 = tpu.memref_slice %arg3[%dma_wait3A_2269, %dma_wait3A_2270] : memref<1000000x64xf32, #tpu.memory_space<hbm>> -> memref<1000000x64xf32, #tpu.memory_space<hbm>>
      %dma_wait3A_2272 = tpu.memref_slice %arg7[%dma_wait3A_2262] : memref<8x!tpu.dma_semaphore, #tpu.memory_space<semaphore_mem>> -> memref<1x!tpu.dma_semaphore, #tpu.memory_space<semaphore_mem>>
      %dma_wait3A_2273 = tpu.memref_squeeze %dma_wait3A_2272 : memref<1x!tpu.dma_semaphore, #tpu.memory_space<semaphore_mem>> -> memref<!tpu.dma_semaphore, #tpu.memory_space<semaphore_mem>>
      tpu.wait_indirect_dma semaphore(%dma_wait3A_2273 : memref<!tpu.dma_semaphore, #tpu.memory_space<semaphore_mem>>) src(%dma_wait3A_2271 : memref<1000000x64xf32, #tpu.memory_space<hbm>>) dst(%dma_wait3A_2266 : memref<40x64xf32, #tpu.memory_space<vmem>>)
      %mul3A_2274 = arith.constant 4 : i32
      %mul3A_2275 = arith.muli %add3A_1596, %mul3A_2274 : i32
      %add3A_2276 = arith.constant 3 : i32
      %add3A_2277 = arith.addi %mul3A_2275, %add3A_2276 : i32
      %jit3A_2278 = arith.constant 5 : i32
      %div3A_2279 = arith.divsi %add3A_2277, %jit3A_2278 : i32
      %sign3A_2280 = arith.constant 0 : i32
      %sign3A_2281 = arith.cmpi sgt, %add3A_2277, %sign3A_2280 : i32
      %sign3A_2282 = arith.extui %sign3A_2281 : i1 to i32
      %sign3A_2283 = arith.constant 0 : i32
      %sign3A_2284 = arith.cmpi slt, %add3A_2277, %sign3A_2283 : i32
      %sign3A_2285 = arith.extui %sign3A_2284 : i1 to i32
      %sign3A_2286 = arith.subi %sign3A_2282, %sign3A_2285 : i32
      %sign3A_2287 = arith.constant 0 : i32
      %sign3A_2288 = arith.cmpi sgt, %jit3A_2278, %sign3A_2287 : i32
      %sign3A_2289 = arith.extui %sign3A_2288 : i1 to i32
      %sign3A_2290 = arith.constant 0 : i32
      %sign3A_2291 = arith.cmpi slt, %jit3A_2278, %sign3A_2290 : i32
      %sign3A_2292 = arith.extui %sign3A_2291 : i1 to i32
      %sign3A_2293 = arith.subi %sign3A_2289, %sign3A_2292 : i32
      %ne3A_2294 = arith.cmpi ne, %sign3A_2286, %sign3A_2293 : i32
      %rem3A_2295 = arith.remsi %add3A_2277, %jit3A_2278 : i32
      %ne3A_2296 = arith.constant 0 : i32
      %ne3A_2297 = arith.cmpi ne, %rem3A_2295, %ne3A_2296 : i32
      %and3A_2298 = arith.andi %ne3A_2294, %ne3A_2297 : i1
      %sub3A_2299 = arith.constant 1 : i32
      %sub3A_2300 = arith.subi %div3A_2279, %sub3A_2299 : i32
      %select_n3A_2301 = arith.select %and3A_2298, %sub3A_2300, %div3A_2279 : i32
      %jit3A_2302 = arith.constant 5 : i32
      %eq3A_2303 = arith.constant 0 : i32
      %eq3A_2304 = arith.cmpi eq, %jit3A_2302, %eq3A_2303 : i32
      %jit3A_2305 = arith.constant 1 : i32
      %select_n3A_2306 = arith.select %eq3A_2304, %jit3A_2305, %jit3A_2302 : i32
      %rem3A_2307 = arith.remsi %add3A_2277, %select_n3A_2306 : i32
      %ne3A_2308 = arith.constant 0 : i32
      %ne3A_2309 = arith.cmpi ne, %rem3A_2307, %ne3A_2308 : i32
      %lt3A_2310 = arith.constant 0 : i32
      %lt3A_2311 = arith.cmpi slt, %rem3A_2307, %lt3A_2310 : i32
      %lt3A_2312 = arith.constant 0 : i32
      %lt3A_2313 = arith.cmpi slt, %select_n3A_2306, %lt3A_2312 : i32
      %ne3A_2314 = arith.xori %lt3A_2311, %lt3A_2313 : i1
      %and3A_2315 = arith.andi %ne3A_2314, %ne3A_2309 : i1
      %add3A_2316 = arith.addi %rem3A_2307, %select_n3A_2306 : i32
      %select_n3A_2317 = arith.select %and3A_2315, %add3A_2316, %rem3A_2307 : i32
      %mul3A_2318 = arith.constant 40 : i32
      %mul3A_2319 = arith.muli %select_n3A_2317, %mul3A_2318 : i32
      %dma_wait3A_2320 = arith.constant 3 : i32
      %dma_wait3A_2321 = arith.constant 3 : i32
      %dma_wait3A_2322 = arith.constant 0 : i32
      %dma_wait3A_2323 = arith.constant 0 : i32
      %dma_wait3A_2324 = tpu.memref_slice %arg6[%dma_wait3A_2320, %dma_wait3A_2322, %dma_wait3A_2323] : memref<8x40x64xf32, #tpu.memory_space<vmem>> -> memref<1x40x64xf32, #tpu.memory_space<vmem>>
      %dma_wait3A_2325 = tpu.memref_squeeze %dma_wait3A_2324 : memref<1x40x64xf32, #tpu.memory_space<vmem>> -> memref<40x64xf32, #tpu.memory_space<vmem>>
      %dma_wait3A_2326 = tpu.memref_slice %arg5[%select_n3A_2301, %mul3A_2319] : memref<128x200xi32, #tpu.memory_space<vmem>> -> memref<1x40xi32, #tpu.memory_space<vmem>>
      %dma_wait3A_2327 = tpu.memref_squeeze %dma_wait3A_2326 : memref<1x40xi32, #tpu.memory_space<vmem>> -> memref<40xi32, #tpu.memory_space<vmem>>
      %dma_wait3A_2328 = arith.constant 0 : i32
      %dma_wait3A_2329 = arith.constant 0 : i32
      %dma_wait3A_2330 = tpu.memref_slice %arg3[%dma_wait3A_2328, %dma_wait3A_2329] : memref<1000000x64xf32, #tpu.memory_space<hbm>> -> memref<1000000x64xf32, #tpu.memory_space<hbm>>
      %dma_wait3A_2331 = tpu.memref_slice %arg7[%dma_wait3A_2321] : memref<8x!tpu.dma_semaphore, #tpu.memory_space<semaphore_mem>> -> memref<1x!tpu.dma_semaphore, #tpu.memory_space<semaphore_mem>>
      %dma_wait3A_2332 = tpu.memref_squeeze %dma_wait3A_2331 : memref<1x!tpu.dma_semaphore, #tpu.memory_space<semaphore_mem>> -> memref<!tpu.dma_semaphore, #tpu.memory_space<semaphore_mem>>
      tpu.wait_indirect_dma semaphore(%dma_wait3A_2332 : memref<!tpu.dma_semaphore, #tpu.memory_space<semaphore_mem>>) src(%dma_wait3A_2330 : memref<1000000x64xf32, #tpu.memory_space<hbm>>) dst(%dma_wait3A_2325 : memref<40x64xf32, #tpu.memory_space<vmem>>)
      %mul3A_2333 = arith.constant 4 : i32
      %mul3A_2334 = arith.muli %add3A_1596, %mul3A_2333 : i32
      %add3A_2335 = arith.constant 0 : i32
      %add3A_2336 = arith.addi %mul3A_2334, %add3A_2335 : i32
      %jit3A_2337 = arith.constant 5 : i32
      %div3A_2338 = arith.divsi %add3A_2336, %jit3A_2337 : i32
      %sign3A_2339 = arith.constant 0 : i32
      %sign3A_2340 = arith.cmpi sgt, %add3A_2336, %sign3A_2339 : i32
      %sign3A_2341 = arith.extui %sign3A_2340 : i1 to i32
      %sign3A_2342 = arith.constant 0 : i32
      %sign3A_2343 = arith.cmpi slt, %add3A_2336, %sign3A_2342 : i32
      %sign3A_2344 = arith.extui %sign3A_2343 : i1 to i32
      %sign3A_2345 = arith.subi %sign3A_2341, %sign3A_2344 : i32
      %sign3A_2346 = arith.constant 0 : i32
      %sign3A_2347 = arith.cmpi sgt, %jit3A_2337, %sign3A_2346 : i32
      %sign3A_2348 = arith.extui %sign3A_2347 : i1 to i32
      %sign3A_2349 = arith.constant 0 : i32
      %sign3A_2350 = arith.cmpi slt, %jit3A_2337, %sign3A_2349 : i32
      %sign3A_2351 = arith.extui %sign3A_2350 : i1 to i32
      %sign3A_2352 = arith.subi %sign3A_2348, %sign3A_2351 : i32
      %ne3A_2353 = arith.cmpi ne, %sign3A_2345, %sign3A_2352 : i32
      %rem3A_2354 = arith.remsi %add3A_2336, %jit3A_2337 : i32
      %ne3A_2355 = arith.constant 0 : i32
      %ne3A_2356 = arith.cmpi ne, %rem3A_2354, %ne3A_2355 : i32
      %and3A_2357 = arith.andi %ne3A_2353, %ne3A_2356 : i1
      %sub3A_2358 = arith.constant 1 : i32
      %sub3A_2359 = arith.subi %div3A_2338, %sub3A_2358 : i32
      %select_n3A_2360 = arith.select %and3A_2357, %sub3A_2359, %div3A_2338 : i32
      %jit3A_2361 = arith.constant 5 : i32
      %eq3A_2362 = arith.constant 0 : i32
      %eq3A_2363 = arith.cmpi eq, %jit3A_2361, %eq3A_2362 : i32
      %jit3A_2364 = arith.constant 1 : i32
      %select_n3A_2365 = arith.select %eq3A_2363, %jit3A_2364, %jit3A_2361 : i32
      %rem3A_2366 = arith.remsi %add3A_2336, %select_n3A_2365 : i32
      %ne3A_2367 = arith.constant 0 : i32
      %ne3A_2368 = arith.cmpi ne, %rem3A_2366, %ne3A_2367 : i32
      %lt3A_2369 = arith.constant 0 : i32
      %lt3A_2370 = arith.cmpi slt, %rem3A_2366, %lt3A_2369 : i32
      %lt3A_2371 = arith.constant 0 : i32
      %lt3A_2372 = arith.cmpi slt, %select_n3A_2365, %lt3A_2371 : i32
      %ne3A_2373 = arith.xori %lt3A_2370, %lt3A_2372 : i1
      %and3A_2374 = arith.andi %ne3A_2373, %ne3A_2368 : i1
      %add3A_2375 = arith.addi %rem3A_2366, %select_n3A_2365 : i32
      %select_n3A_2376 = arith.select %and3A_2374, %add3A_2375, %rem3A_2366 : i32
      %mul3A_2377 = arith.constant 40 : i32
      %mul3A_2378 = arith.muli %select_n3A_2376, %mul3A_2377 : i32
      %add3A_2379 = arith.addi %mul3A_2, %select_n3A_2360 : i32
      %dma_start3A_2380 = arith.constant 0 : i32
      %dma_start3A_2381 = arith.constant 0 : i32
      %dma_start3A_2382 = arith.constant 0 : i32
      %dma_start3A_2383 = arith.constant 0 : i32
      %dma_start3A_2384 = tpu.memref_slice %arg6[%dma_start3A_2380, %dma_start3A_2382, %dma_start3A_2383] : memref<8x40x64xf32, #tpu.memory_space<vmem>> -> memref<1x40x64xf32, #tpu.memory_space<vmem>>
      %dma_start3A_2385 = tpu.memref_squeeze %dma_start3A_2384 : memref<1x40x64xf32, #tpu.memory_space<vmem>> -> memref<40x64xf32, #tpu.memory_space<vmem>>
      %dma_start3A_2386 = arith.constant 0 : i32
      %dma_start3A_2387 = tpu.memref_slice %arg4[%add3A_2379, %mul3A_2378, %dma_start3A_2386] : memref<4096x200x128xf32, #tpu.memory_space<hbm>> -> memref<1x40x64xf32, #tpu.memory_space<hbm>>
      %dma_start3A_2388 = tpu.memref_squeeze %dma_start3A_2387 : memref<1x40x64xf32, #tpu.memory_space<hbm>> -> memref<40x64xf32, #tpu.memory_space<hbm>>
      %dma_start3A_2389 = tpu.memref_slice %arg8[%dma_start3A_2381] : memref<8x!tpu.dma_semaphore, #tpu.memory_space<semaphore_mem>> -> memref<1x!tpu.dma_semaphore, #tpu.memory_space<semaphore_mem>>
      %dma_start3A_2390 = tpu.memref_squeeze %dma_start3A_2389 : memref<1x!tpu.dma_semaphore, #tpu.memory_space<semaphore_mem>> -> memref<!tpu.dma_semaphore, #tpu.memory_space<semaphore_mem>>
      %dma_start3A_2391 = arith.constant 0 : i32
      %dma_start3A_2392 = tpu.memref_slice %arg4[%add3A_2379, %mul3A_2378, %dma_start3A_2391] : memref<4096x200x128xf32, #tpu.memory_space<hbm>> -> memref<1x40x64xf32, #tpu.memory_space<hbm>>
      %dma_start3A_2393 = tpu.memref_squeeze %dma_start3A_2392 : memref<1x40x64xf32, #tpu.memory_space<hbm>> -> memref<40x64xf32, #tpu.memory_space<hbm>>
      %dma_start3A_2394 = arith.constant 0 : i32
      %dma_start3A_2395 = arith.constant 0 : i32
      %dma_start3A_2396 = tpu.memref_slice %arg6[%dma_start3A_2380, %dma_start3A_2394, %dma_start3A_2395] : memref<8x40x64xf32, #tpu.memory_space<vmem>> -> memref<1x40x64xf32, #tpu.memory_space<vmem>>
      %dma_start3A_2397 = tpu.memref_squeeze %dma_start3A_2396 : memref<1x40x64xf32, #tpu.memory_space<vmem>> -> memref<40x64xf32, #tpu.memory_space<vmem>>
      tpu.enqueue_dma source(%dma_start3A_2397 : memref<40x64xf32, #tpu.memory_space<vmem>>) target(%dma_start3A_2393 : memref<40x64xf32, #tpu.memory_space<hbm>>) target_semaphore(%dma_start3A_2390 : memref<!tpu.dma_semaphore, #tpu.memory_space<semaphore_mem>>)
      %mul3A_2398 = arith.constant 4 : i32
      %mul3A_2399 = arith.muli %add3A_1596, %mul3A_2398 : i32
      %add3A_2400 = arith.constant 1 : i32
      %add3A_2401 = arith.addi %mul3A_2399, %add3A_2400 : i32
      %jit3A_2402 = arith.constant 5 : i32
      %div3A_2403 = arith.divsi %add3A_2401, %jit3A_2402 : i32
      %sign3A_2404 = arith.constant 0 : i32
      %sign3A_2405 = arith.cmpi sgt, %add3A_2401, %sign3A_2404 : i32
      %sign3A_2406 = arith.extui %sign3A_2405 : i1 to i32
      %sign3A_2407 = arith.constant 0 : i32
      %sign3A_2408 = arith.cmpi slt, %add3A_2401, %sign3A_2407 : i32
      %sign3A_2409 = arith.extui %sign3A_2408 : i1 to i32
      %sign3A_2410 = arith.subi %sign3A_2406, %sign3A_2409 : i32
      %sign3A_2411 = arith.constant 0 : i32
      %sign3A_2412 = arith.cmpi sgt, %jit3A_2402, %sign3A_2411 : i32
      %sign3A_2413 = arith.extui %sign3A_2412 : i1 to i32
      %sign3A_2414 = arith.constant 0 : i32
      %sign3A_2415 = arith.cmpi slt, %jit3A_2402, %sign3A_2414 : i32
      %sign3A_2416 = arith.extui %sign3A_2415 : i1 to i32
      %sign3A_2417 = arith.subi %sign3A_2413, %sign3A_2416 : i32
      %ne3A_2418 = arith.cmpi ne, %sign3A_2410, %sign3A_2417 : i32
      %rem3A_2419 = arith.remsi %add3A_2401, %jit3A_2402 : i32
      %ne3A_2420 = arith.constant 0 : i32
      %ne3A_2421 = arith.cmpi ne, %rem3A_2419, %ne3A_2420 : i32
      %and3A_2422 = arith.andi %ne3A_2418, %ne3A_2421 : i1
      %sub3A_2423 = arith.constant 1 : i32
      %sub3A_2424 = arith.subi %div3A_2403, %sub3A_2423 : i32
      %select_n3A_2425 = arith.select %and3A_2422, %sub3A_2424, %div3A_2403 : i32
      %jit3A_2426 = arith.constant 5 : i32
      %eq3A_2427 = arith.constant 0 : i32
      %eq3A_2428 = arith.cmpi eq, %jit3A_2426, %eq3A_2427 : i32
      %jit3A_2429 = arith.constant 1 : i32
      %select_n3A_2430 = arith.select %eq3A_2428, %jit3A_2429, %jit3A_2426 : i32
      %rem3A_2431 = arith.remsi %add3A_2401, %select_n3A_2430 : i32
      %ne3A_2432 = arith.constant 0 : i32
      %ne3A_2433 = arith.cmpi ne, %rem3A_2431, %ne3A_2432 : i32
      %lt3A_2434 = arith.constant 0 : i32
      %lt3A_2435 = arith.cmpi slt, %rem3A_2431, %lt3A_2434 : i32
      %lt3A_2436 = arith.constant 0 : i32
      %lt3A_2437 = arith.cmpi slt, %select_n3A_2430, %lt3A_2436 : i32
      %ne3A_2438 = arith.xori %lt3A_2435, %lt3A_2437 : i1
      %and3A_2439 = arith.andi %ne3A_2438, %ne3A_2433 : i1
      %add3A_2440 = arith.addi %rem3A_2431, %select_n3A_2430 : i32
      %select_n3A_2441 = arith.select %and3A_2439, %add3A_2440, %rem3A_2431 : i32
      %mul3A_2442 = arith.constant 40 : i32
      %mul3A_2443 = arith.muli %select_n3A_2441, %mul3A_2442 : i32
      %add3A_2444 = arith.addi %mul3A_2, %select_n3A_2425 : i32
      %dma_start3A_2445 = arith.constant 1 : i32
      %dma_start3A_2446 = arith.constant 1 : i32
      %dma_start3A_2447 = arith.constant 0 : i32
      %dma_start3A_2448 = arith.constant 0 : i32
      %dma_start3A_2449 = tpu.memref_slice %arg6[%dma_start3A_2445, %dma_start3A_2447, %dma_start3A_2448] : memref<8x40x64xf32, #tpu.memory_space<vmem>> -> memref<1x40x64xf32, #tpu.memory_space<vmem>>
      %dma_start3A_2450 = tpu.memref_squeeze %dma_start3A_2449 : memref<1x40x64xf32, #tpu.memory_space<vmem>> -> memref<40x64xf32, #tpu.memory_space<vmem>>
      %dma_start3A_2451 = arith.constant 0 : i32
      %dma_start3A_2452 = tpu.memref_slice %arg4[%add3A_2444, %mul3A_2443, %dma_start3A_2451] : memref<4096x200x128xf32, #tpu.memory_space<hbm>> -> memref<1x40x64xf32, #tpu.memory_space<hbm>>
      %dma_start3A_2453 = tpu.memref_squeeze %dma_start3A_2452 : memref<1x40x64xf32, #tpu.memory_space<hbm>> -> memref<40x64xf32, #tpu.memory_space<hbm>>
      %dma_start3A_2454 = tpu.memref_slice %arg8[%dma_start3A_2446] : memref<8x!tpu.dma_semaphore, #tpu.memory_space<semaphore_mem>> -> memref<1x!tpu.dma_semaphore, #tpu.memory_space<semaphore_mem>>
      %dma_start3A_2455 = tpu.memref_squeeze %dma_start3A_2454 : memref<1x!tpu.dma_semaphore, #tpu.memory_space<semaphore_mem>> -> memref<!tpu.dma_semaphore, #tpu.memory_space<semaphore_mem>>
      %dma_start3A_2456 = arith.constant 0 : i32
      %dma_start3A_2457 = tpu.memref_slice %arg4[%add3A_2444, %mul3A_2443, %dma_start3A_2456] : memref<4096x200x128xf32, #tpu.memory_space<hbm>> -> memref<1x40x64xf32, #tpu.memory_space<hbm>>
      %dma_start3A_2458 = tpu.memref_squeeze %dma_start3A_2457 : memref<1x40x64xf32, #tpu.memory_space<hbm>> -> memref<40x64xf32, #tpu.memory_space<hbm>>
      %dma_start3A_2459 = arith.constant 0 : i32
      %dma_start3A_2460 = arith.constant 0 : i32
      %dma_start3A_2461 = tpu.memref_slice %arg6[%dma_start3A_2445, %dma_start3A_2459, %dma_start3A_2460] : memref<8x40x64xf32, #tpu.memory_space<vmem>> -> memref<1x40x64xf32, #tpu.memory_space<vmem>>
      %dma_start3A_2462 = tpu.memref_squeeze %dma_start3A_2461 : memref<1x40x64xf32, #tpu.memory_space<vmem>> -> memref<40x64xf32, #tpu.memory_space<vmem>>
      tpu.enqueue_dma source(%dma_start3A_2462 : memref<40x64xf32, #tpu.memory_space<vmem>>) target(%dma_start3A_2458 : memref<40x64xf32, #tpu.memory_space<hbm>>) target_semaphore(%dma_start3A_2455 : memref<!tpu.dma_semaphore, #tpu.memory_space<semaphore_mem>>)
      %mul3A_2463 = arith.constant 4 : i32
      %mul3A_2464 = arith.muli %add3A_1596, %mul3A_2463 : i32
      %add3A_2465 = arith.constant 2 : i32
      %add3A_2466 = arith.addi %mul3A_2464, %add3A_2465 : i32
      %jit3A_2467 = arith.constant 5 : i32
      %div3A_2468 = arith.divsi %add3A_2466, %jit3A_2467 : i32
      %sign3A_2469 = arith.constant 0 : i32
      %sign3A_2470 = arith.cmpi sgt, %add3A_2466, %sign3A_2469 : i32
      %sign3A_2471 = arith.extui %sign3A_2470 : i1 to i32
      %sign3A_2472 = arith.constant 0 : i32
      %sign3A_2473 = arith.cmpi slt, %add3A_2466, %sign3A_2472 : i32
      %sign3A_2474 = arith.extui %sign3A_2473 : i1 to i32
      %sign3A_2475 = arith.subi %sign3A_2471, %sign3A_2474 : i32
      %sign3A_2476 = arith.constant 0 : i32
      %sign3A_2477 = arith.cmpi sgt, %jit3A_2467, %sign3A_2476 : i32
      %sign3A_2478 = arith.extui %sign3A_2477 : i1 to i32
      %sign3A_2479 = arith.constant 0 : i32
      %sign3A_2480 = arith.cmpi slt, %jit3A_2467, %sign3A_2479 : i32
      %sign3A_2481 = arith.extui %sign3A_2480 : i1 to i32
      %sign3A_2482 = arith.subi %sign3A_2478, %sign3A_2481 : i32
      %ne3A_2483 = arith.cmpi ne, %sign3A_2475, %sign3A_2482 : i32
      %rem3A_2484 = arith.remsi %add3A_2466, %jit3A_2467 : i32
      %ne3A_2485 = arith.constant 0 : i32
      %ne3A_2486 = arith.cmpi ne, %rem3A_2484, %ne3A_2485 : i32
      %and3A_2487 = arith.andi %ne3A_2483, %ne3A_2486 : i1
      %sub3A_2488 = arith.constant 1 : i32
      %sub3A_2489 = arith.subi %div3A_2468, %sub3A_2488 : i32
      %select_n3A_2490 = arith.select %and3A_2487, %sub3A_2489, %div3A_2468 : i32
      %jit3A_2491 = arith.constant 5 : i32
      %eq3A_2492 = arith.constant 0 : i32
      %eq3A_2493 = arith.cmpi eq, %jit3A_2491, %eq3A_2492 : i32
      %jit3A_2494 = arith.constant 1 : i32
      %select_n3A_2495 = arith.select %eq3A_2493, %jit3A_2494, %jit3A_2491 : i32
      %rem3A_2496 = arith.remsi %add3A_2466, %select_n3A_2495 : i32
      %ne3A_2497 = arith.constant 0 : i32
      %ne3A_2498 = arith.cmpi ne, %rem3A_2496, %ne3A_2497 : i32
      %lt3A_2499 = arith.constant 0 : i32
      %lt3A_2500 = arith.cmpi slt, %rem3A_2496, %lt3A_2499 : i32
      %lt3A_2501 = arith.constant 0 : i32
      %lt3A_2502 = arith.cmpi slt, %select_n3A_2495, %lt3A_2501 : i32
      %ne3A_2503 = arith.xori %lt3A_2500, %lt3A_2502 : i1
      %and3A_2504 = arith.andi %ne3A_2503, %ne3A_2498 : i1
      %add3A_2505 = arith.addi %rem3A_2496, %select_n3A_2495 : i32
      %select_n3A_2506 = arith.select %and3A_2504, %add3A_2505, %rem3A_2496 : i32
      %mul3A_2507 = arith.constant 40 : i32
      %mul3A_2508 = arith.muli %select_n3A_2506, %mul3A_2507 : i32
      %add3A_2509 = arith.addi %mul3A_2, %select_n3A_2490 : i32
      %dma_start3A_2510 = arith.constant 2 : i32
      %dma_start3A_2511 = arith.constant 2 : i32
      %dma_start3A_2512 = arith.constant 0 : i32
      %dma_start3A_2513 = arith.constant 0 : i32
      %dma_start3A_2514 = tpu.memref_slice %arg6[%dma_start3A_2510, %dma_start3A_2512, %dma_start3A_2513] : memref<8x40x64xf32, #tpu.memory_space<vmem>> -> memref<1x40x64xf32, #tpu.memory_space<vmem>>
      %dma_start3A_2515 = tpu.memref_squeeze %dma_start3A_2514 : memref<1x40x64xf32, #tpu.memory_space<vmem>> -> memref<40x64xf32, #tpu.memory_space<vmem>>
      %dma_start3A_2516 = arith.constant 0 : i32
      %dma_start3A_2517 = tpu.memref_slice %arg4[%add3A_2509, %mul3A_2508, %dma_start3A_2516] : memref<4096x200x128xf32, #tpu.memory_space<hbm>> -> memref<1x40x64xf32, #tpu.memory_space<hbm>>
      %dma_start3A_2518 = tpu.memref_squeeze %dma_start3A_2517 : memref<1x40x64xf32, #tpu.memory_space<hbm>> -> memref<40x64xf32, #tpu.memory_space<hbm>>
      %dma_start3A_2519 = tpu.memref_slice %arg8[%dma_start3A_2511] : memref<8x!tpu.dma_semaphore, #tpu.memory_space<semaphore_mem>> -> memref<1x!tpu.dma_semaphore, #tpu.memory_space<semaphore_mem>>
      %dma_start3A_2520 = tpu.memref_squeeze %dma_start3A_2519 : memref<1x!tpu.dma_semaphore, #tpu.memory_space<semaphore_mem>> -> memref<!tpu.dma_semaphore, #tpu.memory_space<semaphore_mem>>
      %dma_start3A_2521 = arith.constant 0 : i32
      %dma_start3A_2522 = tpu.memref_slice %arg4[%add3A_2509, %mul3A_2508, %dma_start3A_2521] : memref<4096x200x128xf32, #tpu.memory_space<hbm>> -> memref<1x40x64xf32, #tpu.memory_space<hbm>>
      %dma_start3A_2523 = tpu.memref_squeeze %dma_start3A_2522 : memref<1x40x64xf32, #tpu.memory_space<hbm>> -> memref<40x64xf32, #tpu.memory_space<hbm>>
      %dma_start3A_2524 = arith.constant 0 : i32
      %dma_start3A_2525 = arith.constant 0 : i32
      %dma_start3A_2526 = tpu.memref_slice %arg6[%dma_start3A_2510, %dma_start3A_2524, %dma_start3A_2525] : memref<8x40x64xf32, #tpu.memory_space<vmem>> -> memref<1x40x64xf32, #tpu.memory_space<vmem>>
      %dma_start3A_2527 = tpu.memref_squeeze %dma_start3A_2526 : memref<1x40x64xf32, #tpu.memory_space<vmem>> -> memref<40x64xf32, #tpu.memory_space<vmem>>
      tpu.enqueue_dma source(%dma_start3A_2527 : memref<40x64xf32, #tpu.memory_space<vmem>>) target(%dma_start3A_2523 : memref<40x64xf32, #tpu.memory_space<hbm>>) target_semaphore(%dma_start3A_2520 : memref<!tpu.dma_semaphore, #tpu.memory_space<semaphore_mem>>)
      %mul3A_2528 = arith.constant 4 : i32
      %mul3A_2529 = arith.muli %add3A_1596, %mul3A_2528 : i32
      %add3A_2530 = arith.constant 3 : i32
      %add3A_2531 = arith.addi %mul3A_2529, %add3A_2530 : i32
      %jit3A_2532 = arith.constant 5 : i32
      %div3A_2533 = arith.divsi %add3A_2531, %jit3A_2532 : i32
      %sign3A_2534 = arith.constant 0 : i32
      %sign3A_2535 = arith.cmpi sgt, %add3A_2531, %sign3A_2534 : i32
      %sign3A_2536 = arith.extui %sign3A_2535 : i1 to i32
      %sign3A_2537 = arith.constant 0 : i32
      %sign3A_2538 = arith.cmpi slt, %add3A_2531, %sign3A_2537 : i32
      %sign3A_2539 = arith.extui %sign3A_2538 : i1 to i32
      %sign3A_2540 = arith.subi %sign3A_2536, %sign3A_2539 : i32
      %sign3A_2541 = arith.constant 0 : i32
      %sign3A_2542 = arith.cmpi sgt, %jit3A_2532, %sign3A_2541 : i32
      %sign3A_2543 = arith.extui %sign3A_2542 : i1 to i32
      %sign3A_2544 = arith.constant 0 : i32
      %sign3A_2545 = arith.cmpi slt, %jit3A_2532, %sign3A_2544 : i32
      %sign3A_2546 = arith.extui %sign3A_2545 : i1 to i32
      %sign3A_2547 = arith.subi %sign3A_2543, %sign3A_2546 : i32
      %ne3A_2548 = arith.cmpi ne, %sign3A_2540, %sign3A_2547 : i32
      %rem3A_2549 = arith.remsi %add3A_2531, %jit3A_2532 : i32
      %ne3A_2550 = arith.constant 0 : i32
      %ne3A_2551 = arith.cmpi ne, %rem3A_2549, %ne3A_2550 : i32
      %and3A_2552 = arith.andi %ne3A_2548, %ne3A_2551 : i1
      %sub3A_2553 = arith.constant 1 : i32
      %sub3A_2554 = arith.subi %div3A_2533, %sub3A_2553 : i32
      %select_n3A_2555 = arith.select %and3A_2552, %sub3A_2554, %div3A_2533 : i32
      %jit3A_2556 = arith.constant 5 : i32
      %eq3A_2557 = arith.constant 0 : i32
      %eq3A_2558 = arith.cmpi eq, %jit3A_2556, %eq3A_2557 : i32
      %jit3A_2559 = arith.constant 1 : i32
      %select_n3A_2560 = arith.select %eq3A_2558, %jit3A_2559, %jit3A_2556 : i32
      %rem3A_2561 = arith.remsi %add3A_2531, %select_n3A_2560 : i32
      %ne3A_2562 = arith.constant 0 : i32
      %ne3A_2563 = arith.cmpi ne, %rem3A_2561, %ne3A_2562 : i32
      %lt3A_2564 = arith.constant 0 : i32
      %lt3A_2565 = arith.cmpi slt, %rem3A_2561, %lt3A_2564 : i32
      %lt3A_2566 = arith.constant 0 : i32
      %lt3A_2567 = arith.cmpi slt, %select_n3A_2560, %lt3A_2566 : i32
      %ne3A_2568 = arith.xori %lt3A_2565, %lt3A_2567 : i1
      %and3A_2569 = arith.andi %ne3A_2568, %ne3A_2563 : i1
      %add3A_2570 = arith.addi %rem3A_2561, %select_n3A_2560 : i32
      %select_n3A_2571 = arith.select %and3A_2569, %add3A_2570, %rem3A_2561 : i32
      %mul3A_2572 = arith.constant 40 : i32
      %mul3A_2573 = arith.muli %select_n3A_2571, %mul3A_2572 : i32
      %add3A_2574 = arith.addi %mul3A_2, %select_n3A_2555 : i32
      %dma_start3A_2575 = arith.constant 3 : i32
      %dma_start3A_2576 = arith.constant 3 : i32
      %dma_start3A_2577 = arith.constant 0 : i32
      %dma_start3A_2578 = arith.constant 0 : i32
      %dma_start3A_2579 = tpu.memref_slice %arg6[%dma_start3A_2575, %dma_start3A_2577, %dma_start3A_2578] : memref<8x40x64xf32, #tpu.memory_space<vmem>> -> memref<1x40x64xf32, #tpu.memory_space<vmem>>
      %dma_start3A_2580 = tpu.memref_squeeze %dma_start3A_2579 : memref<1x40x64xf32, #tpu.memory_space<vmem>> -> memref<40x64xf32, #tpu.memory_space<vmem>>
      %dma_start3A_2581 = arith.constant 0 : i32
      %dma_start3A_2582 = tpu.memref_slice %arg4[%add3A_2574, %mul3A_2573, %dma_start3A_2581] : memref<4096x200x128xf32, #tpu.memory_space<hbm>> -> memref<1x40x64xf32, #tpu.memory_space<hbm>>
      %dma_start3A_2583 = tpu.memref_squeeze %dma_start3A_2582 : memref<1x40x64xf32, #tpu.memory_space<hbm>> -> memref<40x64xf32, #tpu.memory_space<hbm>>
      %dma_start3A_2584 = tpu.memref_slice %arg8[%dma_start3A_2576] : memref<8x!tpu.dma_semaphore, #tpu.memory_space<semaphore_mem>> -> memref<1x!tpu.dma_semaphore, #tpu.memory_space<semaphore_mem>>
      %dma_start3A_2585 = tpu.memref_squeeze %dma_start3A_2584 : memref<1x!tpu.dma_semaphore, #tpu.memory_space<semaphore_mem>> -> memref<!tpu.dma_semaphore, #tpu.memory_space<semaphore_mem>>
      %dma_start3A_2586 = arith.constant 0 : i32
      %dma_start3A_2587 = tpu.memref_slice %arg4[%add3A_2574, %mul3A_2573, %dma_start3A_2586] : memref<4096x200x128xf32, #tpu.memory_space<hbm>> -> memref<1x40x64xf32, #tpu.memory_space<hbm>>
      %dma_start3A_2588 = tpu.memref_squeeze %dma_start3A_2587 : memref<1x40x64xf32, #tpu.memory_space<hbm>> -> memref<40x64xf32, #tpu.memory_space<hbm>>
      %dma_start3A_2589 = arith.constant 0 : i32
      %dma_start3A_2590 = arith.constant 0 : i32
      %dma_start3A_2591 = tpu.memref_slice %arg6[%dma_start3A_2575, %dma_start3A_2589, %dma_start3A_2590] : memref<8x40x64xf32, #tpu.memory_space<vmem>> -> memref<1x40x64xf32, #tpu.memory_space<vmem>>
      %dma_start3A_2592 = tpu.memref_squeeze %dma_start3A_2591 : memref<1x40x64xf32, #tpu.memory_space<vmem>> -> memref<40x64xf32, #tpu.memory_space<vmem>>
      tpu.enqueue_dma source(%dma_start3A_2592 : memref<40x64xf32, #tpu.memory_space<vmem>>) target(%dma_start3A_2588 : memref<40x64xf32, #tpu.memory_space<hbm>>) target_semaphore(%dma_start3A_2585 : memref<!tpu.dma_semaphore, #tpu.memory_space<semaphore_mem>>)
    }
    %scan3A_273 = arith.constant 79 : i32
    %dma_wait3A_274 = arith.constant 127 : i32
    %dma_wait3A_275 = arith.constant 4 : i32
    %dma_wait3A_276 = arith.constant 4 : i32
    %dma_wait3A_277 = arith.constant 0 : i32
    %dma_wait3A_278 = arith.constant 0 : i32
    %dma_wait3A_279 = tpu.memref_slice %arg6[%dma_wait3A_275, %dma_wait3A_277, %dma_wait3A_278] : memref<8x40x64xf32, #tpu.memory_space<vmem>> -> memref<1x40x64xf32, #tpu.memory_space<vmem>>
    %dma_wait3A_280 = tpu.memref_squeeze %dma_wait3A_279 : memref<1x40x64xf32, #tpu.memory_space<vmem>> -> memref<40x64xf32, #tpu.memory_space<vmem>>
    %dma_wait3A_281 = arith.constant 40 : i32
    %dma_wait3A_282 = tpu.memref_slice %arg5[%dma_wait3A_274, %dma_wait3A_281] : memref<128x200xi32, #tpu.memory_space<vmem>> -> memref<1x40xi32, #tpu.memory_space<vmem>>
    %dma_wait3A_283 = tpu.memref_squeeze %dma_wait3A_282 : memref<1x40xi32, #tpu.memory_space<vmem>> -> memref<40xi32, #tpu.memory_space<vmem>>
    %dma_wait3A_284 = arith.constant 0 : i32
    %dma_wait3A_285 = arith.constant 0 : i32
    %dma_wait3A_286 = tpu.memref_slice %arg3[%dma_wait3A_284, %dma_wait3A_285] : memref<1000000x64xf32, #tpu.memory_space<hbm>> -> memref<1000000x64xf32, #tpu.memory_space<hbm>>
    %dma_wait3A_287 = tpu.memref_slice %arg7[%dma_wait3A_276] : memref<8x!tpu.dma_semaphore, #tpu.memory_space<semaphore_mem>> -> memref<1x!tpu.dma_semaphore, #tpu.memory_space<semaphore_mem>>
    %dma_wait3A_288 = tpu.memref_squeeze %dma_wait3A_287 : memref<1x!tpu.dma_semaphore, #tpu.memory_space<semaphore_mem>> -> memref<!tpu.dma_semaphore, #tpu.memory_space<semaphore_mem>>
    tpu.wait_indirect_dma semaphore(%dma_wait3A_288 : memref<!tpu.dma_semaphore, #tpu.memory_space<semaphore_mem>>) src(%dma_wait3A_286 : memref<1000000x64xf32, #tpu.memory_space<hbm>>) dst(%dma_wait3A_280 : memref<40x64xf32, #tpu.memory_space<vmem>>)
    %dma_wait3A_289 = arith.constant 127 : i32
    %dma_wait3A_290 = arith.constant 5 : i32
    %dma_wait3A_291 = arith.constant 5 : i32
    %dma_wait3A_292 = arith.constant 0 : i32
    %dma_wait3A_293 = arith.constant 0 : i32
    %dma_wait3A_294 = tpu.memref_slice %arg6[%dma_wait3A_290, %dma_wait3A_292, %dma_wait3A_293] : memref<8x40x64xf32, #tpu.memory_space<vmem>> -> memref<1x40x64xf32, #tpu.memory_space<vmem>>
    %dma_wait3A_295 = tpu.memref_squeeze %dma_wait3A_294 : memref<1x40x64xf32, #tpu.memory_space<vmem>> -> memref<40x64xf32, #tpu.memory_space<vmem>>
    %dma_wait3A_296 = arith.constant 80 : i32
    %dma_wait3A_297 = tpu.memref_slice %arg5[%dma_wait3A_289, %dma_wait3A_296] : memref<128x200xi32, #tpu.memory_space<vmem>> -> memref<1x40xi32, #tpu.memory_space<vmem>>
    %dma_wait3A_298 = tpu.memref_squeeze %dma_wait3A_297 : memref<1x40xi32, #tpu.memory_space<vmem>> -> memref<40xi32, #tpu.memory_space<vmem>>
    %dma_wait3A_299 = arith.constant 0 : i32
    %dma_wait3A_300 = arith.constant 0 : i32
    %dma_wait3A_301 = tpu.memref_slice %arg3[%dma_wait3A_299, %dma_wait3A_300] : memref<1000000x64xf32, #tpu.memory_space<hbm>> -> memref<1000000x64xf32, #tpu.memory_space<hbm>>
    %dma_wait3A_302 = tpu.memref_slice %arg7[%dma_wait3A_291] : memref<8x!tpu.dma_semaphore, #tpu.memory_space<semaphore_mem>> -> memref<1x!tpu.dma_semaphore, #tpu.memory_space<semaphore_mem>>
    %dma_wait3A_303 = tpu.memref_squeeze %dma_wait3A_302 : memref<1x!tpu.dma_semaphore, #tpu.memory_space<semaphore_mem>> -> memref<!tpu.dma_semaphore, #tpu.memory_space<semaphore_mem>>
    tpu.wait_indirect_dma semaphore(%dma_wait3A_303 : memref<!tpu.dma_semaphore, #tpu.memory_space<semaphore_mem>>) src(%dma_wait3A_301 : memref<1000000x64xf32, #tpu.memory_space<hbm>>) dst(%dma_wait3A_295 : memref<40x64xf32, #tpu.memory_space<vmem>>)
    %dma_wait3A_304 = arith.constant 127 : i32
    %dma_wait3A_305 = arith.constant 6 : i32
    %dma_wait3A_306 = arith.constant 6 : i32
    %dma_wait3A_307 = arith.constant 0 : i32
    %dma_wait3A_308 = arith.constant 0 : i32
    %dma_wait3A_309 = tpu.memref_slice %arg6[%dma_wait3A_305, %dma_wait3A_307, %dma_wait3A_308] : memref<8x40x64xf32, #tpu.memory_space<vmem>> -> memref<1x40x64xf32, #tpu.memory_space<vmem>>
    %dma_wait3A_310 = tpu.memref_squeeze %dma_wait3A_309 : memref<1x40x64xf32, #tpu.memory_space<vmem>> -> memref<40x64xf32, #tpu.memory_space<vmem>>
    %dma_wait3A_311 = arith.constant 120 : i32
    %dma_wait3A_312 = tpu.memref_slice %arg5[%dma_wait3A_304, %dma_wait3A_311] : memref<128x200xi32, #tpu.memory_space<vmem>> -> memref<1x40xi32, #tpu.memory_space<vmem>>
    %dma_wait3A_313 = tpu.memref_squeeze %dma_wait3A_312 : memref<1x40xi32, #tpu.memory_space<vmem>> -> memref<40xi32, #tpu.memory_space<vmem>>
    %dma_wait3A_314 = arith.constant 0 : i32
    %dma_wait3A_315 = arith.constant 0 : i32
    %dma_wait3A_316 = tpu.memref_slice %arg3[%dma_wait3A_314, %dma_wait3A_315] : memref<1000000x64xf32, #tpu.memory_space<hbm>> -> memref<1000000x64xf32, #tpu.memory_space<hbm>>
    %dma_wait3A_317 = tpu.memref_slice %arg7[%dma_wait3A_306] : memref<8x!tpu.dma_semaphore, #tpu.memory_space<semaphore_mem>> -> memref<1x!tpu.dma_semaphore, #tpu.memory_space<semaphore_mem>>
    %dma_wait3A_318 = tpu.memref_squeeze %dma_wait3A_317 : memref<1x!tpu.dma_semaphore, #tpu.memory_space<semaphore_mem>> -> memref<!tpu.dma_semaphore, #tpu.memory_space<semaphore_mem>>
    tpu.wait_indirect_dma semaphore(%dma_wait3A_318 : memref<!tpu.dma_semaphore, #tpu.memory_space<semaphore_mem>>) src(%dma_wait3A_316 : memref<1000000x64xf32, #tpu.memory_space<hbm>>) dst(%dma_wait3A_310 : memref<40x64xf32, #tpu.memory_space<vmem>>)
    %dma_wait3A_319 = arith.constant 127 : i32
    %dma_wait3A_320 = arith.constant 7 : i32
    %dma_wait3A_321 = arith.constant 7 : i32
    %dma_wait3A_322 = arith.constant 0 : i32
    %dma_wait3A_323 = arith.constant 0 : i32
    %dma_wait3A_324 = tpu.memref_slice %arg6[%dma_wait3A_320, %dma_wait3A_322, %dma_wait3A_323] : memref<8x40x64xf32, #tpu.memory_space<vmem>> -> memref<1x40x64xf32, #tpu.memory_space<vmem>>
    %dma_wait3A_325 = tpu.memref_squeeze %dma_wait3A_324 : memref<1x40x64xf32, #tpu.memory_space<vmem>> -> memref<40x64xf32, #tpu.memory_space<vmem>>
    %dma_wait3A_326 = arith.constant 160 : i32
    %dma_wait3A_327 = tpu.memref_slice %arg5[%dma_wait3A_319, %dma_wait3A_326] : memref<128x200xi32, #tpu.memory_space<vmem>> -> memref<1x40xi32, #tpu.memory_space<vmem>>
    %dma_wait3A_328 = tpu.memref_squeeze %dma_wait3A_327 : memref<1x40xi32, #tpu.memory_space<vmem>> -> memref<40xi32, #tpu.memory_space<vmem>>
    %dma_wait3A_329 = arith.constant 0 : i32
    %dma_wait3A_330 = arith.constant 0 : i32
    %dma_wait3A_331 = tpu.memref_slice %arg3[%dma_wait3A_329, %dma_wait3A_330] : memref<1000000x64xf32, #tpu.memory_space<hbm>> -> memref<1000000x64xf32, #tpu.memory_space<hbm>>
    %dma_wait3A_332 = tpu.memref_slice %arg7[%dma_wait3A_321] : memref<8x!tpu.dma_semaphore, #tpu.memory_space<semaphore_mem>> -> memref<1x!tpu.dma_semaphore, #tpu.memory_space<semaphore_mem>>
    %dma_wait3A_333 = tpu.memref_squeeze %dma_wait3A_332 : memref<1x!tpu.dma_semaphore, #tpu.memory_space<semaphore_mem>> -> memref<!tpu.dma_semaphore, #tpu.memory_space<semaphore_mem>>
    tpu.wait_indirect_dma semaphore(%dma_wait3A_333 : memref<!tpu.dma_semaphore, #tpu.memory_space<semaphore_mem>>) src(%dma_wait3A_331 : memref<1000000x64xf32, #tpu.memory_space<hbm>>) dst(%dma_wait3A_325 : memref<40x64xf32, #tpu.memory_space<vmem>>)
    %add3A_334 = arith.constant 127 : i32
    %add3A_335 = arith.addi %mul3A_2, %add3A_334 : i32
    %dma_start3A_336 = arith.constant 4 : i32
    %dma_start3A_337 = arith.constant 4 : i32
    %dma_start3A_338 = arith.constant 0 : i32
    %dma_start3A_339 = arith.constant 0 : i32
    %dma_start3A_340 = tpu.memref_slice %arg6[%dma_start3A_336, %dma_start3A_338, %dma_start3A_339] : memref<8x40x64xf32, #tpu.memory_space<vmem>> -> memref<1x40x64xf32, #tpu.memory_space<vmem>>
    %dma_start3A_341 = tpu.memref_squeeze %dma_start3A_340 : memref<1x40x64xf32, #tpu.memory_space<vmem>> -> memref<40x64xf32, #tpu.memory_space<vmem>>
    %dma_start3A_342 = arith.constant 40 : i32
    %dma_start3A_343 = arith.constant 0 : i32
    %dma_start3A_344 = tpu.memref_slice %arg4[%add3A_335, %dma_start3A_342, %dma_start3A_343] : memref<4096x200x128xf32, #tpu.memory_space<hbm>> -> memref<1x40x64xf32, #tpu.memory_space<hbm>>
    %dma_start3A_345 = tpu.memref_squeeze %dma_start3A_344 : memref<1x40x64xf32, #tpu.memory_space<hbm>> -> memref<40x64xf32, #tpu.memory_space<hbm>>
    %dma_start3A_346 = tpu.memref_slice %arg8[%dma_start3A_337] : memref<8x!tpu.dma_semaphore, #tpu.memory_space<semaphore_mem>> -> memref<1x!tpu.dma_semaphore, #tpu.memory_space<semaphore_mem>>
    %dma_start3A_347 = tpu.memref_squeeze %dma_start3A_346 : memref<1x!tpu.dma_semaphore, #tpu.memory_space<semaphore_mem>> -> memref<!tpu.dma_semaphore, #tpu.memory_space<semaphore_mem>>
    %dma_start3A_348 = arith.constant 40 : i32
    %dma_start3A_349 = arith.constant 0 : i32
    %dma_start3A_350 = tpu.memref_slice %arg4[%add3A_335, %dma_start3A_348, %dma_start3A_349] : memref<4096x200x128xf32, #tpu.memory_space<hbm>> -> memref<1x40x64xf32, #tpu.memory_space<hbm>>
    %dma_start3A_351 = tpu.memref_squeeze %dma_start3A_350 : memref<1x40x64xf32, #tpu.memory_space<hbm>> -> memref<40x64xf32, #tpu.memory_space<hbm>>
    %dma_start3A_352 = arith.constant 0 : i32
    %dma_start3A_353 = arith.constant 0 : i32
    %dma_start3A_354 = tpu.memref_slice %arg6[%dma_start3A_336, %dma_start3A_352, %dma_start3A_353] : memref<8x40x64xf32, #tpu.memory_space<vmem>> -> memref<1x40x64xf32, #tpu.memory_space<vmem>>
    %dma_start3A_355 = tpu.memref_squeeze %dma_start3A_354 : memref<1x40x64xf32, #tpu.memory_space<vmem>> -> memref<40x64xf32, #tpu.memory_space<vmem>>
    tpu.enqueue_dma source(%dma_start3A_355 : memref<40x64xf32, #tpu.memory_space<vmem>>) target(%dma_start3A_351 : memref<40x64xf32, #tpu.memory_space<hbm>>) target_semaphore(%dma_start3A_347 : memref<!tpu.dma_semaphore, #tpu.memory_space<semaphore_mem>>)
    %add3A_356 = arith.constant 127 : i32
    %add3A_357 = arith.addi %mul3A_2, %add3A_356 : i32
    %dma_start3A_358 = arith.constant 5 : i32
    %dma_start3A_359 = arith.constant 5 : i32
    %dma_start3A_360 = arith.constant 0 : i32
    %dma_start3A_361 = arith.constant 0 : i32
    %dma_start3A_362 = tpu.memref_slice %arg6[%dma_start3A_358, %dma_start3A_360, %dma_start3A_361] : memref<8x40x64xf32, #tpu.memory_space<vmem>> -> memref<1x40x64xf32, #tpu.memory_space<vmem>>
    %dma_start3A_363 = tpu.memref_squeeze %dma_start3A_362 : memref<1x40x64xf32, #tpu.memory_space<vmem>> -> memref<40x64xf32, #tpu.memory_space<vmem>>
    %dma_start3A_364 = arith.constant 80 : i32
    %dma_start3A_365 = arith.constant 0 : i32
    %dma_start3A_366 = tpu.memref_slice %arg4[%add3A_357, %dma_start3A_364, %dma_start3A_365] : memref<4096x200x128xf32, #tpu.memory_space<hbm>> -> memref<1x40x64xf32, #tpu.memory_space<hbm>>
    %dma_start3A_367 = tpu.memref_squeeze %dma_start3A_366 : memref<1x40x64xf32, #tpu.memory_space<hbm>> -> memref<40x64xf32, #tpu.memory_space<hbm>>
    %dma_start3A_368 = tpu.memref_slice %arg8[%dma_start3A_359] : memref<8x!tpu.dma_semaphore, #tpu.memory_space<semaphore_mem>> -> memref<1x!tpu.dma_semaphore, #tpu.memory_space<semaphore_mem>>
    %dma_start3A_369 = tpu.memref_squeeze %dma_start3A_368 : memref<1x!tpu.dma_semaphore, #tpu.memory_space<semaphore_mem>> -> memref<!tpu.dma_semaphore, #tpu.memory_space<semaphore_mem>>
    %dma_start3A_370 = arith.constant 80 : i32
    %dma_start3A_371 = arith.constant 0 : i32
    %dma_start3A_372 = tpu.memref_slice %arg4[%add3A_357, %dma_start3A_370, %dma_start3A_371] : memref<4096x200x128xf32, #tpu.memory_space<hbm>> -> memref<1x40x64xf32, #tpu.memory_space<hbm>>
    %dma_start3A_373 = tpu.memref_squeeze %dma_start3A_372 : memref<1x40x64xf32, #tpu.memory_space<hbm>> -> memref<40x64xf32, #tpu.memory_space<hbm>>
    %dma_start3A_374 = arith.constant 0 : i32
    %dma_start3A_375 = arith.constant 0 : i32
    %dma_start3A_376 = tpu.memref_slice %arg6[%dma_start3A_358, %dma_start3A_374, %dma_start3A_375] : memref<8x40x64xf32, #tpu.memory_space<vmem>> -> memref<1x40x64xf32, #tpu.memory_space<vmem>>
    %dma_start3A_377 = tpu.memref_squeeze %dma_start3A_376 : memref<1x40x64xf32, #tpu.memory_space<vmem>> -> memref<40x64xf32, #tpu.memory_space<vmem>>
    tpu.enqueue_dma source(%dma_start3A_377 : memref<40x64xf32, #tpu.memory_space<vmem>>) target(%dma_start3A_373 : memref<40x64xf32, #tpu.memory_space<hbm>>) target_semaphore(%dma_start3A_369 : memref<!tpu.dma_semaphore, #tpu.memory_space<semaphore_mem>>)
    %add3A_378 = arith.constant 127 : i32
    %add3A_379 = arith.addi %mul3A_2, %add3A_378 : i32
    %dma_start3A_380 = arith.constant 6 : i32
    %dma_start3A_381 = arith.constant 6 : i32
    %dma_start3A_382 = arith.constant 0 : i32
    %dma_start3A_383 = arith.constant 0 : i32
    %dma_start3A_384 = tpu.memref_slice %arg6[%dma_start3A_380, %dma_start3A_382, %dma_start3A_383] : memref<8x40x64xf32, #tpu.memory_space<vmem>> -> memref<1x40x64xf32, #tpu.memory_space<vmem>>
    %dma_start3A_385 = tpu.memref_squeeze %dma_start3A_384 : memref<1x40x64xf32, #tpu.memory_space<vmem>> -> memref<40x64xf32, #tpu.memory_space<vmem>>
    %dma_start3A_386 = arith.constant 120 : i32
    %dma_start3A_387 = arith.constant 0 : i32
    %dma_start3A_388 = tpu.memref_slice %arg4[%add3A_379, %dma_start3A_386, %dma_start3A_387] : memref<4096x200x128xf32, #tpu.memory_space<hbm>> -> memref<1x40x64xf32, #tpu.memory_space<hbm>>
    %dma_start3A_389 = tpu.memref_squeeze %dma_start3A_388 : memref<1x40x64xf32, #tpu.memory_space<hbm>> -> memref<40x64xf32, #tpu.memory_space<hbm>>
    %dma_start3A_390 = tpu.memref_slice %arg8[%dma_start3A_381] : memref<8x!tpu.dma_semaphore, #tpu.memory_space<semaphore_mem>> -> memref<1x!tpu.dma_semaphore, #tpu.memory_space<semaphore_mem>>
    %dma_start3A_391 = tpu.memref_squeeze %dma_start3A_390 : memref<1x!tpu.dma_semaphore, #tpu.memory_space<semaphore_mem>> -> memref<!tpu.dma_semaphore, #tpu.memory_space<semaphore_mem>>
    %dma_start3A_392 = arith.constant 120 : i32
    %dma_start3A_393 = arith.constant 0 : i32
    %dma_start3A_394 = tpu.memref_slice %arg4[%add3A_379, %dma_start3A_392, %dma_start3A_393] : memref<4096x200x128xf32, #tpu.memory_space<hbm>> -> memref<1x40x64xf32, #tpu.memory_space<hbm>>
    %dma_start3A_395 = tpu.memref_squeeze %dma_start3A_394 : memref<1x40x64xf32, #tpu.memory_space<hbm>> -> memref<40x64xf32, #tpu.memory_space<hbm>>
    %dma_start3A_396 = arith.constant 0 : i32
    %dma_start3A_397 = arith.constant 0 : i32
    %dma_start3A_398 = tpu.memref_slice %arg6[%dma_start3A_380, %dma_start3A_396, %dma_start3A_397] : memref<8x40x64xf32, #tpu.memory_space<vmem>> -> memref<1x40x64xf32, #tpu.memory_space<vmem>>
    %dma_start3A_399 = tpu.memref_squeeze %dma_start3A_398 : memref<1x40x64xf32, #tpu.memory_space<vmem>> -> memref<40x64xf32, #tpu.memory_space<vmem>>
    tpu.enqueue_dma source(%dma_start3A_399 : memref<40x64xf32, #tpu.memory_space<vmem>>) target(%dma_start3A_395 : memref<40x64xf32, #tpu.memory_space<hbm>>) target_semaphore(%dma_start3A_391 : memref<!tpu.dma_semaphore, #tpu.memory_space<semaphore_mem>>)
    %add3A_400 = arith.constant 127 : i32
    %add3A_401 = arith.addi %mul3A_2, %add3A_400 : i32
    %dma_start3A_402 = arith.constant 7 : i32
    %dma_start3A_403 = arith.constant 7 : i32
    %dma_start3A_404 = arith.constant 0 : i32
    %dma_start3A_405 = arith.constant 0 : i32
    %dma_start3A_406 = tpu.memref_slice %arg6[%dma_start3A_402, %dma_start3A_404, %dma_start3A_405] : memref<8x40x64xf32, #tpu.memory_space<vmem>> -> memref<1x40x64xf32, #tpu.memory_space<vmem>>
    %dma_start3A_407 = tpu.memref_squeeze %dma_start3A_406 : memref<1x40x64xf32, #tpu.memory_space<vmem>> -> memref<40x64xf32, #tpu.memory_space<vmem>>
    %dma_start3A_408 = arith.constant 160 : i32
    %dma_start3A_409 = arith.constant 0 : i32
    %dma_start3A_410 = tpu.memref_slice %arg4[%add3A_401, %dma_start3A_408, %dma_start3A_409] : memref<4096x200x128xf32, #tpu.memory_space<hbm>> -> memref<1x40x64xf32, #tpu.memory_space<hbm>>
    %dma_start3A_411 = tpu.memref_squeeze %dma_start3A_410 : memref<1x40x64xf32, #tpu.memory_space<hbm>> -> memref<40x64xf32, #tpu.memory_space<hbm>>
    %dma_start3A_412 = tpu.memref_slice %arg8[%dma_start3A_403] : memref<8x!tpu.dma_semaphore, #tpu.memory_space<semaphore_mem>> -> memref<1x!tpu.dma_semaphore, #tpu.memory_space<semaphore_mem>>
    %dma_start3A_413 = tpu.memref_squeeze %dma_start3A_412 : memref<1x!tpu.dma_semaphore, #tpu.memory_space<semaphore_mem>> -> memref<!tpu.dma_semaphore, #tpu.memory_space<semaphore_mem>>
    %dma_start3A_414 = arith.constant 160 : i32
    %dma_start3A_415 = arith.constant 0 : i32
    %dma_start3A_416 = tpu.memref_slice %arg4[%add3A_401, %dma_start3A_414, %dma_start3A_415] : memref<4096x200x128xf32, #tpu.memory_space<hbm>> -> memref<1x40x64xf32, #tpu.memory_space<hbm>>
    %dma_start3A_417 = tpu.memref_squeeze %dma_start3A_416 : memref<1x40x64xf32, #tpu.memory_space<hbm>> -> memref<40x64xf32, #tpu.memory_space<hbm>>
    %dma_start3A_418 = arith.constant 0 : i32
    %dma_start3A_419 = arith.constant 0 : i32
    %dma_start3A_420 = tpu.memref_slice %arg6[%dma_start3A_402, %dma_start3A_418, %dma_start3A_419] : memref<8x40x64xf32, #tpu.memory_space<vmem>> -> memref<1x40x64xf32, #tpu.memory_space<vmem>>
    %dma_start3A_421 = tpu.memref_squeeze %dma_start3A_420 : memref<1x40x64xf32, #tpu.memory_space<vmem>> -> memref<40x64xf32, #tpu.memory_space<vmem>>
    tpu.enqueue_dma source(%dma_start3A_421 : memref<40x64xf32, #tpu.memory_space<vmem>>) target(%dma_start3A_417 : memref<40x64xf32, #tpu.memory_space<hbm>>) target_semaphore(%dma_start3A_413 : memref<!tpu.dma_semaphore, #tpu.memory_space<semaphore_mem>>)
    %add3A_422 = arith.constant 126 : i32
    %add3A_423 = arith.addi %mul3A_2, %add3A_422 : i32
    %dma_wait3A_424 = arith.constant 0 : i32
    %dma_wait3A_425 = arith.constant 0 : i32
    %dma_wait3A_426 = arith.constant 0 : i32
    %dma_wait3A_427 = arith.constant 0 : i32
    %dma_wait3A_428 = tpu.memref_slice %arg6[%dma_wait3A_424, %dma_wait3A_426, %dma_wait3A_427] : memref<8x40x64xf32, #tpu.memory_space<vmem>> -> memref<1x40x64xf32, #tpu.memory_space<vmem>>
    %dma_wait3A_429 = tpu.memref_squeeze %dma_wait3A_428 : memref<1x40x64xf32, #tpu.memory_space<vmem>> -> memref<40x64xf32, #tpu.memory_space<vmem>>
    %dma_wait3A_430 = arith.constant 80 : i32
    %dma_wait3A_431 = arith.constant 0 : i32
    %dma_wait3A_432 = tpu.memref_slice %arg4[%add3A_423, %dma_wait3A_430, %dma_wait3A_431] : memref<4096x200x128xf32, #tpu.memory_space<hbm>> -> memref<1x40x64xf32, #tpu.memory_space<hbm>>
    %dma_wait3A_433 = tpu.memref_squeeze %dma_wait3A_432 : memref<1x40x64xf32, #tpu.memory_space<hbm>> -> memref<40x64xf32, #tpu.memory_space<hbm>>
    %dma_wait3A_434 = tpu.memref_slice %arg8[%dma_wait3A_425] : memref<8x!tpu.dma_semaphore, #tpu.memory_space<semaphore_mem>> -> memref<1x!tpu.dma_semaphore, #tpu.memory_space<semaphore_mem>>
    %dma_wait3A_435 = tpu.memref_squeeze %dma_wait3A_434 : memref<1x!tpu.dma_semaphore, #tpu.memory_space<semaphore_mem>> -> memref<!tpu.dma_semaphore, #tpu.memory_space<semaphore_mem>>
    %dma_wait3A_436 = arith.constant 80 : i32
    %dma_wait3A_437 = arith.constant 0 : i32
    %dma_wait3A_438 = tpu.memref_slice %arg4[%add3A_423, %dma_wait3A_436, %dma_wait3A_437] : memref<4096x200x128xf32, #tpu.memory_space<hbm>> -> memref<1x40x64xf32, #tpu.memory_space<hbm>>
    %dma_wait3A_439 = tpu.memref_squeeze %dma_wait3A_438 : memref<1x40x64xf32, #tpu.memory_space<hbm>> -> memref<40x64xf32, #tpu.memory_space<hbm>>
    %dma_wait3A_440 = arith.constant 0 : i32
    %dma_wait3A_441 = arith.constant 0 : i32
    %dma_wait3A_442 = tpu.memref_slice %arg6[%dma_wait3A_424, %dma_wait3A_440, %dma_wait3A_441] : memref<8x40x64xf32, #tpu.memory_space<vmem>> -> memref<1x40x64xf32, #tpu.memory_space<vmem>>
    %dma_wait3A_443 = tpu.memref_squeeze %dma_wait3A_442 : memref<1x40x64xf32, #tpu.memory_space<vmem>> -> memref<40x64xf32, #tpu.memory_space<vmem>>
    tpu.wait_dma2 semaphore(%dma_wait3A_435 : memref<!tpu.dma_semaphore, #tpu.memory_space<semaphore_mem>>) src(%dma_wait3A_443 : memref<40x64xf32, #tpu.memory_space<vmem>>) dst(%dma_wait3A_439 : memref<40x64xf32, #tpu.memory_space<hbm>>)
    %add3A_444 = arith.constant 126 : i32
    %add3A_445 = arith.addi %mul3A_2, %add3A_444 : i32
    %dma_wait3A_446 = arith.constant 1 : i32
    %dma_wait3A_447 = arith.constant 1 : i32
    %dma_wait3A_448 = arith.constant 0 : i32
    %dma_wait3A_449 = arith.constant 0 : i32
    %dma_wait3A_450 = tpu.memref_slice %arg6[%dma_wait3A_446, %dma_wait3A_448, %dma_wait3A_449] : memref<8x40x64xf32, #tpu.memory_space<vmem>> -> memref<1x40x64xf32, #tpu.memory_space<vmem>>
    %dma_wait3A_451 = tpu.memref_squeeze %dma_wait3A_450 : memref<1x40x64xf32, #tpu.memory_space<vmem>> -> memref<40x64xf32, #tpu.memory_space<vmem>>
    %dma_wait3A_452 = arith.constant 120 : i32
    %dma_wait3A_453 = arith.constant 0 : i32
    %dma_wait3A_454 = tpu.memref_slice %arg4[%add3A_445, %dma_wait3A_452, %dma_wait3A_453] : memref<4096x200x128xf32, #tpu.memory_space<hbm>> -> memref<1x40x64xf32, #tpu.memory_space<hbm>>
    %dma_wait3A_455 = tpu.memref_squeeze %dma_wait3A_454 : memref<1x40x64xf32, #tpu.memory_space<hbm>> -> memref<40x64xf32, #tpu.memory_space<hbm>>
    %dma_wait3A_456 = tpu.memref_slice %arg8[%dma_wait3A_447] : memref<8x!tpu.dma_semaphore, #tpu.memory_space<semaphore_mem>> -> memref<1x!tpu.dma_semaphore, #tpu.memory_space<semaphore_mem>>
    %dma_wait3A_457 = tpu.memref_squeeze %dma_wait3A_456 : memref<1x!tpu.dma_semaphore, #tpu.memory_space<semaphore_mem>> -> memref<!tpu.dma_semaphore, #tpu.memory_space<semaphore_mem>>
    %dma_wait3A_458 = arith.constant 120 : i32
    %dma_wait3A_459 = arith.constant 0 : i32
    %dma_wait3A_460 = tpu.memref_slice %arg4[%add3A_445, %dma_wait3A_458, %dma_wait3A_459] : memref<4096x200x128xf32, #tpu.memory_space<hbm>> -> memref<1x40x64xf32, #tpu.memory_space<hbm>>
    %dma_wait3A_461 = tpu.memref_squeeze %dma_wait3A_460 : memref<1x40x64xf32, #tpu.memory_space<hbm>> -> memref<40x64xf32, #tpu.memory_space<hbm>>
    %dma_wait3A_462 = arith.constant 0 : i32
    %dma_wait3A_463 = arith.constant 0 : i32
    %dma_wait3A_464 = tpu.memref_slice %arg6[%dma_wait3A_446, %dma_wait3A_462, %dma_wait3A_463] : memref<8x40x64xf32, #tpu.memory_space<vmem>> -> memref<1x40x64xf32, #tpu.memory_space<vmem>>
    %dma_wait3A_465 = tpu.memref_squeeze %dma_wait3A_464 : memref<1x40x64xf32, #tpu.memory_space<vmem>> -> memref<40x64xf32, #tpu.memory_space<vmem>>
    tpu.wait_dma2 semaphore(%dma_wait3A_457 : memref<!tpu.dma_semaphore, #tpu.memory_space<semaphore_mem>>) src(%dma_wait3A_465 : memref<40x64xf32, #tpu.memory_space<vmem>>) dst(%dma_wait3A_461 : memref<40x64xf32, #tpu.memory_space<hbm>>)
    %add3A_466 = arith.constant 126 : i32
    %add3A_467 = arith.addi %mul3A_2, %add3A_466 : i32
    %dma_wait3A_468 = arith.constant 2 : i32
    %dma_wait3A_469 = arith.constant 2 : i32
    %dma_wait3A_470 = arith.constant 0 : i32
    %dma_wait3A_471 = arith.constant 0 : i32
    %dma_wait3A_472 = tpu.memref_slice %arg6[%dma_wait3A_468, %dma_wait3A_470, %dma_wait3A_471] : memref<8x40x64xf32, #tpu.memory_space<vmem>> -> memref<1x40x64xf32, #tpu.memory_space<vmem>>
    %dma_wait3A_473 = tpu.memref_squeeze %dma_wait3A_472 : memref<1x40x64xf32, #tpu.memory_space<vmem>> -> memref<40x64xf32, #tpu.memory_space<vmem>>
    %dma_wait3A_474 = arith.constant 160 : i32
    %dma_wait3A_475 = arith.constant 0 : i32
    %dma_wait3A_476 = tpu.memref_slice %arg4[%add3A_467, %dma_wait3A_474, %dma_wait3A_475] : memref<4096x200x128xf32, #tpu.memory_space<hbm>> -> memref<1x40x64xf32, #tpu.memory_space<hbm>>
    %dma_wait3A_477 = tpu.memref_squeeze %dma_wait3A_476 : memref<1x40x64xf32, #tpu.memory_space<hbm>> -> memref<40x64xf32, #tpu.memory_space<hbm>>
    %dma_wait3A_478 = tpu.memref_slice %arg8[%dma_wait3A_469] : memref<8x!tpu.dma_semaphore, #tpu.memory_space<semaphore_mem>> -> memref<1x!tpu.dma_semaphore, #tpu.memory_space<semaphore_mem>>
    %dma_wait3A_479 = tpu.memref_squeeze %dma_wait3A_478 : memref<1x!tpu.dma_semaphore, #tpu.memory_space<semaphore_mem>> -> memref<!tpu.dma_semaphore, #tpu.memory_space<semaphore_mem>>
    %dma_wait3A_480 = arith.constant 160 : i32
    %dma_wait3A_481 = arith.constant 0 : i32
    %dma_wait3A_482 = tpu.memref_slice %arg4[%add3A_467, %dma_wait3A_480, %dma_wait3A_481] : memref<4096x200x128xf32, #tpu.memory_space<hbm>> -> memref<1x40x64xf32, #tpu.memory_space<hbm>>
    %dma_wait3A_483 = tpu.memref_squeeze %dma_wait3A_482 : memref<1x40x64xf32, #tpu.memory_space<hbm>> -> memref<40x64xf32, #tpu.memory_space<hbm>>
    %dma_wait3A_484 = arith.constant 0 : i32
    %dma_wait3A_485 = arith.constant 0 : i32
    %dma_wait3A_486 = tpu.memref_slice %arg6[%dma_wait3A_468, %dma_wait3A_484, %dma_wait3A_485] : memref<8x40x64xf32, #tpu.memory_space<vmem>> -> memref<1x40x64xf32, #tpu.memory_space<vmem>>
    %dma_wait3A_487 = tpu.memref_squeeze %dma_wait3A_486 : memref<1x40x64xf32, #tpu.memory_space<vmem>> -> memref<40x64xf32, #tpu.memory_space<vmem>>
    tpu.wait_dma2 semaphore(%dma_wait3A_479 : memref<!tpu.dma_semaphore, #tpu.memory_space<semaphore_mem>>) src(%dma_wait3A_487 : memref<40x64xf32, #tpu.memory_space<vmem>>) dst(%dma_wait3A_483 : memref<40x64xf32, #tpu.memory_space<hbm>>)
    %add3A_488 = arith.constant 127 : i32
    %add3A_489 = arith.addi %mul3A_2, %add3A_488 : i32
    %dma_wait3A_490 = arith.constant 3 : i32
    %dma_wait3A_491 = arith.constant 3 : i32
    %dma_wait3A_492 = arith.constant 0 : i32
    %dma_wait3A_493 = arith.constant 0 : i32
    %dma_wait3A_494 = tpu.memref_slice %arg6[%dma_wait3A_490, %dma_wait3A_492, %dma_wait3A_493] : memref<8x40x64xf32, #tpu.memory_space<vmem>> -> memref<1x40x64xf32, #tpu.memory_space<vmem>>
    %dma_wait3A_495 = tpu.memref_squeeze %dma_wait3A_494 : memref<1x40x64xf32, #tpu.memory_space<vmem>> -> memref<40x64xf32, #tpu.memory_space<vmem>>
    %dma_wait3A_496 = arith.constant 0 : i32
    %dma_wait3A_497 = arith.constant 0 : i32
    %dma_wait3A_498 = tpu.memref_slice %arg4[%add3A_489, %dma_wait3A_496, %dma_wait3A_497] : memref<4096x200x128xf32, #tpu.memory_space<hbm>> -> memref<1x40x64xf32, #tpu.memory_space<hbm>>
    %dma_wait3A_499 = tpu.memref_squeeze %dma_wait3A_498 : memref<1x40x64xf32, #tpu.memory_space<hbm>> -> memref<40x64xf32, #tpu.memory_space<hbm>>
    %dma_wait3A_500 = tpu.memref_slice %arg8[%dma_wait3A_491] : memref<8x!tpu.dma_semaphore, #tpu.memory_space<semaphore_mem>> -> memref<1x!tpu.dma_semaphore, #tpu.memory_space<semaphore_mem>>
    %dma_wait3A_501 = tpu.memref_squeeze %dma_wait3A_500 : memref<1x!tpu.dma_semaphore, #tpu.memory_space<semaphore_mem>> -> memref<!tpu.dma_semaphore, #tpu.memory_space<semaphore_mem>>
    %dma_wait3A_502 = arith.constant 0 : i32
    %dma_wait3A_503 = arith.constant 0 : i32
    %dma_wait3A_504 = tpu.memref_slice %arg4[%add3A_489, %dma_wait3A_502, %dma_wait3A_503] : memref<4096x200x128xf32, #tpu.memory_space<hbm>> -> memref<1x40x64xf32, #tpu.memory_space<hbm>>
    %dma_wait3A_505 = tpu.memref_squeeze %dma_wait3A_504 : memref<1x40x64xf32, #tpu.memory_space<hbm>> -> memref<40x64xf32, #tpu.memory_space<hbm>>
    %dma_wait3A_506 = arith.constant 0 : i32
    %dma_wait3A_507 = arith.constant 0 : i32
    %dma_wait3A_508 = tpu.memref_slice %arg6[%dma_wait3A_490, %dma_wait3A_506, %dma_wait3A_507] : memref<8x40x64xf32, #tpu.memory_space<vmem>> -> memref<1x40x64xf32, #tpu.memory_space<vmem>>
    %dma_wait3A_509 = tpu.memref_squeeze %dma_wait3A_508 : memref<1x40x64xf32, #tpu.memory_space<vmem>> -> memref<40x64xf32, #tpu.memory_space<vmem>>
    tpu.wait_dma2 semaphore(%dma_wait3A_501 : memref<!tpu.dma_semaphore, #tpu.memory_space<semaphore_mem>>) src(%dma_wait3A_509 : memref<40x64xf32, #tpu.memory_space<vmem>>) dst(%dma_wait3A_505 : memref<40x64xf32, #tpu.memory_space<hbm>>)
    %add3A_510 = arith.constant 127 : i32
    %add3A_511 = arith.addi %mul3A_2, %add3A_510 : i32
    %dma_wait3A_512 = arith.constant 4 : i32
    %dma_wait3A_513 = arith.constant 4 : i32
    %dma_wait3A_514 = arith.constant 0 : i32
    %dma_wait3A_515 = arith.constant 0 : i32
    %dma_wait3A_516 = tpu.memref_slice %arg6[%dma_wait3A_512, %dma_wait3A_514, %dma_wait3A_515] : memref<8x40x64xf32, #tpu.memory_space<vmem>> -> memref<1x40x64xf32, #tpu.memory_space<vmem>>
    %dma_wait3A_517 = tpu.memref_squeeze %dma_wait3A_516 : memref<1x40x64xf32, #tpu.memory_space<vmem>> -> memref<40x64xf32, #tpu.memory_space<vmem>>
    %dma_wait3A_518 = arith.constant 40 : i32
    %dma_wait3A_519 = arith.constant 0 : i32
    %dma_wait3A_520 = tpu.memref_slice %arg4[%add3A_511, %dma_wait3A_518, %dma_wait3A_519] : memref<4096x200x128xf32, #tpu.memory_space<hbm>> -> memref<1x40x64xf32, #tpu.memory_space<hbm>>
    %dma_wait3A_521 = tpu.memref_squeeze %dma_wait3A_520 : memref<1x40x64xf32, #tpu.memory_space<hbm>> -> memref<40x64xf32, #tpu.memory_space<hbm>>
    %dma_wait3A_522 = tpu.memref_slice %arg8[%dma_wait3A_513] : memref<8x!tpu.dma_semaphore, #tpu.memory_space<semaphore_mem>> -> memref<1x!tpu.dma_semaphore, #tpu.memory_space<semaphore_mem>>
    %dma_wait3A_523 = tpu.memref_squeeze %dma_wait3A_522 : memref<1x!tpu.dma_semaphore, #tpu.memory_space<semaphore_mem>> -> memref<!tpu.dma_semaphore, #tpu.memory_space<semaphore_mem>>
    %dma_wait3A_524 = arith.constant 40 : i32
    %dma_wait3A_525 = arith.constant 0 : i32
    %dma_wait3A_526 = tpu.memref_slice %arg4[%add3A_511, %dma_wait3A_524, %dma_wait3A_525] : memref<4096x200x128xf32, #tpu.memory_space<hbm>> -> memref<1x40x64xf32, #tpu.memory_space<hbm>>
    %dma_wait3A_527 = tpu.memref_squeeze %dma_wait3A_526 : memref<1x40x64xf32, #tpu.memory_space<hbm>> -> memref<40x64xf32, #tpu.memory_space<hbm>>
    %dma_wait3A_528 = arith.constant 0 : i32
    %dma_wait3A_529 = arith.constant 0 : i32
    %dma_wait3A_530 = tpu.memref_slice %arg6[%dma_wait3A_512, %dma_wait3A_528, %dma_wait3A_529] : memref<8x40x64xf32, #tpu.memory_space<vmem>> -> memref<1x40x64xf32, #tpu.memory_space<vmem>>
    %dma_wait3A_531 = tpu.memref_squeeze %dma_wait3A_530 : memref<1x40x64xf32, #tpu.memory_space<vmem>> -> memref<40x64xf32, #tpu.memory_space<vmem>>
    tpu.wait_dma2 semaphore(%dma_wait3A_523 : memref<!tpu.dma_semaphore, #tpu.memory_space<semaphore_mem>>) src(%dma_wait3A_531 : memref<40x64xf32, #tpu.memory_space<vmem>>) dst(%dma_wait3A_527 : memref<40x64xf32, #tpu.memory_space<hbm>>)
    %add3A_532 = arith.constant 127 : i32
    %add3A_533 = arith.addi %mul3A_2, %add3A_532 : i32
    %dma_wait3A_534 = arith.constant 5 : i32
    %dma_wait3A_535 = arith.constant 5 : i32
    %dma_wait3A_536 = arith.constant 0 : i32
    %dma_wait3A_537 = arith.constant 0 : i32
    %dma_wait3A_538 = tpu.memref_slice %arg6[%dma_wait3A_534, %dma_wait3A_536, %dma_wait3A_537] : memref<8x40x64xf32, #tpu.memory_space<vmem>> -> memref<1x40x64xf32, #tpu.memory_space<vmem>>
    %dma_wait3A_539 = tpu.memref_squeeze %dma_wait3A_538 : memref<1x40x64xf32, #tpu.memory_space<vmem>> -> memref<40x64xf32, #tpu.memory_space<vmem>>
    %dma_wait3A_540 = arith.constant 80 : i32
    %dma_wait3A_541 = arith.constant 0 : i32
    %dma_wait3A_542 = tpu.memref_slice %arg4[%add3A_533, %dma_wait3A_540, %dma_wait3A_541] : memref<4096x200x128xf32, #tpu.memory_space<hbm>> -> memref<1x40x64xf32, #tpu.memory_space<hbm>>
    %dma_wait3A_543 = tpu.memref_squeeze %dma_wait3A_542 : memref<1x40x64xf32, #tpu.memory_space<hbm>> -> memref<40x64xf32, #tpu.memory_space<hbm>>
    %dma_wait3A_544 = tpu.memref_slice %arg8[%dma_wait3A_535] : memref<8x!tpu.dma_semaphore, #tpu.memory_space<semaphore_mem>> -> memref<1x!tpu.dma_semaphore, #tpu.memory_space<semaphore_mem>>
    %dma_wait3A_545 = tpu.memref_squeeze %dma_wait3A_544 : memref<1x!tpu.dma_semaphore, #tpu.memory_space<semaphore_mem>> -> memref<!tpu.dma_semaphore, #tpu.memory_space<semaphore_mem>>
    %dma_wait3A_546 = arith.constant 80 : i32
    %dma_wait3A_547 = arith.constant 0 : i32
    %dma_wait3A_548 = tpu.memref_slice %arg4[%add3A_533, %dma_wait3A_546, %dma_wait3A_547] : memref<4096x200x128xf32, #tpu.memory_space<hbm>> -> memref<1x40x64xf32, #tpu.memory_space<hbm>>
    %dma_wait3A_549 = tpu.memref_squeeze %dma_wait3A_548 : memref<1x40x64xf32, #tpu.memory_space<hbm>> -> memref<40x64xf32, #tpu.memory_space<hbm>>
    %dma_wait3A_550 = arith.constant 0 : i32
    %dma_wait3A_551 = arith.constant 0 : i32
    %dma_wait3A_552 = tpu.memref_slice %arg6[%dma_wait3A_534, %dma_wait3A_550, %dma_wait3A_551] : memref<8x40x64xf32, #tpu.memory_space<vmem>> -> memref<1x40x64xf32, #tpu.memory_space<vmem>>
    %dma_wait3A_553 = tpu.memref_squeeze %dma_wait3A_552 : memref<1x40x64xf32, #tpu.memory_space<vmem>> -> memref<40x64xf32, #tpu.memory_space<vmem>>
    tpu.wait_dma2 semaphore(%dma_wait3A_545 : memref<!tpu.dma_semaphore, #tpu.memory_space<semaphore_mem>>) src(%dma_wait3A_553 : memref<40x64xf32, #tpu.memory_space<vmem>>) dst(%dma_wait3A_549 : memref<40x64xf32, #tpu.memory_space<hbm>>)
    %add3A_554 = arith.constant 127 : i32
    %add3A_555 = arith.addi %mul3A_2, %add3A_554 : i32
    %dma_wait3A_556 = arith.constant 6 : i32
    %dma_wait3A_557 = arith.constant 6 : i32
    %dma_wait3A_558 = arith.constant 0 : i32
    %dma_wait3A_559 = arith.constant 0 : i32
    %dma_wait3A_560 = tpu.memref_slice %arg6[%dma_wait3A_556, %dma_wait3A_558, %dma_wait3A_559] : memref<8x40x64xf32, #tpu.memory_space<vmem>> -> memref<1x40x64xf32, #tpu.memory_space<vmem>>
    %dma_wait3A_561 = tpu.memref_squeeze %dma_wait3A_560 : memref<1x40x64xf32, #tpu.memory_space<vmem>> -> memref<40x64xf32, #tpu.memory_space<vmem>>
    %dma_wait3A_562 = arith.constant 120 : i32
    %dma_wait3A_563 = arith.constant 0 : i32
    %dma_wait3A_564 = tpu.memref_slice %arg4[%add3A_555, %dma_wait3A_562, %dma_wait3A_563] : memref<4096x200x128xf32, #tpu.memory_space<hbm>> -> memref<1x40x64xf32, #tpu.memory_space<hbm>>
    %dma_wait3A_565 = tpu.memref_squeeze %dma_wait3A_564 : memref<1x40x64xf32, #tpu.memory_space<hbm>> -> memref<40x64xf32, #tpu.memory_space<hbm>>
    %dma_wait3A_566 = tpu.memref_slice %arg8[%dma_wait3A_557] : memref<8x!tpu.dma_semaphore, #tpu.memory_space<semaphore_mem>> -> memref<1x!tpu.dma_semaphore, #tpu.memory_space<semaphore_mem>>
    %dma_wait3A_567 = tpu.memref_squeeze %dma_wait3A_566 : memref<1x!tpu.dma_semaphore, #tpu.memory_space<semaphore_mem>> -> memref<!tpu.dma_semaphore, #tpu.memory_space<semaphore_mem>>
    %dma_wait3A_568 = arith.constant 120 : i32
    %dma_wait3A_569 = arith.constant 0 : i32
    %dma_wait3A_570 = tpu.memref_slice %arg4[%add3A_555, %dma_wait3A_568, %dma_wait3A_569] : memref<4096x200x128xf32, #tpu.memory_space<hbm>> -> memref<1x40x64xf32, #tpu.memory_space<hbm>>
    %dma_wait3A_571 = tpu.memref_squeeze %dma_wait3A_570 : memref<1x40x64xf32, #tpu.memory_space<hbm>> -> memref<40x64xf32, #tpu.memory_space<hbm>>
    %dma_wait3A_572 = arith.constant 0 : i32
    %dma_wait3A_573 = arith.constant 0 : i32
    %dma_wait3A_574 = tpu.memref_slice %arg6[%dma_wait3A_556, %dma_wait3A_572, %dma_wait3A_573] : memref<8x40x64xf32, #tpu.memory_space<vmem>> -> memref<1x40x64xf32, #tpu.memory_space<vmem>>
    %dma_wait3A_575 = tpu.memref_squeeze %dma_wait3A_574 : memref<1x40x64xf32, #tpu.memory_space<vmem>> -> memref<40x64xf32, #tpu.memory_space<vmem>>
    tpu.wait_dma2 semaphore(%dma_wait3A_567 : memref<!tpu.dma_semaphore, #tpu.memory_space<semaphore_mem>>) src(%dma_wait3A_575 : memref<40x64xf32, #tpu.memory_space<vmem>>) dst(%dma_wait3A_571 : memref<40x64xf32, #tpu.memory_space<hbm>>)
    %add3A_576 = arith.constant 127 : i32
    %add3A_577 = arith.addi %mul3A_2, %add3A_576 : i32
    %dma_wait3A_578 = arith.constant 7 : i32
    %dma_wait3A_579 = arith.constant 7 : i32
    %dma_wait3A_580 = arith.constant 0 : i32
    %dma_wait3A_581 = arith.constant 0 : i32
    %dma_wait3A_582 = tpu.memref_slice %arg6[%dma_wait3A_578, %dma_wait3A_580, %dma_wait3A_581] : memref<8x40x64xf32, #tpu.memory_space<vmem>> -> memref<1x40x64xf32, #tpu.memory_space<vmem>>
    %dma_wait3A_583 = tpu.memref_squeeze %dma_wait3A_582 : memref<1x40x64xf32, #tpu.memory_space<vmem>> -> memref<40x64xf32, #tpu.memory_space<vmem>>
    %dma_wait3A_584 = arith.constant 160 : i32
    %dma_wait3A_585 = arith.constant 0 : i32
    %dma_wait3A_586 = tpu.memref_slice %arg4[%add3A_577, %dma_wait3A_584, %dma_wait3A_585] : memref<4096x200x128xf32, #tpu.memory_space<hbm>> -> memref<1x40x64xf32, #tpu.memory_space<hbm>>
    %dma_wait3A_587 = tpu.memref_squeeze %dma_wait3A_586 : memref<1x40x64xf32, #tpu.memory_space<hbm>> -> memref<40x64xf32, #tpu.memory_space<hbm>>
    %dma_wait3A_588 = tpu.memref_slice %arg8[%dma_wait3A_579] : memref<8x!tpu.dma_semaphore, #tpu.memory_space<semaphore_mem>> -> memref<1x!tpu.dma_semaphore, #tpu.memory_space<semaphore_mem>>
    %dma_wait3A_589 = tpu.memref_squeeze %dma_wait3A_588 : memref<1x!tpu.dma_semaphore, #tpu.memory_space<semaphore_mem>> -> memref<!tpu.dma_semaphore, #tpu.memory_space<semaphore_mem>>
    %dma_wait3A_590 = arith.constant 160 : i32
    %dma_wait3A_591 = arith.constant 0 : i32
    %dma_wait3A_592 = tpu.memref_slice %arg4[%add3A_577, %dma_wait3A_590, %dma_wait3A_591] : memref<4096x200x128xf32, #tpu.memory_space<hbm>> -> memref<1x40x64xf32, #tpu.memory_space<hbm>>
    %dma_wait3A_593 = tpu.memref_squeeze %dma_wait3A_592 : memref<1x40x64xf32, #tpu.memory_space<hbm>> -> memref<40x64xf32, #tpu.memory_space<hbm>>
    %dma_wait3A_594 = arith.constant 0 : i32
    %dma_wait3A_595 = arith.constant 0 : i32
    %dma_wait3A_596 = tpu.memref_slice %arg6[%dma_wait3A_578, %dma_wait3A_594, %dma_wait3A_595] : memref<8x40x64xf32, #tpu.memory_space<vmem>> -> memref<1x40x64xf32, #tpu.memory_space<vmem>>
    %dma_wait3A_597 = tpu.memref_squeeze %dma_wait3A_596 : memref<1x40x64xf32, #tpu.memory_space<vmem>> -> memref<40x64xf32, #tpu.memory_space<vmem>>
    tpu.wait_dma2 semaphore(%dma_wait3A_589 : memref<!tpu.dma_semaphore, #tpu.memory_space<semaphore_mem>>) src(%dma_wait3A_597 : memref<40x64xf32, #tpu.memory_space<vmem>>) dst(%dma_wait3A_593 : memref<40x64xf32, #tpu.memory_space<hbm>>)
    return
  }
}

</mosaic_0001>

<sc_bundles>
// kernel: kernel.3.cloned.1.call-start
scs
__scs_entry_jumppad:
0x0: {  	(pc) =	sbr.rel $0x88, $3  }
0x1: {  	(tag) =	ssettag $0x0;
	lr =	simm.s32 $0x1  }
0x2: {  	[smem:$0x3F9F] =	sst lr;
	_ =	strace $0xD0000000  }
0x3: {  	_ = 	snop  }
0x4: {  	_ = 	snop  }
0x5: {  	_ = 	snop  }
0x6: {  	_ = 	snop  }
0x7: {  	_ = 	snop  }
__scs_overlays_trampoline_lowered:
0x8: {  	[smem:$0x3FAE] =	sst s0  }
0x9: {  	[smem:$0x3FAF] =	sst s1  }
0xa: {  	[smem:$0x3FB0] =	sst s2  }
0xb: {  	[smem:$0x3FB1] =	sst s3  }
0xc: {  	[smem:$0x3FB2] =	sst s4  }
0xd: {  	[smem:$0x3FB3] =	sst s5  }
0xe: {  	[smem:$0x3FB4] =	sst s6  }
0xf: {  	[smem:$0x3FB5] =	sst s7  }
0x10: {  	[smem:$0x3FB6] =	sst s8  }
0x11: {  	[smem:$0x3FB7] =	sst s9;
	s0 =	simm.s32 @!p0 $0x0  }
0x12: {  	s1 =	sld [smem:$0x3F9D];
	s0 =	simm.s32 @p0 $0x1  }
0x13: {  	[smem:$0x3FB8] =	sst s0;
	s0 =	simm.s32 @!p1 $0x0  }
0x14: {  	s2 =	sld [smem:$0x3F9C];
	s0 =	simm.s32 @p1 $0x1  }
0x15: {  	[smem:$0x3FB9] =	sst s0;
	s0 =	simm.s32 @!p2 $0x0  }
0x16: {  	s3 =	sld [smem:$0x3FDB];
	s0 =	simm.s32 @p2 $0x1  }
0x17: {  	s4 =	simm.s32 $0x1BF5;
	[smem:$0x3FBB] =	sst s0  }
0x18: {  	s0 =	sld [smem:$0x3F9E];
	_ =	swait.ge [sflag:s4], $0x0  }
0x19: {  	s7 =	sld [smem:$0x3F9F]  }
0x1a: {  	s8 =	sadd.s32 $0xFFFFE003, lr  }
0x1b: {  	s9 =	sadd.s32 $0xFFFFFEF7, lr;
	s5 =	simm.s32 $0xFFFFFFFF;
	p2 =	slt.u32 s8, $0xFFFFF086  }
0x1c: {  	p1 =	slt.u32 s9, $0xF7A;
	s5 =	simm.s32 @!p2 $0x0  }
0x1d: {  	s5 =	simm.s32 @p1 $0x1;
	p0 =	seq.s32 s7, s2  }
0x1e: {  	s7 =	smul.u32 @!p0 $0xF7A, s2;
	p2 =	seq.s32 @!p0 s5, $0x0  }
0x1f: {  	s9 =	smul.u32 $0xF7A, s1;
	s8 =	simm.s32 @!p0 $0x1BF5;
	p2 =	por !p2, p0  }
0x20: {  	[sflag:s8] =	ssyncset.s32 @!p0 $0xFFFFF086;
	s6 =	sadd.s32 @!p0 s3, s7;
	s7 =	simm.s32 @!p0 $0x108  }
0x21: {  	s3 =	sadd.s32 s3, s9;
	s6 =	sadd.s32 @!p0 $0x88, s6;
	s7 =	simm.s32 @p2 $0x1082  }
0x22: {  	[simem:s7], [sflag:s8] =	dma.local @!p0 [hbm:s6], $0xF7A  }
0x23: {  	s9 =	sor.u32 $0xD0000000, s2;
	s6 =	simm.s32 $0x108;
	_ =	swait.ge @!p0 [sflag:s8], $0x0  }
0x24: {  	s3 =	sadd.s32 $0x88, s3;
	s6 =	simm.s32 @!p1 $0x1082;
	[sflag:s4] =	ssyncset.s32 $0xFFFFF086  }
0x25: {  	[simem:s6], [sflag:s4] =	dma.local [hbm:s3], $0xF7A  }
0x26: {  	[smem:$0x3F9F] =	sst s1;
	(tag) =	ssettag s2;
	_ =	strace s9  }
0x27: {  	s1 =	sld [smem:$0x3FAF]  }
0x28: {  	s2 =	sld [smem:$0x3FB0]  }
0x29: {  	s4 =	sld [smem:$0x3FB2]  }
0x2a: {  	p0 =	seq.s32 s5, $0x0;
	s5 =	sld [smem:$0x3FB3]  }
0x2b: {  	s6 =	sld [smem:$0x3FB4]  }
0x2c: {  	s7 =	sld [smem:$0x3FB5]  }
0x2d: {  	s3 =	simm.s32 $0x108;
	s8 =	sld [smem:$0x3FB6]  }
0x2e: {  	s3 =	simm.s32 @!p0 $0x1082;
	s9 =	sld [smem:$0x3FB7]  }
0x2f: {  	lr =	sadd.s32 s0, s3;
	s0 =	sld [smem:$0x3FAE]  }
0x30: {  	s3 =	sld [smem:$0x3FB1]  }
0x31: {  	[smem:$0x3FBA] =	sst s10  }
0x32: {  	s10 =	sld [smem:$0x3FB8];
	_ =	sdelay $0x3  }
0x33: {  	p0 =	seq.s32 s10, $0x1;
	s10 =	sld [smem:$0x3FBA];
	_ =	sdelay $0x3  }
0x34: {  	[smem:$0x3FBA] =	sst s10  }
0x35: {  	s10 =	sld [smem:$0x3FB9];
	_ =	sdelay $0x3  }
0x36: {  	p1 =	seq.s32 s10, $0x1;
	s10 =	sld [smem:$0x3FBA];
	_ =	sdelay $0x3  }
0x37: {  	[smem:$0x3FBA] =	sst s10  }
0x38: {  	s10 =	sld [smem:$0x3FBB]  }
0x39: {  	_ = 	snop;
	(pc) =	sbr.ind lr, $3  }
0x3a: {  	_ = 	snop  }
0x3b: {  	_ = 	snop  }
0x3c: {  	p2 =	seq.s32 s10, $0x1;
	s10 =	sld [smem:$0x3FBA]  }
0x3d: {  	_ =	shalt  }
0x3e: {  	_ =	shalt  }
0x3f: {  	_ =	shalt  }
0x40: {  	_ =	shalt  }
0x41: {  	_ =	shalt  }
0x42: {  	_ =	shalt  }
0x43: {  	_ =	shalt  }
0x44: {  	_ =	shalt  }
0x45: {  	_ =	shalt  }
0x46: {  	_ =	shalt  }
0x47: {  	_ =	shalt  }
0x48: {  	_ =	shalt  }
0x49: {  	_ =	shalt  }
0x4a: {  	_ =	shalt  }
0x4b: {  	_ =	shalt  }
0x4c: {  	_ =	shalt  }
0x4d: {  	_ =	shalt  }
0x4e: {  	_ =	shalt  }
0x4f: {  	_ =	shalt  }
0x50: {  	_ =	shalt  }
0x51: {  	_ =	shalt  }
0x52: {  	_ =	shalt  }
0x53: {  	_ =	shalt  }
0x54: {  	_ =	shalt  }
0x55: {  	_ =	shalt  }
0x56: {  	_ =	shalt  }
0x57: {  	_ =	shalt  }
0x58: {  	_ =	shalt  }
0x59: {  	_ =	shalt  }
0x5a: {  	_ =	shalt  }
0x5b: {  	_ =	shalt  }
0x5c: {  	_ =	shalt  }
0x5d: {  	_ =	shalt  }
0x5e: {  	_ =	shalt  }
0x5f: {  	_ =	shalt  }
0x60: {  	_ =	shalt  }
0x61: {  	_ =	shalt  }
0x62: {  	_ =	shalt  }
0x63: {  	_ =	shalt  }
0x64: {  	_ =	shalt  }
0x65: {  	_ =	shalt  }
0x66: {  	_ =	shalt  }
0x67: {  	_ =	shalt  }
0x68: {  	_ =	shalt  }
0x69: {  	_ =	shalt  }
0x6a: {  	_ =	shalt  }
0x6b: {  	_ =	shalt  }
0x6c: {  	_ =	shalt  }
0x6d: {  	_ =	shalt  }
0x6e: {  	_ =	shalt  }
0x6f: {  	_ =	shalt  }
0x70: {  	_ =	shalt  }
0x71: {  	_ =	shalt  }
0x72: {  	_ =	shalt  }
0x73: {  	_ =	shalt  }
0x74: {  	_ =	shalt  }
0x75: {  	_ =	shalt  }
0x76: {  	_ =	shalt  }
0x77: {  	_ =	shalt  }
0x78: {  	_ =	shalt  }
0x79: {  	_ =	shalt  }
0x7a: {  	_ =	shalt  }
0x7b: {  	_ =	shalt  }
0x7c: {  	_ =	shalt  }
0x7d: {  	_ =	shalt  }
0x7e: {  	_ =	shalt  }
0x7f: {  	_ =	shalt  }
0x80: {  	_ =	shalt  }
0x81: {  	_ =	shalt  }
0x82: {  	_ =	shalt  }
0x83: {  	_ =	shalt  }
0x84: {  	_ =	shalt  }
0x85: {  	_ =	shalt  }
0x86: {  	_ =	shalt  }
0x87: {  	_ =	shalt  }
.Lfunc_end0:
.L_simem_size_0:
called_computation.1_lowered:
.L_overlay_start_0:
0x88: {  	s2 =	sld [smem:$0x3FD9]  }
0x89: {  	s3 =	sld [smem:$0x3FFE];
	_ =	sdelay $0x1  }
0x8a: {  	s1 =	srdreg.scid  }
0x8b: {  	s0 =	sand.u32 $0x1, s1  }
0x8c: {  	s17 =	sshll.u32 s0, $0xA;
	s2 =	sadd.s32 s3, s2  }
0x8d: {  	s2 =	sadd.s32 s2, s17  }
0x8e: {  	[smem:$0x3FC6] =	sst s2  }
0x8f: {  	_ = 	snop  }
0x90: {  	s2 =	sld [smem:$0x3FD0];
	(tm) =	ssettm $0x1  }
0x91: {  	s18 =	sld [smem:$0x3FFB];
	_ =	sdelay $0x3  }
0x92: {  	_ =	strace s18  }
0x93: {  	s3 =	sld [smem:$0x3FFC];
	_ =	sdelay $0x3  }
0x94: {  	_ =	strace s3  }
0x95: {  	s3 =	sld [smem:$0x3FFD];
	_ =	sdelay $0x3  }
0x96: {  	_ =	strace s3  }
0x97: {  	_ =	strace $0x8FFFFFFF  }
0x98: {  	s19 =	sld [smem:$0x3FDB];
	_ =	sdelay $0x1  }
0x99: {  	s4 =	simm.s32 $_scs_section_size  }
0x9a: {  	s5 =	simm.s32 $_size__tile_overlayer_lowered;
	s6 =	simm.s32 $_tile_overlayer_lowered  }
0x9b: {  	s22 =	simm.s32 $0x1BFF;
	s21 =	sshll.u32 s6, $0x1;
	s3 =	sadd.s32 s4, s19  }
0x9c: {  	s7 =	simm.s32 $0x0;
	s20 =	sshll.u32 s5, $0x1;
	s5 =	sadd.s32 s21, s3  }
0x9d: {  	[timem:s7], [sflag:s22] =	dma.local [hbm:s5], s20  }
0x9e: {  	_ =	swait.ge [sflag:s22], s20  }
0x9f: {  	s4 =	ssub.s32 $0x0, s20;
	[sflag:s22] =	ssyncset.done $0x0  }
0xa0: {  	[sflag:s22] =	ssyncadd.s32 s4;
	_ =	sdelay $0x1  }
0xa1: {  	s23 =	simm.s32 $0x1B8B  }
0xa2: {  	_ =	swait.ge [sflag:s23], $0x1  }
0xa3: {  	[sflag:s23] =	ssyncset.done $0x0  }
0xa4: {  	s25 =	simm.s32 $0x1B8E;
	s24 =	sld [smem:$0x3FFE];
	[sflag:s23] =	ssyncadd.s32 $0xFFFFFFFF  }
0xa5: {  	s26 =	simm.s32 $execute0_lowered;
	[smem:$0x3FD2] =	sst s25  }
0xa6: {  	s5 =	sshll.u32 s26, $0x1;
	_ =	strace $0x80000046;
	[dreg:$0x1] =	wrdreg $0xFFFFFFFF  }
0xa7: {  	s28 =	simm.s32 $_size_execute0_lowered;
	s3 =	sadd.s32 s3, s5;
	[dreg:$0x0] =	wrdreg $0x0  }
0xa8: {  	s5 =	sshll.u32 s28, $0x1;
	[dreg:$0x2] =	wrdreg s3  }
0xa9: {  	[dreg:$0x3] =	wrdreg s5  }
0xaa: {  	[dreg:$0x4] =	wrdreg $0xC0  }
0xab: {  	_ =	task [dreg:s7], $0x5FFFF  }
0xac: {  	[dreg:$0x1] =	wrdreg $0xFFFFFFFF  }
0xad: {  	[dreg:$0x0] =	wrdreg $0x60  }
0xae: {  	[dreg:$0x2] =	wrdreg s2  }
0xaf: {  	[dreg:$0x3] =	wrdreg s24  }
0xb0: {  	[dreg:$0x4] =	wrdreg $0x9  }
0xb1: {  	_ =	task.clear_ibuf [dreg:s7], $0x5FFFF;
	_ =	strace $0x90000046  }
0xb2: {  	s29 =	simm.s32 $0x9;
	_ =	strace $0x80000048  }
0xb3: {  	_ =	swait.ge [sflag:s29], $0x1  }
0xb4: {  	[sflag:s29] =	ssyncadd.s32 $0xFFFFFFFF  }
0xb5: {  	_ =	strace $0x90000048  }
0xb6: {  	_ =	sfence  }
0xb7: {  	s30 =	sld [smem:$0x0];
	_ =	sdelay $0x2  }
0xb8: {  	s31 =	sshll.u32 s1, $0xD;
	s1 =	sshrl.u32 s1, $0x2  }
0xb9: {  	s3 =	sand.u32 $0x4000, s31;
	s1 =	sadd.s32 s1, s30  }
0xba: {  	s0 =	sor.u32 s3, s0;
	s1 =	sshll.u32 s1, $0x11  }
0xbb: {  	s0 =	sor.u32 s1, s0  }
0xbc: {  	s0 =	sadd.s32 $0x8F2B, s0  }
0xbd: {  	[sflag:s0] =	ssyncadd.remote.s32 $0x1  }
0xbe: {  	_ =	sfence.sel $0xFFFF  }
0xbf: {  	[dreg:$0x0] =	wrdreg $0xFFFFFFFF;
	(pc) =	sbr.abs _section_cstart, $3  }
0xc0: {  	[dreg:$0x1] =	wrdreg $0xFFFFFFFF  }
0xc1: {  	_ =	task.clear_ibuf [dreg:s7], $0x2FFFF;
	_ =	strace $0x9FFFFFFF  }
0xc2: {  	(tm) =	ssettm $0x7FFFFFFF  }
0xc3: {  	_ =	shalt  }
tec
execute0_lowered:
.L_overlay_start_1:
0x0: {  	(tag) =	ssettag $0x1  }
0x1: {  	s0 =	srdreg.scid;
	s1 =	rddreg [dreg:$0x0]  }
0x2: {  	s3 =	stileid.u32;
	s2 =	rddreg [dreg:$0x1];
	s5 =	simm.s32 $0x0  }
0x3: {  	s0 =	sand.u32 $0x1, s0;
	s3 =	sshll.u32 s3, $0x8;
	[smem:$0x7FF] =	sst s5  }
0x4: {  	s6 =	sadd.s32 $0xA00, s2;
	s2 =	sadd.s32 $0xF42E00, s2;
	s4 =	sshll.u32 s0, $0x7  }
0x5: {  	_ =	strace $0x80000047;
	s0 =	ssub.s32 $0x2, s0;
	s11 =	sor.u32 s4, s3  }
0x6: {  	[dreg:$0x4] =	wrdreg s2;
	s23 =	sshrl.u32 s0, $0x1;
	s3 =	smul.u32 $0x6400, s11  }
0x7: {  	[dreg:$0x5] =	wrdreg s6;
	s4 =	smul.u32 $0x19, s11;
	s0 =	ssub.s32 s0, s23  }
0x8: {  	[dreg:$0x3] =	wrdreg s11;
	s0 =	smax.u32 s0, $0x1  }
0x9: {  	s3 =	sshrl.u32 s3, $0x3;
	s1 =	sadd.s32 s1, s4;
	[dreg:$0x1e] =	wrdreg s0  }
0xa: {  	s3 =	sadd.s32 s6, s3;
	[dreg:$0x16] =	wrdreg s1  }
0xb: {  	s24 =	sadd.s32 $0x280, s3;
	[dreg:$0x15] =	wrdreg s3  }
0xc: {  	s25 =	sadd.s32 $0x500, s3;
	[dreg:$0x17] =	wrdreg s24  }
0xd: {  	s26 =	sadd.s32 $0x780, s3;
	[dreg:$0x18] =	wrdreg s25  }
0xe: {  	s28 =	sadd.s32 $0x63600, s3;
	[dreg:$0x19] =	wrdreg s26  }
0xf: {  	s5 =	simm.s32 $0xAA00;
	s29 =	sadd.s32 $0x63880, s3;
	[dreg:$0x1a] =	wrdreg s28  }
0x10: {  	s2 =	simm.s32 $0x8C00;
	s30 =	sadd.s32 $0x63B00, s3;
	[dreg:$0x1b] =	wrdreg s29  }
0x11: {  	s4 =	simm.s32 $0xA000;
	s31 =	sadd.s32 $0x63D80, s3;
	[dreg:$0x1c] =	wrdreg s30  }
0x12: {  	s1 =	simm.s32 $0x0;
	s3 =	simm.s32 $0x9600;
	[dreg:$0x1d] =	wrdreg s31  }
.LBB2_1:
0x13: {  	[dreg:$0x1f] =	wrdreg s1  }
0x14: {  	s20 =	simm.s32 $0x0;
	s0 =	rddreg [dreg:$0x16];
	s18 =	simm.s32 $0x11  }
0x15: {  	[tilespmem:s20], [sflag:$0x11] =	stream.linear.gather [hbm4b:s0+s20], $0x6400, $0x38;
	[tilespmem:$0xB400] =	vst v63  }
0x16: {  	_ =	swait.ge [sflag:s18], $0x6400  }
0x17: {  	s29 =	simm.s32 $0x28;
	[sflag:s18] =	ssyncset.done $0x0  }
0x18: {  	s25 =	simm.s32 $0x6400;
	s30 =	rddreg [dreg:$0x4];
	[sflag:s18] =	ssyncadd.s32 $0xFFFF9C00  }
0x19: {  	[tilespmem:s25], [sflag:$0x1] =	stream.indirect.gather [hbm4b:s30+s29], $0x40, s20, s29, $0xb8;
	[tilespmem:$0xB400] =	vst v63  }
0x1a: {  	s24 =	simm.s32 $0x6E00  }
0x1b: {  	[tilespmem:s24], [sflag:$0x2] =	stream.indirect.gather [hbm4b:s30+s29], $0x40, s29, s29, $0xb8;
	[tilespmem:$0xB400] =	vst v63  }
0x1c: {  	s19 =	simm.s32 $0x50;
	s31 =	simm.s32 $0x7800  }
0x1d: {  	[tilespmem:s31], [sflag:$0x3] =	stream.indirect.gather [hbm4b:s30+s29], $0x40, s19, s29, $0xb8;
	[tilespmem:$0xB400] =	vst v63  }
0x1e: {  	s21 =	simm.s32 $0x78;
	s22 =	simm.s32 $0x8200  }
0x1f: {  	[tilespmem:s22], [sflag:$0x4] =	stream.indirect.gather [hbm4b:s30+s29], $0x40, s21, s29, $0xb8;
	[tilespmem:$0xB400] =	vst v63  }
0x20: {  	s23 =	simm.s32 $0xA0  }
0x21: {  	[tilespmem:s2], [sflag:$0x5] =	stream.indirect.gather [hbm4b:s30+s29], $0x40, s23, s29, $0xb8;
	[tilespmem:$0xB400] =	vst v63  }
0x22: {  	s26 =	simm.s32 $0xC8  }
0x23: {  	[tilespmem:s3], [sflag:$0x6] =	stream.indirect.gather [hbm4b:s30+s29], $0x40, s26, s29, $0xb8;
	[tilespmem:$0xB400] =	vst v63  }
0x24: {  	s2 =	simm.s32 $0xF0  }
0x25: {  	[tilespmem:s4], [sflag:$0x7] =	stream.indirect.gather [hbm4b:s30+s29], $0x40, s2, s29, $0xb8;
	[tilespmem:$0xB400] =	vst v63  }
0x26: {  	s3 =	simm.s32 $0x118;
	s4 =	simm.s32 $0x1  }
0x27: {  	[tilespmem:s5], [sflag:$0x8] =	stream.indirect.gather [hbm4b:s30+s29], $0x40, s3, s29, $0xb8;
	[tilespmem:$0xB400] =	vst v63  }
0x28: {  	_ =	swait.ge [sflag:s4], $0xA00  }
0x29: {  	[sflag:s4] =	ssyncset.done $0x0  }
0x2a: {  	s5 =	simm.s32 $0x2;
	[sflag:s4] =	ssyncadd.s32 $0xFFFFF600  }
0x2b: {  	_ =	swait.ge [sflag:s5], $0xA00  }
0x2c: {  	[sflag:s5] =	ssyncset.done $0x0  }
0x2d: {  	s6 =	simm.s32 $0x3;
	[sflag:s5] =	ssyncadd.s32 $0xFFFFF600  }
0x2e: {  	s7 =	simm.s32 $0x4;
	_ =	swait.ge [sflag:s6], $0xA00  }
0x2f: {  	s9 =	simm.s32 $0x40;
	s10 =	simm.s32 $0x80;
	[sflag:s6] =	ssyncset.done $0x0  }
0x30: {  	s14 =	simm.s32 $0x8;
	s15 =	simm.s32 $0x0;
	[sflag:s6] =	ssyncadd.s32 $0xFFFFF600  }
0x31: {  	s16 =	simm.s32 $0xA;
	s0 =	sand.u32 $0xFFF8, s14;
	_ =	swait.ge [sflag:s7], $0xA00  }
0x32: {  	s1 =	sand.u32 $0xFFFA, s16;
	s0 =	smul.u32 $0xCCCD, s0;
	[sflag:s7] =	ssyncset.done $0x0  }
0x33: {  	s8 =	rddreg [dreg:$0x15];
	[sflag:s7] =	ssyncadd.s32 $0xFFFFF600;
	s7 =	simm.s32 $0xB  }
0x34: {  	[hbm4b:s8+s9] =	stream.strided.scatter [tilespmem:s25], [sflag:$0x9], $0xA00, s10, s9, $0x38;
	[tilespmem:$0xB400] =	vst v63  }
0x35: {  	s18 =	smul.u32 $0xCCCD, s1;
	s8 =	sor.u32 $0x5, s15;
	s21 =	sand.u32 $0xFFFB, s7  }
0x36: {  	s11 =	rddreg [dreg:$0x17];
	s17 =	sand.u32 $0xFFFD, s8;
	s7 =	smul.u32 $0xCCCD, s21  }
0x37: {  	[hbm4b:s11+s9] =	stream.strided.scatter [tilespmem:s24], [sflag:$0xA], $0xA00, s10, s9, $0x38;
	[tilespmem:$0xB400] =	vst v63  }
0x38: {  	s1 =	sshrl.u32 s0, $0x12;
	s0 =	sshrl.u32 s18, $0x12;
	s3 =	smul.u32 $0xCCCD, s17  }
0x39: {  	s5 =	sor.u32 $0x6, s15;
	s12 =	rddreg [dreg:$0x18];
	s11 =	smul.u32 $0x5, s1  }
0x3a: {  	[hbm4b:s12+s9] =	stream.strided.scatter [tilespmem:s31], [sflag:$0xB], $0xA00, s10, s9, $0x38;
	[tilespmem:$0xB400] =	vst v63  }
0x3b: {  	s19 =	sand.u32 $0xFFFE, s5;
	s17 =	smul.u32 $0x320, s0;
	s12 =	sshrl.u32 s7, $0x12  }
0x3c: {  	s6 =	simm.s32 $0x9;
	s23 =	rddreg [dreg:$0x3];
	s14 =	smul.u32 $0x5, s12  }
0x3d: {  	s13 =	rddreg [dreg:$0x19];
	s26 =	sadd.s32 s12, s23;
	s12 =	smul.u32 $0x320, s12  }
0x3e: {  	[hbm4b:s13+s9] =	stream.strided.scatter [tilespmem:s22], [sflag:$0xC], $0xA00, s10, s9, $0x38;
	[tilespmem:$0xB400] =	vst v63  }
0x3f: {  	s6 =	sand.u32 $0xFFF9, s6;
	s9 =	smul.u32 $0xCCCD, s19  }
0x40: {  	s20 =	sshllo.u32 s20, $0x3;
	s10 =	smul.u32 $0xCCCD, s6  }
0x41: {  	s4 =	simm.s32 $0x9;
	s21 =	simm.s32 $0xA;
	s2 =	smul.u32 $0x6400, s26  }
0x42: {  	s11 =	ssub.s32 $0x8, s11;
	s13 =	sor.u32 $0x4, s15;
	s19 =	smul.u32 $0x5, s0  }
0x43: {  	s15 =	sshrl.u32 s3, $0x12;
	s26 =	sand.u32 $0xFFFF, s11;
	s11 =	smul.u32 $0x320, s1  }
0x44: {  	s22 =	simm.s32 $0xC;
	s3 =	simm.s32 $0xD;
	s16 =	smul.u32 $0x5, s15  }
0x45: {  	s6 =	sand.u32 $0xFFFC, s22;
	s18 =	sand.u32 $0xFFFC, s13;
	s23 =	smul.u32 $0xA0, s26  }
0x46: {  	s22 =	sand.u32 $0xFFFF, s20;
	s6 =	smul.u32 $0xCCCD, s6;
	[dreg:$0x6] =	wrdreg s2  }
0x47: {  	s2 =	sand.u32 $0xFFFD, s3;
	s18 =	smul.u32 $0xCCCD, s18;
	_ =	swait.ge [sflag:s4], $0xA00  }
0x48: {  	s11 =	sshrl.u32 s11, $0x2;
	s19 =	ssub.s32 $0xA, s19;
	[sflag:s4] =	ssyncset.done $0x0  }
0x49: {  	s8 =	ssub.s32 s8, s16;
	s19 =	sand.u32 $0xFFFF, s19;
	[sflag:s4] =	ssyncadd.s32 $0xFFFFF600  }
0x4a: {  	s7 =	sshrl.u32 s6, $0x12;
	s6 =	smul.u32 $0xCCCD, s2;
	_ =	swait.ge [sflag:s21], $0xA00  }
0x4b: {  	s2 =	simm.s32 $0xC;
	s8 =	smul.u32 $0x1400, s8;
	[sflag:s21] =	ssyncset.done $0x0  }
0x4c: {  	s3 =	smul.u32 $0x5, s7;
	[sflag:s21] =	ssyncadd.s32 $0xFFFFF600;
	s21 =	simm.s32 $0xB  }
0x4d: {  	s4 =	sshrl.u32 s10, $0x12;
	s28 =	smul.u32 $0x320, s7;
	_ =	swait.ge [sflag:s21], $0xA00  }
0x4e: {  	s10 =	smul.u32 $0x5, s4;
	s3 =	ssub.s32 $0xC, s3;
	[sflag:s21] =	ssyncset.done $0x0  }
0x4f: {  	s18 =	sshrl.u32 s18, $0x12;
	s3 =	smul.u32 $0xA0, s3;
	[sflag:s21] =	ssyncadd.s32 $0xFFFFF600  }
0x50: {  	s21 =	sshrl.u32 s23, $0x2;
	s23 =	smul.u32 $0x320, s4;
	_ =	swait.ge [sflag:s2], $0xA00  }
0x51: {  	s11 =	sadd.s32 s21, s11;
	s21 =	smul.u32 $0xCCCD, s22;
	s22 =	sshrl.u32 s9, $0x12  }
0x52: {  	[sflag:s2] =	ssyncset.done $0x0;
	s9 =	smul.u32 $0x5, s22;
	s16 =	rddreg [dreg:$0x3]  }
0x53: {  	[sflag:s2] =	ssyncadd.s32 $0xFFFFF600;
	s2 =	smul.u32 $0x5, s18;
	s18 =	sadd.s32 s18, s16  }
0x54: {  	[tilespmem:s25], [sflag:$0x1] =	stream.indirect.gather [hbm4b:s30+s29], $0x40, s11, s29, $0xb8;
	[tilespmem:$0xB400] =	vst v63  }
0x55: {  	s25 =	rddreg [dreg:$0x3];
	s11 =	ssub.s32 s13, s2;
	s13 =	smul.u32 $0x6400, s18  }
0x56: {  	s5 =	ssub.s32 s5, s9;
	s15 =	sadd.s32 s15, s25;
	s25 =	smul.u32 $0xA0, s19  }
0x57: {  	s5 =	smul.u32 $0x1400, s5  }
0x58: {  	s11 =	smul.u32 $0x1400, s11  }
0x59: {  	s8 =	sand.u32 $0xFC00, s8;
	s16 =	sshrl.u32 s21, $0x12;
	s18 =	smul.u32 $0x6400, s15  }
0x5a: {  	s10 =	ssub.s32 $0x9, s10;
	s9 =	ssub.s32 $0xB, s14;
	s15 =	smul.u32 $0x5, s16  }
0x5b: {  	s2 =	sand.u32 $0xFFFF, s9;
	s19 =	smul.u32 $0x1400, s19;
	s5 =	sand.u32 $0xFC00, s5  }
0x5c: {  	s11 =	sand.u32 $0xFC00, s11;
	s9 =	sadd.s32 s8, s18;
	s8 =	ssub.s32 s20, s15  }
0x5d: {  	s15 =	smul.u32 $0xA0, s2;
	s21 =	sadd.s32 s11, s13;
	s11 =	rddreg [dreg:$0x3]  }
0x5e: {  	s20 =	sshrl.u32 s23, $0x2;
	s8 =	smul.u32 $0x1400, s8;
	s18 =	sadd.s32 s22, s11  }
0x5f: {  	s22 =	sshrl.u32 s17, $0x2;
	s17 =	sand.u32 $0xFFFF, s10;
	s14 =	smul.u32 $0x6400, s18  }
0x60: {  	s13 =	sshrl.u32 s25, $0x2;
	s4 =	sadd.s32 s4, s11;
	s25 =	smul.u32 $0xA0, s17  }
0x61: {  	s23 =	sadd.s32 s16, s11;
	s0 =	sadd.s32 s0, s11;
	s4 =	smul.u32 $0x6400, s4  }
0x62: {  	s18 =	simm.s32 $0x1;
	s8 =	sand.u32 $0xFC00, s8;
	s16 =	smul.u32 $0x6400, s0  }
0x63: {  	s0 =	simm.s32 $0xF;
	s10 =	sadd.s32 s5, s14;
	s5 =	sadd.s32 s13, s22  }
0x64: {  	s22 =	sshrl.u32 s25, $0x2;
	s25 =	smul.u32 $0x6400, s23;
	s13 =	sshrl.u32 s15, $0x2  }
0x65: {  	s15 =	smul.u32 $0x1400, s17;
	s7 =	sadd.s32 s22, s20;
	s22 =	sshrl.u32 s6, $0x12  }
0x66: {  	[tilespmem:s24], [sflag:$0x2] =	stream.indirect.gather [hbm4b:s30+s29], $0x40, s7, s29, $0xb8;
	[tilespmem:$0xB400] =	vst v63  }
0x67: {  	s20 =	sshrl.u32 s12, $0x2;
	s12 =	sshrl.u32 s21, $0x3;
	s14 =	sadd.s32 s8, s25  }
0x68: {  	s25 =	simm.s32 $0xE;
	s17 =	sadd.s32 s15, s4;
	s4 =	sadd.s32 s13, s20  }
0x69: {  	s23 =	smul.u32 $0x5, s22;
	s20 =	sadd.s32 s19, s16;
	s8 =	sadd.s32 s1, s11  }
0x6a: {  	[tilespmem:s31], [sflag:$0x3] =	stream.indirect.gather [hbm4b:s30+s29], $0x40, s5, s29, $0xb8;
	[tilespmem:$0xB400] =	vst v63  }
0x6b: {  	s6 =	sshrl.u32 s17, $0x3;
	s31 =	sand.u32 $0xFFFE, s25;
	s30 =	smul.u32 $0x1400, s26  }
0x6c: {  	s29 =	sand.u32 $0xFFE0, s3;
	s24 =	ssub.s32 $0xD, s23;
	[dreg:$0x7] =	wrdreg s6  }
0x6d: {  	s3 =	sand.u32 $0xFFFF, s0;
	s1 =	smul.u32 $0xA0, s24;
	[dreg:$0x8] =	wrdreg s30  }
.LBB2_2:
0x6e: {  	s7 =	rddreg [dreg:$0x4];
	s5 =	simm.s32 $0x28;
	s6 =	simm.s32 $0x8200  }
0x6f: {  	s13 =	smov.u32 s18;
	p0 =	sne.s32 s18, $0x4E;
	s2 =	smul.u32 $0x1400, s2  }
0x70: {  	s30 =	simm.s32 $0x5;
	s3 =	smul.u32 $0xCCCD, s3;
	s17 =	simm.s32 $0x7  }
0x71: {  	s19 =	sshrl.u32 s9, $0x3;
	s21 =	simm.s32 $0x8;
	s23 =	sshrl.u32 s10, $0x3  }
0x72: {  	[tilespmem:s6], [sflag:$0x4] =	stream.indirect.gather [hbm4b:s7+s5], $0x40, s4, s5, $0xb8;
	[tilespmem:$0xB400] =	vst v63  }
0x73: {  	s8 =	smul.u32 $0x6400, s8;
	s1 =	sand.u32 $0xFFE0, s1;
	s6 =	simm.s32 $0x6  }
0x74: {  	_ =	swait.ge [sflag:s30], $0xA00;
	[dreg:$0xf] =	wrdreg s1;
	s3 =	sshrl.u32 s3, $0x12  }
0x75: {  	s1 =	sadd.s32 $0x1, s18;
	[sflag:s30] =	ssyncset.done $0x0;
	s18 =	smul.u32 $0x5, s3  }
0x76: {  	[dreg:$0xa] =	wrdreg s1;
	s3 =	smul.u32 $0x320, s3;
	[sflag:s30] =	ssyncadd.s32 $0xFFFFF600  }
0x77: {  	s4 =	smul.u32 $0xCCCD, s31;
	_ =	swait.ge [sflag:s6], $0xA00;
	s0 =	ssub.s32 s0, s18  }
0x78: {  	s18 =	simm.s32 $0x80;
	s3 =	sshrl.u32 s3, $0x2;
	s15 =	rddreg [dreg:$0x6]  }
0x79: {  	[sflag:s6] =	ssyncset.done $0x0;
	s0 =	smul.u32 $0xA0, s0;
	s1 =	sadd.s32 s2, s15  }
0x7a: {  	s2 =	sshrl.u32 s4, $0x12;
	[sflag:s6] =	ssyncadd.s32 $0xFFFFF600;
	s1 =	sshrl.u32 s1, $0x3  }
0x7b: {  	s16 =	smul.u32 $0x5, s2;
	s0 =	sand.u32 $0xFFE0, s0;
	[dreg:$0x9] =	wrdreg s1  }
0x7c: {  	s2 =	smul.u32 $0x320, s2;
	s0 =	sshrl.u32 s0, $0x2;
	_ =	swait.ge [sflag:s17], $0xA00  }
0x7d: {  	s1 =	ssub.s32 s25, s16;
	s25 =	sshrl.u32 s14, $0x3;
	s16 =	simm.s32 $0x8C00  }
0x7e: {  	s14 =	simm.s32 $0x40;
	[sflag:s17] =	ssyncset.done $0x0;
	s30 =	rddreg [dreg:$0x5]  }
0x7f: {  	s1 =	smul.u32 $0xA0, s1;
	[sflag:s17] =	ssyncadd.s32 $0xFFFFF600;
	s5 =	sadd.s32 s30, s19  }
0x80: {  	s24 =	sadd.s32 s30, s23;
	s15 =	sadd.s32 s30, s12;
	s6 =	sadd.s32 s30, s25  }
0x81: {  	s17 =	simm.s32 $0x9600;
	s19 =	smul.u32 $0x320, s22;
	s12 =	sadd.s32 s0, s3  }
0x82: {  	s22 =	simm.s32 $0xA000;
	s23 =	sshrl.u32 s20, $0x3;
	s0 =	sshll.u32 s13, $0x3  }
0x83: {  	_ =	swait.ge [sflag:s21], $0xA00;
	s1 =	sand.u32 $0xFFE0, s1;
	[dreg:$0x13] =	wrdreg s8  }
0x84: {  	s8 =	sadd.s32 $0x8, s0;
	s4 =	sadd.s32 s30, s23;
	[sflag:s21] =	ssyncset.done $0x0  }
0x85: {  	s26 =	sshrl.u32 s1, $0x2;
	s1 =	sshrl.u32 s28, $0x2;
	s3 =	sshrl.u32 s19, $0x2  }
0x86: {  	s19 =	simm.s32 $0xD;
	s25 =	sand.u32 $0xFFF8, s8;
	s28 =	sor.u32 $0x4, s0  }
0x87: {  	[sflag:s21] =	ssyncadd.s32 $0xFFFFF600;
	s21 =	sshrl.u32 s2, $0x2;
	s2 =	smov.u32 s13  }
0x88: {  	[hbm4b:s15+s14] =	stream.strided.scatter [tilespmem:s16], [sflag:$0xD], $0xA00, s18, s14, $0x38;
	[tilespmem:$0xB400] =	vst v63  }
0x89: {  	s13 =	sand.u32 $0xFFFC, s28;
	s9 =	sadd.s32 s26, s21;
	s16 =	sadd.s32 $0xA, s0  }
0x8a: {  	[hbm4b:s5+s14] =	stream.strided.scatter [tilespmem:s17], [sflag:$0xE], $0xA00, s18, s14, $0x38;
	[tilespmem:$0xB400] =	vst v63  }
0x8b: {  	s21 =	sor.u32 $0x6, s0;
	s15 =	sadd.s32 $0xB, s0;
	s17 =	sand.u32 $0xFFFA, s16  }
0x8c: {  	[hbm4b:s24+s14] =	stream.strided.scatter [tilespmem:s22], [sflag:$0xF], $0xA00, s18, s14, $0x38;
	[tilespmem:$0xB400] =	vst v63  }
0x8d: {  	s5 =	sshrl.u32 s29, $0x2;
	s17 =	smul.u32 $0xCCCD, s17;
	s24 =	simm.s32 $0xAA00  }
0x8e: {  	[hbm4b:s6+s14] =	stream.strided.scatter [tilespmem:s24], [sflag:$0x10], $0xA00, s18, s14, $0x38;
	[tilespmem:$0xB400] =	vst v63  }
0x8f: {  	s5 =	sadd.s32 s5, s1;
	s22 =	simm.s32 $0xE;
	s6 =	smul.u32 $0xCCCD, s25  }
0x90: {  	_ =	swait.ge [sflag:s19], $0xA00;
	[dreg:$0xe] =	wrdreg s4;
	s4 =	sor.u32 $0x5, s0  }
0x91: {  	[dreg:$0xc] =	wrdreg s21;
	s26 =	sand.u32 $0xFFFD, s4;
	[sflag:s19] =	ssyncset.done $0x0  }
0x92: {  	s23 =	sshrl.u32 s6, $0x12;
	[sflag:s19] =	ssyncadd.s32 $0xFFFFF600;
	s20 =	smul.u32 $0xCCCD, s26  }
0x93: {  	s19 =	sand.u32 $0xFFFE, s21;
	s21 =	sadd.s32 $0x9, s0;
	s29 =	smul.u32 $0x5, s23  }
0x94: {  	_ =	swait.ge [sflag:s22], $0xA00;
	s24 =	sand.u32 $0xFFF9, s21;
	s10 =	smul.u32 $0xCCCD, s19  }
0x95: {  	s25 =	simm.s32 $0xF;
	[sflag:s22] =	ssyncset.done $0x0;
	s31 =	smul.u32 $0xCCCD, s24  }
0x96: {  	s6 =	sshrl.u32 s20, $0x12;
	s20 =	simm.s32 $0x10;
	[dreg:$0x11] =	wrdreg s10  }
0x97: {  	[sflag:s22] =	ssyncadd.s32 $0xFFFFF600;
	s22 =	sshrl.u32 s17, $0x12;
	s10 =	sand.u32 $0xFFFB, s15  }
0x98: {  	s17 =	sadd.s32 $0xC, s0;
	_ =	swait.ge [sflag:s25], $0xA00;
	s24 =	smul.u32 $0xCCCD, s10  }
0x99: {  	s26 =	sand.u32 $0xFFFC, s17;
	s1 =	smul.u32 $0x320, s22;
	[sflag:s25] =	ssyncset.done $0x0  }
0x9a: {  	s10 =	smov.u32 s23;
	s26 =	smul.u32 $0xCCCD, s26;
	[sflag:s25] =	ssyncadd.s32 $0xFFFFF600  }
0x9b: {  	s19 =	sshrl.u32 s24, $0x12;
	s24 =	sadd.s32 $0xD, s0;
	s1 =	sshrl.u32 s1, $0x2  }
0x9c: {  	_ =	swait.ge [sflag:s20], $0xA00;
	[dreg:$0xb] =	wrdreg s24;
	s25 =	smul.u32 $0x5, s19  }
0x9d: {  	s23 =	sadd.s32 s19, s11;
	s11 =	ssub.s32 s8, s29;
	s8 =	sand.u32 $0xFFFD, s24  }
0x9e: {  	s24 =	simm.s32 $0x8C00;
	s29 =	sshrl.u32 s26, $0x12;
	s23 =	smul.u32 $0x6400, s23  }
0x9f: {  	[sflag:s20] =	ssyncset.done $0x0;
	s26 =	smul.u32 $0xCCCD, s8;
	s8 =	simm.s32 $0x9600  }
0xa0: {  	[sflag:s20] =	ssyncadd.s32 $0xFFFFF600;
	s20 =	simm.s32 $0x28;
	[dreg:$0x6] =	wrdreg s23  }
0xa1: {  	s23 =	ssub.s32 s15, s25;
	s15 =	smul.u32 $0x5, s6;
	s25 =	rddreg [dreg:$0xf]  }
0xa2: {  	[tilespmem:s24], [sflag:$0x5] =	stream.indirect.gather [hbm4b:s7+s20], $0x40, s5, s20, $0xb8;
	[tilespmem:$0xB400] =	vst v63  }
0xa3: {  	[dreg:$0xd] =	wrdreg s26;
	s24 =	smul.u32 $0x5, s29;
	s25 =	sshrl.u32 s25, $0x2  }
0xa4: {  	s5 =	simm.s32 $0xA000;
	s3 =	sadd.s32 s25, s3;
	s26 =	ssub.s32 s4, s15  }
0xa5: {  	s25 =	sadd.s32 $0xE, s0;
	s15 =	sshllo.u32 s2, $0x3;
	s17 =	ssub.s32 s17, s24  }
0xa6: {  	[tilespmem:s8], [sflag:$0x6] =	stream.indirect.gather [hbm4b:s7+s20], $0x40, s3, s20, $0xb8;
	[tilespmem:$0xB400] =	vst v63  }
0xa7: {  	s4 =	sshrl.u32 s31, $0x12;
	s2 =	sand.u32 $0xFFFF, s23;
	s8 =	smul.u32 $0x5, s22  }
0xa8: {  	s0 =	sadd.s32 $0xF, s0;
	s24 =	sand.u32 $0xFFFF, s15;
	s3 =	smul.u32 $0x5, s4  }
0xa9: {  	[tilespmem:s5], [sflag:$0x7] =	stream.indirect.gather [hbm4b:s7+s20], $0x40, s9, s20, $0xb8;
	[tilespmem:$0xB400] =	vst v63  }
0xaa: {  	s31 =	sand.u32 $0xFFFE, s25;
	s17 =	smul.u32 $0xA0, s17;
	s9 =	simm.s32 $0xAA00  }
0xab: {  	[tilespmem:s9], [sflag:$0x8] =	stream.indirect.gather [hbm4b:s7+s20], $0x40, s12, s20, $0xb8;
	[tilespmem:$0xB400] =	vst v63  }
0xac: {  	s5 =	ssub.s32 s16, s8;
	s16 =	smul.u32 $0x320, s4;
	s12 =	simm.s32 $0x1  }
0xad: {  	s8 =	ssub.s32 s21, s3;
	s21 =	smul.u32 $0x320, s19;
	_ =	swait.ge [sflag:s12], $0xA00  }
0xae: {  	s19 =	smul.u32 $0xCCCD, s13;
	[dreg:$0x14] =	wrdreg s16;
	[sflag:s12] =	ssyncset.done $0x0  }
0xaf: {  	s16 =	smul.u32 $0xCCCD, s24;
	s24 =	simm.s32 $0x2;
	[sflag:s12] =	ssyncadd.s32 $0xFFFFF600  }
0xb0: {  	s8 =	sand.u32 $0xFFFF, s8;
	_ =	swait.ge [sflag:s24], $0xA00;
	[dreg:$0x10] =	wrdreg s21  }
0xb1: {  	s20 =	sand.u32 $0xFFFF, s11;
	s9 =	sshrl.u32 s16, $0x12;
	s11 =	rddreg [dreg:$0x8]  }
0xb2: {  	s19 =	sshrl.u32 s19, $0x12;
	s3 =	smul.u32 $0x5, s9;
	s12 =	rddreg [dreg:$0x13]  }
0xb3: {  	s21 =	simm.s32 $0x3;
	[sflag:s24] =	ssyncset.done $0x0;
	s12 =	sadd.s32 s11, s12  }
0xb4: {  	[sflag:s24] =	ssyncadd.s32 $0xFFFFF600;
	s24 =	smul.u32 $0xA0, s2;
	s3 =	ssub.s32 s15, s3  }
0xb5: {  	s15 =	simm.s32 $0x6E00;
	_ =	swait.ge [sflag:s21], $0xA00;
	s12 =	sshrl.u32 s12, $0x3  }
0xb6: {  	s3 =	smul.u32 $0x1400, s3;
	s23 =	rddreg [dreg:$0x3];
	[sflag:s21] =	ssyncset.done $0x0  }
0xb7: {  	s24 =	sshrl.u32 s24, $0x2;
	s13 =	rddreg [dreg:$0x3];
	s12 =	sadd.s32 s30, s12  }
0xb8: {  	s16 =	sadd.s32 s9, s23;
	[dreg:$0x12] =	wrdreg s24;
	[sflag:s21] =	ssyncadd.s32 $0xFFFFF600  }
0xb9: {  	s21 =	sadd.s32 s19, s13;
	s19 =	smul.u32 $0x5, s19;
	s24 =	simm.s32 $0x4  }
0xba: {  	s23 =	sand.u32 $0xFFFF, s5;
	s13 =	simm.s32 $0x6400;
	s21 =	smul.u32 $0x6400, s21  }
0xbb: {  	s3 =	sand.u32 $0xFC00, s3;
	_ =	swait.ge [sflag:s24], $0xA00;
	s5 =	smul.u32 $0xA0, s23  }
0xbc: {  	[sflag:s24] =	ssyncset.done $0x0;
	s19 =	ssub.s32 s28, s19;
	s11 =	rddreg [dreg:$0x7]  }
0xbd: {  	[sflag:s24] =	ssyncadd.s32 $0xFFFFF600;
	s24 =	smov.u32 s10;
	s5 =	sshrl.u32 s5, $0x2  }
0xbe: {  	s28 =	sadd.s32 s30, s11;
	s11 =	rddreg [dreg:$0x9];
	s9 =	smul.u32 $0x1400, s19  }
0xbf: {  	[hbm4b:s12+s14] =	stream.strided.scatter [tilespmem:s13], [sflag:$0x9], $0xA00, s18, s14, $0x38;
	[tilespmem:$0xB400] =	vst v63  }
0xc0: {  	s12 =	smul.u32 $0x320, s10;
	s10 =	simm.s32 $0x6E00;
	s11 =	sadd.s32 s30, s11  }
0xc1: {  	[hbm4b:s28+s14] =	stream.strided.scatter [tilespmem:s10], [sflag:$0xA], $0xA00, s18, s14, $0x38;
	[tilespmem:$0xB400] =	vst v63  }
0xc2: {  	s30 =	simm.s32 $0x7800;
	s1 =	sadd.s32 s5, s1;
	s10 =	rddreg [dreg:$0xe]  }
0xc3: {  	[hbm4b:s10+s14] =	stream.strided.scatter [tilespmem:s30], [sflag:$0xB], $0xA00, s18, s14, $0x38;
	[tilespmem:$0xB400] =	vst v63  }
0xc4: {  	s9 =	sand.u32 $0xFC00, s9;
	s28 =	smul.u32 $0xA0, s20;
	s10 =	rddreg [dreg:$0x3]  }
0xc5: {  	s12 =	sshrl.u32 s12, $0x2;
	s6 =	sadd.s32 s6, s10;
	s10 =	simm.s32 $0x8200  }
0xc6: {  	[hbm4b:s11+s14] =	stream.strided.scatter [tilespmem:s10], [sflag:$0xC], $0xA00, s18, s14, $0x38;
	[tilespmem:$0xB400] =	vst v63  }
0xc7: {  	s21 =	sadd.s32 s9, s21;
	s11 =	sshrl.u32 s28, $0x2;
	s28 =	smul.u32 $0x320, s29  }
0xc8: {  	s18 =	rddreg [dreg:$0xa];
	s14 =	simm.s32 $0x9;
	s6 =	smul.u32 $0x6400, s6  }
0xc9: {  	s29 =	sand.u32 $0xFFE0, s17;
	s17 =	smul.u32 $0xA0, s8;
	_ =	swait.ge [sflag:s14], $0xA00  }
0xca: {  	s11 =	sadd.s32 s11, s12;
	s12 =	smul.u32 $0x1400, s26;
	s19 =	rddreg [dreg:$0x11]  }
0xcb: {  	[sflag:s14] =	ssyncset.done $0x0;
	s10 =	sshrl.u32 s19, $0x12;
	s19 =	rddreg [dreg:$0x3]  }
0xcc: {  	[sflag:s14] =	ssyncadd.s32 $0xFFFFF600;
	s14 =	simm.s32 $0xA;
	s12 =	sand.u32 $0xFC00, s12  }
0xcd: {  	s4 =	sadd.s32 s4, s19;
	s19 =	smul.u32 $0x5, s10;
	_ =	swait.ge [sflag:s14], $0xA00  }
0xce: {  	s9 =	sadd.s32 s12, s6;
	s4 =	smul.u32 $0x6400, s4;
	s26 =	rddreg [dreg:$0x3]  }
0xcf: {  	[sflag:s14] =	ssyncset.done $0x0;
	s10 =	sadd.s32 s10, s26;
	s26 =	rddreg [dreg:$0xc]  }
0xd0: {  	[sflag:s14] =	ssyncadd.s32 $0xFFFFF600;
	s19 =	ssub.s32 s26, s19;
	s26 =	simm.s32 $0xB  }
0xd1: {  	s12 =	sshrl.u32 s21, $0x3;
	s14 =	smul.u32 $0x6400, s16;
	_ =	swait.ge [sflag:s26], $0xA00  }
0xd2: {  	s16 =	simm.s32 $0x6400;
	s19 =	smul.u32 $0x1400, s19;
	[sflag:s26] =	ssyncset.done $0x0  }
0xd3: {  	s10 =	smul.u32 $0x6400, s10;
	[sflag:s26] =	ssyncadd.s32 $0xFFFFF600;
	s26 =	simm.s32 $0xC  }
0xd4: {  	s14 =	sadd.s32 s3, s14;
	s6 =	sand.u32 $0xFC00, s19;
	_ =	swait.ge [sflag:s26], $0xA00  }
0xd5: {  	s3 =	sand.u32 $0xFFFF, s0;
	s10 =	sadd.s32 s6, s10;
	s21 =	rddreg [dreg:$0x3]  }
0xd6: {  	s6 =	sshrl.u32 s17, $0x2;
	[sflag:s26] =	ssyncset.done $0x0;
	s19 =	rddreg [dreg:$0x14]  }
0xd7: {  	s17 =	rddreg [dreg:$0xd];
	[sflag:s26] =	ssyncadd.s32 $0xFFFFF600;
	s5 =	sadd.s32 s22, s21  }
0xd8: {  	s22 =	simm.s32 $0x28;
	s21 =	smul.u32 $0x1400, s8;
	s26 =	simm.s32 $0x6E00  }
0xd9: {  	[tilespmem:s13], [sflag:$0x1] =	stream.indirect.gather [hbm4b:s7+s22], $0x40, s11, s22, $0xb8;
	[tilespmem:$0xB400] =	vst v63  }
0xda: {  	s11 =	sshrl.u32 s19, $0x2;
	s13 =	simm.s32 $0x28;
	s5 =	smul.u32 $0x6400, s5  }
0xdb: {  	s6 =	sadd.s32 s6, s11;
	s11 =	rddreg [dreg:$0x3];
	s4 =	sadd.s32 s21, s4  }
0xdc: {  	[tilespmem:s26], [sflag:$0x2] =	stream.indirect.gather [hbm4b:s7+s22], $0x40, s6, s22, $0xb8;
	[tilespmem:$0xB400] =	vst v63  }
0xdd: {  	s21 =	smul.u32 $0x1400, s23;
	s23 =	rddreg [dreg:$0x10];
	s22 =	sshrl.u32 s17, $0x12  }
0xde: {  	s17 =	simm.s32 $0x7800;
	s4 =	sshrl.u32 s4, $0x3;
	s26 =	smul.u32 $0x1400, s20  }
.Ltmp0:
0xdf: {  	s8 =	sadd.s32 s24, s11;
	s24 =	rddreg [dreg:$0xb];
	(pc) =	sbr.rel @p0 .LBB2_2-.Ltmp0, $4  }
0xe0: {  	s19 =	smul.u32 $0x5, s22;
	[dreg:$0x7] =	wrdreg s4;
	s4 =	sshrl.u32 s23, $0x2  }
0xe1: {  	[tilespmem:s30], [sflag:$0x3] =	stream.indirect.gather [hbm4b:s7+s13], $0x40, s1, s13, $0xb8;
	[tilespmem:$0xB400] =	vst v63  }
0xe2: {  	s20 =	sadd.s32 s21, s5;
	s30 =	rddreg [dreg:$0x12];
	s1 =	ssub.s32 s24, s19  }
0xe3: {  	[dreg:$0x8] =	wrdreg s26;
	s4 =	sadd.s32 s30, s4;
	s1 =	smul.u32 $0xA0, s1  }
0xe4: {  	s7 =	rddreg [dreg:$0x4]  }
0xe5: {  	s13 =	simm.s32 $0x28;
	s5 =	simm.s32 $0x8200;
	s18 =	simm.s32 $0x5  }
0xe6: {  	[tilespmem:s5], [sflag:$0x4] =	stream.indirect.gather [hbm4b:s7+s13], $0x40, s4, s13, $0xb8;
	[tilespmem:$0xB400] =	vst v63  }
0xe7: {  	_ =	swait.ge [sflag:s18], $0xA00  }
0xe8: {  	[sflag:s18] =	ssyncset.done $0x0  }
0xe9: {  	s26 =	simm.s32 $0x6;
	[sflag:s18] =	ssyncadd.s32 $0xFFFFF600  }
0xea: {  	_ =	swait.ge [sflag:s26], $0xA00  }
0xeb: {  	[sflag:s26] =	ssyncset.done $0x0  }
0xec: {  	s24 =	simm.s32 $0x7;
	[sflag:s26] =	ssyncadd.s32 $0xFFFFF600  }
0xed: {  	_ =	swait.ge [sflag:s24], $0xA00  }
0xee: {  	[sflag:s24] =	ssyncset.done $0x0  }
0xef: {  	s30 =	simm.s32 $0x8;
	[sflag:s24] =	ssyncadd.s32 $0xFFFFF600  }
0xf0: {  	s6 =	simm.s32 $0x8C00;
	s19 =	simm.s32 $0x40;
	_ =	swait.ge [sflag:s30], $0xA00  }
0xf1: {  	s21 =	simm.s32 $0x80;
	[sflag:s30] =	ssyncset.done $0x0;
	s23 =	rddreg [dreg:$0x5]  }
0xf2: {  	s11 =	sshrl.u32 s9, $0x3;
	[sflag:s30] =	ssyncadd.s32 $0xFFFFF600;
	s5 =	sadd.s32 s23, s12  }
0xf3: {  	[hbm4b:s5+s19] =	stream.strided.scatter [tilespmem:s6], [sflag:$0xD], $0xA00, s21, s19, $0x38;
	[tilespmem:$0xB400] =	vst v63  }
0xf4: {  	s4 =	sadd.s32 s23, s11;
	s12 =	simm.s32 $0x9600;
	s6 =	sshrl.u32 s10, $0x3  }
0xf5: {  	[hbm4b:s4+s19] =	stream.strided.scatter [tilespmem:s12], [sflag:$0xE], $0xA00, s21, s19, $0x38;
	[tilespmem:$0xB400] =	vst v63  }
0xf6: {  	s9 =	simm.s32 $0xA000;
	s10 =	sshrl.u32 s14, $0x3;
	s4 =	sadd.s32 s23, s6  }
0xf7: {  	[hbm4b:s4+s19] =	stream.strided.scatter [tilespmem:s9], [sflag:$0xF], $0xA00, s21, s19, $0x38;
	[tilespmem:$0xB400] =	vst v63  }
0xf8: {  	s14 =	simm.s32 $0xAA00;
	s4 =	sadd.s32 s23, s10;
	s9 =	simm.s32 $0xD  }
0xf9: {  	[hbm4b:s4+s19] =	stream.strided.scatter [tilespmem:s14], [sflag:$0x10], $0xA00, s21, s19, $0x38;
	[tilespmem:$0xB400] =	vst v63  }
0xfa: {  	_ =	swait.ge [sflag:s9], $0xA00  }
0xfb: {  	[sflag:s9] =	ssyncset.done $0x0  }
0xfc: {  	s12 =	simm.s32 $0xE;
	[sflag:s9] =	ssyncadd.s32 $0xFFFFF600  }
0xfd: {  	_ =	swait.ge [sflag:s12], $0xA00  }
0xfe: {  	[sflag:s12] =	ssyncset.done $0x0  }
0xff: {  	s3 =	smul.u32 $0xCCCD, s3;
	s10 =	simm.s32 $0xF;
	[sflag:s12] =	ssyncadd.s32 $0xFFFFF600  }
0x100: {  	s28 =	sshrl.u32 s28, $0x2;
	s1 =	sand.u32 $0xFFE0, s1;
	_ =	swait.ge [sflag:s10], $0xA00  }
0x101: {  	s1 =	sshrl.u32 s1, $0x2;
	s3 =	sshrl.u32 s3, $0x12;
	[sflag:s10] =	ssyncset.done $0x0  }
0x102: {  	s11 =	smul.u32 $0xCCCD, s31;
	s31 =	simm.s32 $0x10;
	[sflag:s10] =	ssyncadd.s32 $0xFFFFF600  }
0x103: {  	s6 =	sshrl.u32 s29, $0x2;
	s29 =	smul.u32 $0x320, s22;
	_ =	swait.ge [sflag:s31], $0xA00  }
0x104: {  	s5 =	sadd.s32 s6, s28;
	s4 =	sshrl.u32 s11, $0x12;
	[sflag:s31] =	ssyncset.done $0x0  }
0x105: {  	s28 =	simm.s32 $0x8C00;
	s11 =	smul.u32 $0x5, s4;
	[sflag:s31] =	ssyncadd.s32 $0xFFFFF600  }
0x106: {  	[tilespmem:s28], [sflag:$0x5] =	stream.indirect.gather [hbm4b:s7+s13], $0x40, s5, s13, $0xb8;
	[tilespmem:$0xB400] =	vst v63  }
0x107: {  	s6 =	sshrl.u32 s29, $0x2;
	s5 =	ssub.s32 s25, s11;
	s11 =	smul.u32 $0x5, s3  }
0x108: {  	s1 =	sadd.s32 s1, s6;
	s6 =	simm.s32 $0x9600;
	s5 =	smul.u32 $0xA0, s5  }
0x109: {  	[tilespmem:s6], [sflag:$0x6] =	stream.indirect.gather [hbm4b:s7+s13], $0x40, s1, s13, $0xb8;
	[tilespmem:$0xB400] =	vst v63  }
0x10a: {  	s4 =	smul.u32 $0x320, s4;
	s0 =	ssub.s32 s0, s11  }
0x10b: {  	s5 =	sand.u32 $0xFFE0, s5;
	s0 =	smul.u32 $0xA0, s0  }
0x10c: {  	s4 =	sshrl.u32 s4, $0x2;
	s25 =	smul.u32 $0x320, s3;
	s5 =	sshrl.u32 s5, $0x2  }
0x10d: {  	s22 =	sadd.s32 s5, s4;
	s5 =	simm.s32 $0xA000;
	s0 =	sand.u32 $0xFFE0, s0  }
0x10e: {  	[tilespmem:s5], [sflag:$0x7] =	stream.indirect.gather [hbm4b:s7+s13], $0x40, s22, s13, $0xb8;
	[tilespmem:$0xB400] =	vst v63  }
0x10f: {  	s1 =	sshrl.u32 s25, $0x2;
	s0 =	sshrl.u32 s0, $0x2  }
0x110: {  	s29 =	simm.s32 $0x1;
	s0 =	sadd.s32 s0, s1  }
0x111: {  	[tilespmem:s14], [sflag:$0x8] =	stream.indirect.gather [hbm4b:s7+s13], $0x40, s0, s13, $0xb8;
	[tilespmem:$0xB400] =	vst v63  }
0x112: {  	_ =	swait.ge [sflag:s29], $0xA00  }
0x113: {  	[sflag:s29] =	ssyncset.done $0x0  }
0x114: {  	s1 =	simm.s32 $0x2;
	[sflag:s29] =	ssyncadd.s32 $0xFFFFF600  }
0x115: {  	_ =	swait.ge [sflag:s1], $0xA00  }
0x116: {  	[sflag:s1] =	ssyncset.done $0x0  }
0x117: {  	s3 =	simm.s32 $0x3;
	[sflag:s1] =	ssyncadd.s32 $0xFFFFF600  }
0x118: {  	_ =	swait.ge [sflag:s3], $0xA00  }
0x119: {  	s4 =	smul.u32 $0x6400, s8;
	[sflag:s3] =	ssyncset.done $0x0  }
0x11a: {  	s8 =	simm.s32 $0x4;
	s7 =	rddreg [dreg:$0x8];
	[sflag:s3] =	ssyncadd.s32 $0xFFFFF600  }
0x11b: {  	s0 =	sadd.s32 s7, s4;
	_ =	swait.ge [sflag:s8], $0xA00  }
0x11c: {  	s0 =	sshrl.u32 s0, $0x3;
	[sflag:s8] =	ssyncset.done $0x0  }
0x11d: {  	s0 =	sadd.s32 s23, s0;
	s11 =	rddreg [dreg:$0x7];
	[sflag:s8] =	ssyncadd.s32 $0xFFFFF600  }
0x11e: {  	[hbm4b:s0+s19] =	stream.strided.scatter [tilespmem:s16], [sflag:$0x9], $0xA00, s21, s19, $0x38;
	[tilespmem:$0xB400] =	vst v63  }
0x11f: {  	s13 =	smul.u32 $0x1400, s2;
	s0 =	sadd.s32 s23, s11;
	s16 =	rddreg [dreg:$0x6]  }
0x120: {  	[hbm4b:s0+s19] =	stream.strided.scatter [tilespmem:s15], [sflag:$0xA], $0xA00, s21, s19, $0x38;
	[tilespmem:$0xB400] =	vst v63  }
0x121: {  	s15 =	sshrl.u32 s20, $0x3;
	s0 =	sadd.s32 s13, s16  }
0x122: {  	s1 =	sadd.s32 s23, s15;
	s0 =	sshrl.u32 s0, $0x3  }
0x123: {  	[hbm4b:s1+s19] =	stream.strided.scatter [tilespmem:s17], [sflag:$0xB], $0xA00, s21, s19, $0x38;
	[tilespmem:$0xB400] =	vst v63  }
0x124: {  	s0 =	sadd.s32 s23, s0;
	s17 =	simm.s32 $0x8200  }
0x125: {  	[hbm4b:s0+s19] =	stream.strided.scatter [tilespmem:s17], [sflag:$0xC], $0xA00, s21, s19, $0x38;
	[tilespmem:$0xB400] =	vst v63  }
0x126: {  	_ =	swait.ge [sflag:s18], $0xA00  }
0x127: {  	[sflag:s18] =	ssyncset.done $0x0  }
0x128: {  	[sflag:s18] =	ssyncadd.s32 $0xFFFFF600  }
0x129: {  	_ =	swait.ge [sflag:s26], $0xA00  }
0x12a: {  	[sflag:s26] =	ssyncset.done $0x0  }
0x12b: {  	[sflag:s26] =	ssyncadd.s32 $0xFFFFF600  }
0x12c: {  	_ =	swait.ge [sflag:s24], $0xA00  }
0x12d: {  	[sflag:s24] =	ssyncset.done $0x0  }
0x12e: {  	[sflag:s24] =	ssyncadd.s32 $0xFFFFF600  }
0x12f: {  	_ =	swait.ge [sflag:s30], $0xA00  }
0x130: {  	[sflag:s30] =	ssyncset.done $0x0  }
0x131: {  	s18 =	rddreg [dreg:$0x1a];
	[sflag:s30] =	ssyncadd.s32 $0xFFFFF600  }
0x132: {  	[hbm4b:s18+s19] =	stream.strided.scatter [tilespmem:s28], [sflag:$0xD], $0xA00, s21, s19, $0x38;
	[tilespmem:$0xB400] =	vst v63  }
0x133: {  	s20 =	rddreg [dreg:$0x1b]  }
0x134: {  	[hbm4b:s20+s19] =	stream.strided.scatter [tilespmem:s6], [sflag:$0xE], $0xA00, s21, s19, $0x38;
	[tilespmem:$0xB400] =	vst v63  }
0x135: {  	s22 =	rddreg [dreg:$0x1c]  }
0x136: {  	[hbm4b:s22+s19] =	stream.strided.scatter [tilespmem:s5], [sflag:$0xF], $0xA00, s21, s19, $0x38;
	[tilespmem:$0xB400] =	vst v63  }
0x137: {  	s24 =	simm.s32 $0x9;
	s23 =	rddreg [dreg:$0x1d]  }
0x138: {  	[hbm4b:s23+s19] =	stream.strided.scatter [tilespmem:s14], [sflag:$0x10], $0xA00, s21, s19, $0x38;
	[tilespmem:$0xB400] =	vst v63  }
0x139: {  	_ =	swait.ge [sflag:s24], $0xA00  }
0x13a: {  	[sflag:s24] =	ssyncset.done $0x0  }
0x13b: {  	s25 =	simm.s32 $0xA;
	[sflag:s24] =	ssyncadd.s32 $0xFFFFF600  }
0x13c: {  	_ =	swait.ge [sflag:s25], $0xA00  }
0x13d: {  	[sflag:s25] =	ssyncset.done $0x0  }
0x13e: {  	s26 =	simm.s32 $0xB;
	[sflag:s25] =	ssyncadd.s32 $0xFFFFF600  }
0x13f: {  	_ =	swait.ge [sflag:s26], $0xA00  }
0x140: {  	[sflag:s26] =	ssyncset.done $0x0  }
0x141: {  	s28 =	simm.s32 $0xC;
	[sflag:s26] =	ssyncadd.s32 $0xFFFFF600  }
0x142: {  	_ =	swait.ge [sflag:s28], $0xA00  }
0x143: {  	[sflag:s28] =	ssyncset.done $0x0  }
0x144: {  	[sflag:s28] =	ssyncadd.s32 $0xFFFFF600  }
0x145: {  	_ =	swait.ge [sflag:s9], $0xA00  }
0x146: {  	[sflag:s9] =	ssyncset.done $0x0  }
0x147: {  	[sflag:s9] =	ssyncadd.s32 $0xFFFFF600  }
0x148: {  	_ =	swait.ge [sflag:s12], $0xA00  }
0x149: {  	[sflag:s12] =	ssyncset.done $0x0  }
0x14a: {  	[sflag:s12] =	ssyncadd.s32 $0xFFFFF600  }
0x14b: {  	_ =	swait.ge [sflag:s10], $0xA00  }
0x14c: {  	[sflag:s10] =	ssyncset.done $0x0  }
0x14d: {  	[sflag:s10] =	ssyncadd.s32 $0xFFFFF600  }
0x14e: {  	_ =	swait.ge [sflag:s31], $0xA00  }
0x14f: {  	s29 =	rddreg [dreg:$0x1f]  }
0x150: {  	s30 =	rddreg [dreg:$0x1e];
	s1 =	sadd.s32 $0x1, s29  }
0x151: {  	p0 =	sne.s32 s1, s30  }
.Ltmp1:
0x152: {  	_ = 	snop;
	(pc) =	sbr.rel @p0 .LBB2_1-.Ltmp1, $3  }
0x153: {  	_ =	sdelay $0x1  }
0x154: {  	s2 =	simm.s32 $0x8C00;
	s3 =	simm.s32 $0x9600;
	[sflag:s31] =	ssyncset.done $0x0  }
0x155: {  	s4 =	simm.s32 $0xA000;
	s5 =	simm.s32 $0xAA00;
	[sflag:s31] =	ssyncadd.s32 $0xFFFFF600  }
0x156: {  	_ =	sfence.sel $0x180000  }
0x157: {  	[bflag:$0x0] =	sbarrier.arrive $0xFFFF  }
0x158: {  	_ =	strace $0x90000047  }
0x159: {  	s0 =	stileid.u32;
	[bflag:$0x2] =	sbarrier.arrive $0xFFFF  }
0x15a: {  	p0 =	sne.s32 s0, $0x0;
	s0 =	rddreg [dreg:$0x2]  }
0x15b: {  	s0 =	sadd.s32 @!p0 $0x100000, s0  }
0x15c: {  	[sflag:s0] =	ssyncadd.tile.s32 @!p0 $0x1;
	_ =	shalt  }
.Lfunc_end2:
_tile_overlayer_lowered:
.L_overlay_start_2:
0x15d: {  	(tag) =	ssettag $0x2  }
0x15e: {  	s0 =	rddreg [dreg:$0x0];
	s2 =	stileid.u32  }
0x15f: {  	s1 =	rddreg [dreg:$0x1];
	p0 =	sne.s32 s2, $0x0  }
0x160: {  	s3 =	rddreg [dreg:$0x2];
	[bflag:$0x3] =	sbarrier.arrive $0xFFFF;
	s2 =	simm.s32 @!p0 $0x1C11  }
0x161: {  	[timem:s3], [sflag:s2] =	dma.local @!p0 [hbm:s0], s1  }
0x162: {  	s0 =	simm.s32 @!p0 $0x11  }
0x163: {  	_ =	swait.ge @!p0 [sflag:s0], s1  }
0x164: {  	s1 =	ssub.s32 @!p0 $0x0, s1;
	[sflag:s0] =	ssyncset.done @!p0 $0x0  }
0x165: {  	[sflag:s0] =	ssyncadd.s32 @!p0 s1  }
0x166: {  	[bflag:$0x3] =	sbarrier.arrive $0xFFFF  }
0x167: {  	_ =	shalt  }

// kernel: sparse-core-data-format-call.cloned.1.call-start
scs
called_computation_lowered:
.L_overlay_start_0:
0x0: {  	s2 =	sld [smem:$0x3FD9]  }
0x1: {  	s3 =	sld [smem:$0x3FFE];
	_ =	sdelay $0x1  }
0x2: {  	s1 =	srdreg.scid  }
0x3: {  	s0 =	sand.u32 $0x1, s1  }
0x4: {  	s18 =	sshll.u32 s0, $0xA;
	s2 =	sadd.s32 s3, s2  }
0x5: {  	s2 =	sadd.s32 s2, s18  }
0x6: {  	[smem:$0x3FC6] =	sst s2  }
0x7: {  	_ = 	snop  }
0x8: {  	s2 =	sld [smem:$0x3FD0];
	(tm) =	ssettm $0x1  }
0x9: {  	s19 =	sld [smem:$0x3FFB];
	_ =	sdelay $0x3  }
0xa: {  	_ =	strace s19  }
0xb: {  	s3 =	sld [smem:$0x3FFC];
	_ =	sdelay $0x3  }
0xc: {  	_ =	strace s3  }
0xd: {  	s3 =	sld [smem:$0x3FFD];
	_ =	sdelay $0x3  }
0xe: {  	_ =	strace s3  }
0xf: {  	_ =	strace $0x8FFFFFFF  }
0x10: {  	s20 =	sld [smem:$0x3FDB];
	_ =	sdelay $0x1  }
0x11: {  	s4 =	simm.s32 $_scs_section_size  }
0x12: {  	s5 =	simm.s32 $_size__tile_overlayer_lowered;
	s6 =	simm.s32 $_tile_overlayer_lowered  }
0x13: {  	s23 =	simm.s32 $0x1BFF;
	s22 =	sshll.u32 s6, $0x1;
	s3 =	sadd.s32 s4, s20  }
0x14: {  	s7 =	simm.s32 $0x0;
	s21 =	sshll.u32 s5, $0x1;
	s5 =	sadd.s32 s22, s3  }
0x15: {  	[timem:s7], [sflag:s23] =	dma.local [hbm:s5], s21  }
0x16: {  	_ =	swait.ge [sflag:s23], s21  }
0x17: {  	s4 =	ssub.s32 $0x0, s21;
	[sflag:s23] =	ssyncset.done $0x0  }
0x18: {  	[sflag:s23] =	ssyncadd.s32 s4;
	_ =	sdelay $0x1  }
0x19: {  	s24 =	simm.s32 $0x1B8B  }
0x1a: {  	_ =	swait.ge [sflag:s24], $0x1  }
0x1b: {  	[sflag:s24] =	ssyncset.done $0x0  }
0x1c: {  	s26 =	simm.s32 $0x1B8E;
	s25 =	sld [smem:$0x3FFE];
	[sflag:s24] =	ssyncadd.s32 $0xFFFFFFFF  }
0x1d: {  	s27 =	simm.s32 $execute0_lowered;
	[smem:$0x3FD2] =	sst s26  }
0x1e: {  	s5 =	sshll.u32 s27, $0x1;
	_ =	strace $0x80000049;
	[dreg:$0x1] =	wrdreg $0xFFFFFFFF  }
0x1f: {  	s28 =	simm.s32 $_size_execute0_lowered;
	s3 =	sadd.s32 s3, s5;
	[dreg:$0x0] =	wrdreg $0x0  }
0x20: {  	s5 =	sshll.u32 s28, $0x1;
	[dreg:$0x2] =	wrdreg s3  }
0x21: {  	[dreg:$0x3] =	wrdreg s5  }
0x22: {  	[dreg:$0x4] =	wrdreg $0xC0  }
0x23: {  	_ =	task [dreg:s7], $0x5FFFF  }
0x24: {  	[dreg:$0x1] =	wrdreg $0xFFFFFFFF  }
0x25: {  	[dreg:$0x0] =	wrdreg $0x60  }
0x26: {  	[dreg:$0x2] =	wrdreg s25  }
0x27: {  	[dreg:$0x3] =	wrdreg s2  }
0x28: {  	[dreg:$0x4] =	wrdreg $0x9  }
0x29: {  	_ =	task.clear_ibuf [dreg:s7], $0x5FFFF;
	_ =	strace $0x90000049  }
0x2a: {  	s29 =	simm.s32 $0x9;
	_ =	strace $0x8000004B  }
0x2b: {  	_ =	swait.ge [sflag:s29], $0x1  }
0x2c: {  	[sflag:s29] =	ssyncadd.s32 $0xFFFFFFFF  }
0x2d: {  	_ =	strace $0x9000004B  }
0x2e: {  	_ =	sfence  }
0x2f: {  	s30 =	sld [smem:$0x0];
	_ =	sdelay $0x2  }
0x30: {  	s31 =	sshll.u32 s1, $0xD;
	s1 =	sshrl.u32 s1, $0x2  }
0x31: {  	s3 =	sand.u32 $0x4000, s31;
	s1 =	sadd.s32 s1, s30  }
0x32: {  	s0 =	sor.u32 s3, s0;
	s1 =	sshll.u32 s1, $0x11  }
0x33: {  	s0 =	sor.u32 s1, s0  }
0x34: {  	s0 =	sadd.s32 $0x8F2B, s0  }
0x35: {  	[sflag:s0] =	ssyncadd.remote.s32 $0x1  }
0x36: {  	_ =	sfence.sel $0xFFFF  }
0x37: {  	[dreg:$0x0] =	wrdreg $0xFFFFFFFF;
	(pc) =	sbr.abs _section_cstart, $3  }
0x38: {  	[dreg:$0x1] =	wrdreg $0xFFFFFFFF  }
0x39: {  	_ =	task.clear_ibuf [dreg:s7], $0x2FFFF;
	_ =	strace $0x9FFFFFFF  }
0x3a: {  	(tm) =	ssettm $0x7FFFFFFF  }
0x3b: {  	_ =	shalt  }
tec
execute0_lowered:
.L_overlay_start_1:
0x0: {  	(tag) =	ssettag $0x1  }
0x1: {  	s0 =	srdreg.scid  }
0x2: {  	s1 =	sshll.u32 s0, $0x4  }
0x3: {  	s0 =	stileid.u32;
	s1 =	sand.u32 $0x10, s1  }
0x4: {  	s1 =	sor.u32 s0, s1  }
0x5: {  	s6 =	rddreg [dreg:$0x0];
	s4 =	simm.s32 $0x1;
	s2 =	sshll.u32 s1, $0x7  }
0x6: {  	s7 =	simm.s32 $0x2;
	s12 =	simm.s32 $0x0;
	s1 =	ssub.s32 $0x1000, s2  }
0x7: {  	s8 =	simm.s32 $0x8000;
	s13 =	simm.s32 $0x0;
	s3 =	sand.u32 $0xF80, s1  }
0x8: {  	s9 =	simm.s32 $0x0;
	s5 =	sshrl.u32 s1, $0xC;
	p0 =	sne.s32 s3, $0x0  }
.Ltmp0:
0x9: {  	s1 =	rddreg [dreg:$0x2];
	s4 =	simm.s32 @!p0 $0x0;
	(pc) =	sbr.rel .LBB1_1-.Ltmp0, $4  }
0xa: {  	s11 =	simm.s32 $0x0;
	s3 =	rddreg [dreg:$0x1];
	s5 =	sadd.s32 s4, s5  }
0xb: {  	_ =	strace $0x8000004A;
	s4 =	simm.s32 $0x1;
	s5 =	smul.u32 $0xC8, s5  }
0xc: {  	s6 =	sadd.s32 $0xA00, s6;
	s10 =	smov.u32 s2;
	[sflag:s4] =	ssyncpa.u1 $0x0  }
0xd: {  	p0 =	por $0x0, $0x0;
	[sflag:s7] =	ssyncpa.u1 $0x0;
	s7 =	sor.u32 $0x1, s5  }
.LBB1_4:
0xe: {  	s16 =	sshll.u32 s13, $0x3;
	s17 =	sand.u32 $0x78, s13  }
0xf: {  	s30 =	sand.u32 $0x7E00, s13;
	s12 =	sshll.u32 s12, $0xF;
	s16 =	sand.u32 $0xC00, s16  }
0x10: {  	[tilespmem:s15+$0x810 ss:$0x81] =	vst.msk $0xffff, v2;
	s31 =	sand.u32 $0x7, s13;
	s16 =	sor.u32 s17, s16;
	s17 =	sadd.s32 s3, s30  }
0x11: {  	[tilespmem:s15+$0x1020 ss:$0x81] =	vst.msk $0xffff, v0;
	s13 =	sshll.u32 s31, $0x12;
	s12 =	sadd.s32 s12, s17;
	s16 =	sshrl.u32 s16, $0x3  }
0x12: {  	[tilespmem:s15+$0x0 ss:$0x81] =	vst.msk $0xffff, v1;
	s13 =	sor.u32 $0x400, s13;
	s12 =	sadd.s32 s16, s12  }
0x13: {  	[hbm4b:s12+s13] =	stream.strided.scatter [tilespmem:s14], [sflag:$0x2], $0x2000, s8, s13, $0x20;
	[tilespmem:$0x8080] =	vst v63  }
.LBB1_5:
0x14: {  	s14 =	sadd.s32 $0x1, s9  }
0x15: {  	s12 =	sadd.s32 $0x1000, s10;
	s16 =	smov.u32 s10;
	p2 =	sgt.s32 s14, $0xC7  }
0x16: {  	s16 =	smov.u32 @p2 s12  }
0x17: {  	s14 =	simm.s32 @p2 $0x0;
	p2 =	sgt.s32 s16, $0xFFF  }
0x18: {  	s16 =	smov.u32 @p2 s2;
	p2 =	sne.s32 s11, s7  }
.Ltmp1:
0x19: {  	p1 =	slt.u32 s11, $0x2;
	(pc) =	sbr.rel @!p2 .LBB1_6-.Ltmp1, $4  }
0x1a: {  	s15 =	simm.s32 @!p1 $0x2  }
0x1b: {  	s13 =	smov.u32 s10;
	p0 =	por !p0, !p0;
	_ =	swait.ge @!p1 [sflag:s15], $0x2000  }
0x1c: {  	s12 =	smov.u32 s9;
	[sflag:s15] =	ssyncset.done @!p1 $0x0;
	s9 =	smov.u32 s14  }
0x1d: {  	s11 =	sadd.s32 $0x1, s11;
	[sflag:s15] =	ssyncadd.s32 @!p1 $0xFFFFE000;
	s10 =	smov.u32 s16  }
.LBB1_1:
0x1e: {  	p1 =	sge.u32 s11, s5  }
0x1f: {  	s14 =	sand.u32 @!p1 $0x1FFFFFF, s9  }
0x20: {  	s15 =	smulhi.u32 @!p1 $0x147AE15, s14;
	_ =	sdelay $0x1  }
0x21: {  	s15 =	smul.u32 @!p1 $0xC8, s15  }
0x22: {  	s16 =	sxor.u32 @!p1 $0xFFFFFFFF, s11;
	s17 =	smul.u32 @!p1 $0xC80, s10  }
0x23: {  	s31 =	sadd.s32 $0xFFFFFFFF, s11;
	s16 =	sshll.u32 @!p1 s16, $0xD;
	s14 =	ssub.s32 @!p1 s14, s15  }
0x24: {  	s15 =	sand.u32 @!p1 $0x2000, s16;
	s16 =	sadd.s32 @!p1 s6, s17;
	s14 =	sshll.u32 @!p1 s14, $0x4  }
0x25: {  	s17 =	simm.s32 @!p1 $0x6400;
	s14 =	sadd.s32 @!p1 s14, s16;
	s16 =	simm.s32 @!p1 $0x40  }
0x26: {  	[tilespmem:s15], [sflag:$0x1] =	stream.strided.gather @!p1 [hbm4b:s14+s16], $0x2000, s17, s16, $0x38;
	[tilespmem:$0x8080] =	vst v63  }
0x27: {  	p1 =	sge.u32 s31, s5  }
.Ltmp2:
0x28: {  	_ = 	snop;
	(pc) =	sbr.rel @p1 .LBB1_5-.Ltmp2, $1  }
0x29: {  	_ =	sdelay $0x3  }
0x2a: {  	s14 =	simm.s32 $0x1  }
0x2b: {  	_ =	swait.ge [sflag:s4], $0x2000;
	s14 =	simm.s32 @!p0 $0x0  }
0x2c: {  	[sflag:s4] =	ssyncset.done $0x0;
	s15 =	sshll.u32 s14, $0xD  }
0x2d: {  	[sflag:s4] =	ssyncadd.s32 $0xFFFFE000;
	s18 =	sor.u32 $0x20, s15  }
0x2e: {  	s14 =	smul.u32 $0x8100, s14;
	v3 =	vld [tilespmem:s18+$0x10]  }
0x2f: {  	s30 =	sand.u32 $0x1, s11;
	v2 =	vld [tilespmem:s18+$0xFFFFFFF0]  }
0x30: {  	s15 =	smul.u32 $0x8100, s30;
	s14 =	sshrl.u32 s14, $0x2;
	v0 =	vld [tilespmem:s18+$0x0]  }
0x31: {  	v1 =	vld [tilespmem:s18+$0xFFFFFFE0];
	s16 =	sor.u32 $0x4000, s14  }
0x32: {  	s31 =	sshrl.u32 s15, $0x2;
	s15 =	sadd.s32 $0x0, s16  }
0x33: {  	s17 =	simm.s32 $0x4;
	s18 =	sadd.s32 $0x40, s18;
	s14 =	sor.u32 $0x4000, s31;
	[tilespmem:s15+$0x1830 ss:$0x81] =	vst.msk $0xffff, v3  }
.LBB1_3:
0x34: {  	v3 =	vld [tilespmem:s18+$0x10];
	p1 =	sne.s32 s17, $0x1FC;
	[tilespmem:s15+$0x810 ss:$0x81] =	vst.msk $0xffff, v2;
	s19 =	smov.u32 s17;
	s17 =	sadd.s32 $0x4, s17  }
.Ltmp3:
0x35: {  	v2 =	vld [tilespmem:s18+$0xFFFFFFF0];
	[tilespmem:s15+$0x1020 ss:$0x81] =	vst.msk $0xffff, v0;
	(pc) =	sbr.rel @p1 .LBB1_3-.Ltmp3, $4  }
0x36: {  	v0 =	vld [tilespmem:s18+$0x0];
	[tilespmem:s15+$0x0 ss:$0x81] =	vst.msk $0xffff, v1  }
0x37: {  	s15 =	sshra.s32 s19, $0x2;
	v1 =	vld [tilespmem:s18+$0xFFFFFFE0]  }
0x38: {  	s15 =	sadd.s32 s15, s16  }
0x39: {  	s18 =	sadd.s32 $0x40, s18;
	[tilespmem:s15+$0x1830 ss:$0x81] =	vst.msk $0xffff, v3  }
.Ltmp4:
0x3a: {  	_ = 	snop;
	(pc) =	sbr.rel .LBB1_4-.Ltmp4, $1  }
0x3b: {  	_ =	sdelay $0x3  }
.LBB1_6:
0x3c: {  	_ =	sfence.sel $0x180000  }
0x3d: {  	s2 =	simm.s32 $0x1;
	[bflag:$0x0] =	sbarrier.arrive $0xFFFF  }
0x3e: {  	s31 =	simm.s32 $0x2;
	[sflag:s2] =	ssyncpa.u1 $0x1  }
0x3f: {  	[sflag:s31] =	ssyncpa.u1 $0x1  }
0x40: {  	p0 =	sne.s32 s0, $0x0;
	_ =	strace $0x9000004A  }
0x41: {  	s0 =	sadd.s32 @!p0 $0x100000, s1;
	[bflag:$0x2] =	sbarrier.arrive $0xFFFF  }
0x42: {  	[sflag:s0] =	ssyncadd.tile.s32 @!p0 $0x1;
	_ =	shalt  }
.Lfunc_end1:
_tile_overlayer_lowered:
.L_overlay_start_2:
0x43: {  	(tag) =	ssettag $0x2  }
0x44: {  	s0 =	rddreg [dreg:$0x0];
	s2 =	stileid.u32  }
0x45: {  	s1 =	rddreg [dreg:$0x1];
	p0 =	sne.s32 s2, $0x0  }
0x46: {  	s3 =	rddreg [dreg:$0x2];
	[bflag:$0x3] =	sbarrier.arrive $0xFFFF;
	s2 =	simm.s32 @!p0 $0x1C01  }
0x47: {  	[timem:s3], [sflag:s2] =	dma.local @!p0 [hbm:s0], s1  }
0x48: {  	s0 =	simm.s32 @!p0 $0x1  }
0x49: {  	_ =	swait.ge @!p0 [sflag:s0], s1  }
0x4a: {  	s1 =	ssub.s32 @!p0 $0x0, s1;
	[sflag:s0] =	ssyncset.done @!p0 $0x0  }
0x4b: {  	[sflag:s0] =	ssyncadd.s32 @!p0 s1  }
0x4c: {  	[bflag:$0x3] =	sbarrier.arrive $0xFFFF  }
0x4d: {  	_ =	shalt  }

</sc_bundles>
